<compile_context>
chip_gen: v7x
topology: tpu7x:2x2x1
jax: 0.10.2.dev20260603
libtpu: 0.0.44.dev20260713+nightly
codegen_flags: <defaults>
</compile_context>

<pallas_src>
import functools

import numpy as np
import jax
from jax import lax
import jax.numpy as jnp
from jax.experimental import pallas as pl
from jax.experimental.pallas import tpu as pltpu
from jax.experimental.pallas import tpu_sc as plsc

_DIM = 64
_PAD = 128
_SEQ = 200
_BATCH = 4096
_LANES = 16
_NW = 32
_SPW = _BATCH // _NW
_G0 = 104
_G1 = _SEQ - _G0
_ITEMS = _SPW * 2
_RING = 4


def _positional_encoding(length, dim):
    depth = dim / 2
    positions = np.arange(length)[:, np.newaxis]
    depths = np.arange(int(depth))[np.newaxis, :] / depth
    angle_rates = 1 / 10000 ** depths
    angle_rads = positions * angle_rates
    return np.concatenate(
        [np.sin(angle_rads), np.cos(angle_rads)], axis=-1
    ).astype(np.float32)


_POS = _positional_encoding(_SEQ, _DIM).reshape(-1)


@jax.jit
def _embed_sc(x1, table_p, pos):
    mesh = plsc.VectorSubcoreMesh(
        core_axis_name="core", subcore_axis_name="subcore"
    )

    @functools.partial(
        pl.kernel,
        out_type=jax.ShapeDtypeStruct((_BATCH * _SEQ, _DIM), jnp.float32),
        mesh=mesh,
        scratch_types=[
            pltpu.VMEM((_SEQ * _DIM,), jnp.float32),
            pltpu.VMEM((_SPW * _SEQ,), jnp.int32),
            [pltpu.VMEM((_G0, _PAD), jnp.float32) for _ in range(_RING)],
            [pltpu.VMEM((_G0, _DIM), jnp.float32) for _ in range(2)],
            [pltpu.SemaphoreType.DMA for _ in range(_RING)],
            [pltpu.SemaphoreType.DMA for _ in range(2)],
        ],
        compiler_params=pltpu.CompilerParams(use_tc_tiling_on_sc=True),
    )
    def k(x_hbm, table_hbm, pos_hbm, o_hbm,
          pos_v, idx_v, rows, obufs, gsems, osems):
        cid = lax.axis_index("core")
        sid = lax.axis_index("subcore")
        base = (sid * 2 + cid) * _SPW

        pltpu.sync_copy(pos_hbm, pos_v)
        pltpu.sync_copy(x_hbm.at[pl.ds(base * _SEQ, _SPW * _SEQ)], idx_v)

        def gather_desc(seq, half, b):
            n = _G0 if half == 0 else _G1
            i0 = seq * _SEQ + half * _G0
            return pltpu.make_async_copy(
                table_hbm.at[idx_v.at[pl.ds(i0, n)]],
                rows[b].at[pl.ds(0, n)],
                gsems[b],
            )

        def out_desc(seq, half):
            n = _G0 if half == 0 else _G1
            row0 = (base + seq) * _SEQ + half * _G0
            return pltpu.make_async_copy(
                obufs[half].at[pl.ds(0, n)],
                o_hbm.at[pl.ds(row0, n)],
                osems[half],
            )

        def compute(half, b):
            n = _G0 if half == 0 else _G1
            t0 = half * _G0
            src = rows[b]
            dst = obufs[half]

            @plsc.parallel_loop(0, n, step=2, unroll=8)
            def _(r):
                for rr in range(2):
                    row_s = src.at[r + rr]
                    row_d = dst.at[r + rr]
                    p0 = (t0 + r + rr) * _DIM
                    for c in range(0, _DIM, _LANES):
                        row_d.at[pl.ds(c, _LANES)][...] = (
                            row_s.at[pl.ds(c, _LANES)][...] * 8.0
                            + pos_v.at[pl.ds(p0 + c, _LANES)][...]
                        )

        gather_desc(0, 0, 0).start()
        gather_desc(0, 1, 1).start()
        gather_desc(1, 0, 2).start()

        @pl.loop(0, _ITEMS, step=_RING)
        def _(j):
            seq0 = j // 2
            for b in range(_RING):
                half = b % 2
                seq = seq0 + b // 2
                gather_desc(seq, half, b).wait()
                if b < 2:
                    @pl.when(j > 0)
                    def _():
                        out_desc(seq - 1, half).wait()
                else:
                    out_desc(seq - 1, half).wait()
                compute(half, b)
                out_desc(seq, half).start()

                q3 = j + b + 3

                @pl.when(q3 < _ITEMS)
                def _():
                    gather_desc(
                        j // 2 + (b + 3) // 2, (b + 3) % 2, (b + 3) % _RING
                    ).start()

        out_desc(_SPW - 1, 0).wait()
        out_desc(_SPW - 1, 1).wait()

    return k(x1, table_p, pos)


def kernel(x, table):
    x1 = x.astype(jnp.int32).reshape(-1)
    table_p = jnp.pad(table, ((0, 0), (0, _PAD - _DIM)))
    out = _embed_sc(x1, table_p, jnp.asarray(_POS))
    return out.reshape(_BATCH, _SEQ, _DIM)

# --- scband reference (transcript-rebuilt; emitter-appended) ---
"""Pipeline reference for scband-positional-embedding-6751688589657 (READ-ONLY COPY).

The authoritative reference and input builder live on the scoring server;
editing this copy changes nothing except your own understanding.
"""

import jax, jax.numpy as jnp
import numpy as np

NUM_CLASSES = 1000000
DIM = 64
MAX_LEN = 2048

def positional_encoding(length, dim):
    depth = dim / 2
    positions = np.arange(length)[:, np.newaxis]
    depths = np.arange(int(depth))[np.newaxis, :] / depth
    angle_rates = 1 / 10000 ** depths
    angle_rads = positions * angle_rates
    pos_encoding = np.concatenate([np.sin(angle_rads), np.cos(angle_rads)], axis=-1)
    return jnp.asarray(pos_encoding, dtype=jnp.float32)

def setup_inputs(seed: int = 0) -> dict:
    key = jax.random.key(seed)
    k1, k2 = jax.random.split(key)
    x = jax.random.randint(k1, (4096, 200), 0, NUM_CLASSES, dtype=jnp.int64)
    table = jax.random.normal(k2, (NUM_CLASSES, DIM), dtype=jnp.float32) * 0.02
    return {"x": x, "table": table}

def reference(x, table):
    pos_enc = positional_encoding(MAX_LEN, DIM)
    length = x.shape[1]
    emb = jnp.take(table, x, axis=0)
    emb = emb * jnp.sqrt(jnp.asarray(DIM, dtype=jnp.float32))
    out = emb + pos_enc[jnp.newaxis, :length, :]
    return out

if __name__ == "__main__":
    import jax
    _d = setup_inputs()
    print(jax.jit(kernel)(*tuple(_d.values())))

</pallas_src>

<mosaic_0001>
#map = affine_map<(d0, d1) -> (0)>
#map1 = affine_map<(d0, d1) -> (0, 0)>
module attributes {stable_mosaic.version = 14 : i64} {
  func.func @k(%arg0: i32, %arg1: i32, %arg2: memref<819200xi32, #tpu.memory_space<hbm>>, %arg3: memref<1000000x128xf32, #tpu.memory_space<hbm>>, %arg4: memref<12800xf32, #tpu.memory_space<hbm>>, %arg5: memref<819200x64xf32, #tpu.memory_space<hbm>>, %arg6: memref<12800xf32, #tpu.memory_space<vmem>>, %arg7: memref<25600xi32, #tpu.memory_space<vmem>>, %arg8: memref<104x128xf32, #tpu.memory_space<vmem>>, %arg9: memref<104x128xf32, #tpu.memory_space<vmem>>, %arg10: memref<104x128xf32, #tpu.memory_space<vmem>>, %arg11: memref<104x128xf32, #tpu.memory_space<vmem>>, %arg12: memref<104x64xf32, #tpu.memory_space<vmem>>, %arg13: memref<104x64xf32, #tpu.memory_space<vmem>>, %arg14: memref<!tpu.dma_semaphore, #tpu.memory_space<semaphore_mem>>, %arg15: memref<!tpu.dma_semaphore, #tpu.memory_space<semaphore_mem>>, %arg16: memref<!tpu.dma_semaphore, #tpu.memory_space<semaphore_mem>>, %arg17: memref<!tpu.dma_semaphore, #tpu.memory_space<semaphore_mem>>, %arg18: memref<!tpu.dma_semaphore, #tpu.memory_space<semaphore_mem>>, %arg19: memref<!tpu.dma_semaphore, #tpu.memory_space<semaphore_mem>>) attributes {dimension_semantics = [#tpu.dimension_semantics<core_parallel>, #tpu.dimension_semantics<subcore_parallel>], iteration_bounds = array<i64: 2, 16>, scalar_prefetch = 0 : i64, scratch_operands = 14 : i64, tpu.core_type = #tpu.core_type<sc_vector_subcore>, window_params = [{transform_indices = #map}, {transform_indices = #map1}, {transform_indices = #map}, {transform_indices = #map1}]} {
    %mul3A = arith.constant 2 : i32
    %mul3A_0 = arith.muli %arg1, %mul3A : i32
    %add3A = arith.addi %mul3A_0, %arg0 : i32
    %mul3A_1 = arith.constant 128 : i32
    %mul3A_2 = arith.muli %add3A, %mul3A_1 : i32
    "tpu.region"() ({
      %run_scoped3A = tpu.sem_alloc : memref<!tpu.dma_semaphore, #tpu.memory_space<semaphore_mem>>
      tpu.enqueue_dma source(%arg4 : memref<12800xf32, #tpu.memory_space<hbm>>) target(%arg6 : memref<12800xf32, #tpu.memory_space<vmem>>) target_semaphore(%run_scoped3A : memref<!tpu.dma_semaphore, #tpu.memory_space<semaphore_mem>>)
      tpu.wait_dma2 semaphore(%run_scoped3A : memref<!tpu.dma_semaphore, #tpu.memory_space<semaphore_mem>>) src(%arg4 : memref<12800xf32, #tpu.memory_space<hbm>>) dst(%arg6 : memref<12800xf32, #tpu.memory_space<vmem>>)
      tpu.yield
    }) : () -> ()
    %mul3A_3 = arith.constant 200 : i32
    %mul3A_4 = arith.muli %mul3A_2, %mul3A_3 : i32
    "tpu.region"() ({
      %run_scoped3A = tpu.sem_alloc : memref<!tpu.dma_semaphore, #tpu.memory_space<semaphore_mem>>
      %dma_start3A_63 = tpu.memref_slice %arg2[%mul3A_4] : memref<819200xi32, #tpu.memory_space<hbm>> -> memref<25600xi32, #tpu.memory_space<hbm>>
      %dma_start3A_64 = tpu.memref_slice %arg2[%mul3A_4] : memref<819200xi32, #tpu.memory_space<hbm>> -> memref<25600xi32, #tpu.memory_space<hbm>>
      tpu.enqueue_dma source(%dma_start3A_64 : memref<25600xi32, #tpu.memory_space<hbm>>) target(%arg7 : memref<25600xi32, #tpu.memory_space<vmem>>) target_semaphore(%run_scoped3A : memref<!tpu.dma_semaphore, #tpu.memory_space<semaphore_mem>>)
      %dma_wait3A_65 = tpu.memref_slice %arg2[%mul3A_4] : memref<819200xi32, #tpu.memory_space<hbm>> -> memref<25600xi32, #tpu.memory_space<hbm>>
      %dma_wait3A_66 = tpu.memref_slice %arg2[%mul3A_4] : memref<819200xi32, #tpu.memory_space<hbm>> -> memref<25600xi32, #tpu.memory_space<hbm>>
      tpu.wait_dma2 semaphore(%run_scoped3A : memref<!tpu.dma_semaphore, #tpu.memory_space<semaphore_mem>>) src(%dma_wait3A_66 : memref<25600xi32, #tpu.memory_space<hbm>>) dst(%arg7 : memref<25600xi32, #tpu.memory_space<vmem>>)
      tpu.yield
    }) : () -> ()
    %dma_start3A = arith.constant 0 : i32
    %dma_start3A_5 = arith.constant 0 : i32
    %dma_start3A_6 = tpu.memref_slice %arg8[%dma_start3A, %dma_start3A_5] : memref<104x128xf32, #tpu.memory_space<vmem>> -> memref<104x128xf32, #tpu.memory_space<vmem>>
    %dma_start3A_7 = arith.constant 0 : i32
    %dma_start3A_8 = tpu.memref_slice %arg7[%dma_start3A_7] : memref<25600xi32, #tpu.memory_space<vmem>> -> memref<104xi32, #tpu.memory_space<vmem>>
    %dma_start3A_9 = arith.constant 0 : i32
    %dma_start3A_10 = arith.constant 0 : i32
    %dma_start3A_11 = tpu.memref_slice %arg3[%dma_start3A_9, %dma_start3A_10] : memref<1000000x128xf32, #tpu.memory_space<hbm>> -> memref<1000000x128xf32, #tpu.memory_space<hbm>>
    tpu.enqueue_indirect_dma source(%dma_start3A_11 : memref<1000000x128xf32, #tpu.memory_space<hbm>>) target(%dma_start3A_6 : memref<104x128xf32, #tpu.memory_space<vmem>>) offsets(%dma_start3A_8 : memref<104xi32, #tpu.memory_space<vmem>>) semaphore(%arg14 : memref<!tpu.dma_semaphore, #tpu.memory_space<semaphore_mem>>)
    %dma_start3A_12 = arith.constant 0 : i32
    %dma_start3A_13 = arith.constant 0 : i32
    %dma_start3A_14 = tpu.memref_slice %arg9[%dma_start3A_12, %dma_start3A_13] : memref<104x128xf32, #tpu.memory_space<vmem>> -> memref<96x128xf32, #tpu.memory_space<vmem>>
    %dma_start3A_15 = arith.constant 104 : i32
    %dma_start3A_16 = tpu.memref_slice %arg7[%dma_start3A_15] : memref<25600xi32, #tpu.memory_space<vmem>> -> memref<96xi32, #tpu.memory_space<vmem>>
    %dma_start3A_17 = arith.constant 0 : i32
    %dma_start3A_18 = arith.constant 0 : i32
    %dma_start3A_19 = tpu.memref_slice %arg3[%dma_start3A_17, %dma_start3A_18] : memref<1000000x128xf32, #tpu.memory_space<hbm>> -> memref<1000000x128xf32, #tpu.memory_space<hbm>>
    tpu.enqueue_indirect_dma source(%dma_start3A_19 : memref<1000000x128xf32, #tpu.memory_space<hbm>>) target(%dma_start3A_14 : memref<96x128xf32, #tpu.memory_space<vmem>>) offsets(%dma_start3A_16 : memref<96xi32, #tpu.memory_space<vmem>>) semaphore(%arg15 : memref<!tpu.dma_semaphore, #tpu.memory_space<semaphore_mem>>)
    %dma_start3A_20 = arith.constant 0 : i32
    %dma_start3A_21 = arith.constant 0 : i32
    %dma_start3A_22 = tpu.memref_slice %arg10[%dma_start3A_20, %dma_start3A_21] : memref<104x128xf32, #tpu.memory_space<vmem>> -> memref<104x128xf32, #tpu.memory_space<vmem>>
    %dma_start3A_23 = arith.constant 200 : i32
    %dma_start3A_24 = tpu.memref_slice %arg7[%dma_start3A_23] : memref<25600xi32, #tpu.memory_space<vmem>> -> memref<104xi32, #tpu.memory_space<vmem>>
    %dma_start3A_25 = arith.constant 0 : i32
    %dma_start3A_26 = arith.constant 0 : i32
    %dma_start3A_27 = tpu.memref_slice %arg3[%dma_start3A_25, %dma_start3A_26] : memref<1000000x128xf32, #tpu.memory_space<hbm>> -> memref<1000000x128xf32, #tpu.memory_space<hbm>>
    tpu.enqueue_indirect_dma source(%dma_start3A_27 : memref<1000000x128xf32, #tpu.memory_space<hbm>>) target(%dma_start3A_22 : memref<104x128xf32, #tpu.memory_space<vmem>>) offsets(%dma_start3A_24 : memref<104xi32, #tpu.memory_space<vmem>>) semaphore(%arg16 : memref<!tpu.dma_semaphore, #tpu.memory_space<semaphore_mem>>)
    %scan3A = arith.constant 0 : i32
    %scan3A_28 = arith.constant 64 : i32
    %scan3A_29 = arith.addi %scan3A, %scan3A_28 : i32
    %scan3A_30 = arith.constant 1 : i32
    scf.for %scan3A_63 = %scan3A to %scan3A_29 step %scan3A_30  : i32 {
      %mul3A_64 = arith.constant 4 : i32
      %mul3A_65 = arith.muli %scan3A_63, %mul3A_64 : i32
      %add3A_66 = arith.constant 0 : i32
      %add3A_67 = arith.addi %add3A_66, %mul3A_65 : i32
      %jit3A = arith.constant 2 : i32
      %div3A = arith.divsi %add3A_67, %jit3A : i32
      %sign3A = arith.constant 0 : i32
      %sign3A_68 = arith.cmpi sgt, %add3A_67, %sign3A : i32
      %sign3A_69 = arith.extui %sign3A_68 : i1 to i32
      %sign3A_70 = arith.constant 0 : i32
      %sign3A_71 = arith.cmpi slt, %add3A_67, %sign3A_70 : i32
      %sign3A_72 = arith.extui %sign3A_71 : i1 to i32
      %sign3A_73 = arith.subi %sign3A_69, %sign3A_72 : i32
      %sign3A_74 = arith.constant 0 : i32
      %sign3A_75 = arith.cmpi sgt, %jit3A, %sign3A_74 : i32
      %sign3A_76 = arith.extui %sign3A_75 : i1 to i32
      %sign3A_77 = arith.constant 0 : i32
      %sign3A_78 = arith.cmpi slt, %jit3A, %sign3A_77 : i32
      %sign3A_79 = arith.extui %sign3A_78 : i1 to i32
      %sign3A_80 = arith.subi %sign3A_76, %sign3A_79 : i32
      %ne3A = arith.cmpi ne, %sign3A_73, %sign3A_80 : i32
      %rem3A = arith.remsi %add3A_67, %jit3A : i32
      %ne3A_81 = arith.constant 0 : i32
      %ne3A_82 = arith.cmpi ne, %rem3A, %ne3A_81 : i32
      %and3A = arith.andi %ne3A, %ne3A_82 : i1
      %sub3A = arith.constant 1 : i32
      %sub3A_83 = arith.subi %div3A, %sub3A : i32
      %select_n3A = arith.select %and3A, %sub3A_83, %div3A : i32
      %add3A_84 = arith.constant 0 : i32
      %add3A_85 = arith.addi %select_n3A, %add3A_84 : i32
      %mul3A_86 = arith.constant 200 : i32
      %mul3A_87 = arith.muli %add3A_85, %mul3A_86 : i32
      %add3A_88 = arith.constant 0 : i32
      %add3A_89 = arith.addi %mul3A_87, %add3A_88 : i32
      %dma_wait3A_90 = arith.constant 0 : i32
      %dma_wait3A_91 = arith.constant 0 : i32
      %dma_wait3A_92 = tpu.memref_slice %arg8[%dma_wait3A_90, %dma_wait3A_91] : memref<104x128xf32, #tpu.memory_space<vmem>> -> memref<104x128xf32, #tpu.memory_space<vmem>>
      %dma_wait3A_93 = tpu.memref_slice %arg7[%add3A_89] : memref<25600xi32, #tpu.memory_space<vmem>> -> memref<104xi32, #tpu.memory_space<vmem>>
      %dma_wait3A_94 = arith.constant 0 : i32
      %dma_wait3A_95 = arith.constant 0 : i32
      %dma_wait3A_96 = tpu.memref_slice %arg3[%dma_wait3A_94, %dma_wait3A_95] : memref<1000000x128xf32, #tpu.memory_space<hbm>> -> memref<1000000x128xf32, #tpu.memory_space<hbm>>
      tpu.wait_indirect_dma semaphore(%arg14 : memref<!tpu.dma_semaphore, #tpu.memory_space<semaphore_mem>>) src(%dma_wait3A_96 : memref<1000000x128xf32, #tpu.memory_space<hbm>>) dst(%dma_wait3A_92 : memref<104x128xf32, #tpu.memory_space<vmem>>)
      %gt3A = arith.constant 0 : i32
      %gt3A_97 = arith.cmpi sgt, %add3A_67, %gt3A : i32
      %convert_element_type3A = arith.extui %gt3A_97 : i1 to i32
      %cond3A = arith.constant 0 : i32
      %cond3A_98 = arith.cmpi ne, %convert_element_type3A, %cond3A : i32
      scf.if %cond3A_98 {
        %sub3A_283 = arith.constant 1 : i32
        %sub3A_284 = arith.subi %add3A_85, %sub3A_283 : i32
        %add3A_285 = arith.addi %mul3A_2, %sub3A_284 : i32
        %mul3A_286 = arith.constant 200 : i32
        %mul3A_287 = arith.muli %add3A_285, %mul3A_286 : i32
        %add3A_288 = arith.constant 0 : i32
        %add3A_289 = arith.addi %mul3A_287, %add3A_288 : i32
        %dma_wait3A_290 = arith.constant 0 : i32
        %dma_wait3A_291 = arith.constant 0 : i32
        %dma_wait3A_292 = tpu.memref_slice %arg12[%dma_wait3A_290, %dma_wait3A_291] : memref<104x64xf32, #tpu.memory_space<vmem>> -> memref<104x64xf32, #tpu.memory_space<vmem>>
        %dma_wait3A_293 = arith.constant 0 : i32
        %dma_wait3A_294 = tpu.memref_slice %arg5[%add3A_289, %dma_wait3A_293] : memref<819200x64xf32, #tpu.memory_space<hbm>> -> memref<104x64xf32, #tpu.memory_space<hbm>>
        %dma_wait3A_295 = arith.constant 0 : i32
        %dma_wait3A_296 = tpu.memref_slice %arg5[%add3A_289, %dma_wait3A_295] : memref<819200x64xf32, #tpu.memory_space<hbm>> -> memref<104x64xf32, #tpu.memory_space<hbm>>
        %dma_wait3A_297 = arith.constant 0 : i32
        %dma_wait3A_298 = arith.constant 0 : i32
        %dma_wait3A_299 = tpu.memref_slice %arg12[%dma_wait3A_297, %dma_wait3A_298] : memref<104x64xf32, #tpu.memory_space<vmem>> -> memref<104x64xf32, #tpu.memory_space<vmem>>
        tpu.wait_dma2 semaphore(%arg18 : memref<!tpu.dma_semaphore, #tpu.memory_space<semaphore_mem>>) src(%dma_wait3A_299 : memref<104x64xf32, #tpu.memory_space<vmem>>) dst(%dma_wait3A_296 : memref<104x64xf32, #tpu.memory_space<hbm>>)
      } else {
      }
      %parallel_loop3A = arith.constant 0 : i32
      %parallel_loop3A_99 = arith.constant 104 : i32
      %parallel_loop3A_100 = arith.constant 2 : i32
      scf.for %parallel_loop3A_283 = %parallel_loop3A to %parallel_loop3A_99 step %parallel_loop3A_100  : i32 {
        %parallel_loop3A_284 = arith.constant 0 : i32
        %parallel_loop3A_285 = arith.addi %parallel_loop3A_283, %parallel_loop3A_284 : i32
        %parallel_loop3A_286 = arith.constant 0 : i32
        %parallel_loop3A_287 = arith.addi %parallel_loop3A_283, %parallel_loop3A_286 : i32
        %parallel_loop3A_288 = arith.constant 0 : i32
        %parallel_loop3A_289 = arith.addi %parallel_loop3A_288, %parallel_loop3A_283 : i32
        %parallel_loop3A_290 = arith.constant 0 : i32
        %parallel_loop3A_291 = arith.addi %parallel_loop3A_289, %parallel_loop3A_290 : i32
        %parallel_loop3A_292 = arith.constant 64 : i32
        %parallel_loop3A_293 = arith.muli %parallel_loop3A_291, %parallel_loop3A_292 : i32
        %parallel_loop3A_294 = arith.constant 0 : i32
        %parallel_loop3A_295 = tpu.memref_slice %arg8[%parallel_loop3A_285, %parallel_loop3A_294] : memref<104x128xf32, #tpu.memory_space<vmem>> -> memref<1x128xf32, #tpu.memory_space<vmem>>
        %parallel_loop3A_296 = tpu.memref_squeeze %parallel_loop3A_295 : memref<1x128xf32, #tpu.memory_space<vmem>> -> memref<128xf32, #tpu.memory_space<vmem>>
        %parallel_loop3A_297 = arith.constant 0 : index
        %parallel_loop3A_298 = tpu.vector_load %parallel_loop3A_296[%parallel_loop3A_297] {strides = array<i32>} : memref<128xf32, #tpu.memory_space<vmem>>, vector<16xf32>,
        %parallel_loop3A_299 = vector.shape_cast %parallel_loop3A_298 : vector<16xf32> to vector<16xf32>
        %parallel_loop3A_300 = arith.constant 8.000000e+00 : f32
        %parallel_loop3A_301 = vector.broadcast %parallel_loop3A_300 : f32 to vector<16xf32>
        %parallel_loop3A_302 = arith.mulf %parallel_loop3A_299, %parallel_loop3A_301 : vector<16xf32>
        %parallel_loop3A_303 = arith.constant 0 : i32
        %parallel_loop3A_304 = arith.addi %parallel_loop3A_293, %parallel_loop3A_303 : i32
        %parallel_loop3A_305 = arith.index_cast %parallel_loop3A_304 : i32 to index
        %parallel_loop3A_306 = tpu.vector_load %arg6[%parallel_loop3A_305] {strides = array<i32>} : memref<12800xf32, #tpu.memory_space<vmem>>, vector<16xf32>,
        %parallel_loop3A_307 = vector.shape_cast %parallel_loop3A_306 : vector<16xf32> to vector<16xf32>
        %parallel_loop3A_308 = arith.addf %parallel_loop3A_302, %parallel_loop3A_307 : vector<16xf32>
        %parallel_loop3A_309 = arith.constant 0 : i32
        %parallel_loop3A_310 = tpu.memref_slice %arg12[%parallel_loop3A_287, %parallel_loop3A_309] : memref<104x64xf32, #tpu.memory_space<vmem>> -> memref<1x64xf32, #tpu.memory_space<vmem>>
        %parallel_loop3A_311 = tpu.memref_squeeze %parallel_loop3A_310 : memref<1x64xf32, #tpu.memory_space<vmem>> -> memref<64xf32, #tpu.memory_space<vmem>>
        %parallel_loop3A_312 = arith.constant 0 : index
        %parallel_loop3A_313 = tpu.vector_load %parallel_loop3A_311[%parallel_loop3A_312] {strides = array<i32>} : memref<64xf32, #tpu.memory_space<vmem>>, vector<16xf32>,
        %parallel_loop3A_314 = vector.shape_cast %parallel_loop3A_313 : vector<16xf32> to vector<16xf32>
        %parallel_loop3A_315 = vector.shape_cast %parallel_loop3A_308 : vector<16xf32> to vector<16xf32>
        tpu.vector_store %parallel_loop3A_311[%parallel_loop3A_312], %parallel_loop3A_315 {strides = array<i32>} : memref<64xf32, #tpu.memory_space<vmem>>, vector<16xf32>,
        %parallel_loop3A_316 = arith.constant 0 : i32
        %parallel_loop3A_317 = tpu.memref_slice %arg8[%parallel_loop3A_285, %parallel_loop3A_316] : memref<104x128xf32, #tpu.memory_space<vmem>> -> memref<1x128xf32, #tpu.memory_space<vmem>>
        %parallel_loop3A_318 = tpu.memref_squeeze %parallel_loop3A_317 : memref<1x128xf32, #tpu.memory_space<vmem>> -> memref<128xf32, #tpu.memory_space<vmem>>
        %parallel_loop3A_319 = arith.constant 16 : index
        %parallel_loop3A_320 = tpu.vector_load %parallel_loop3A_318[%parallel_loop3A_319] {strides = array<i32>} : memref<128xf32, #tpu.memory_space<vmem>>, vector<16xf32>,
        %parallel_loop3A_321 = vector.shape_cast %parallel_loop3A_320 : vector<16xf32> to vector<16xf32>
        %parallel_loop3A_322 = arith.constant 8.000000e+00 : f32
        %parallel_loop3A_323 = vector.broadcast %parallel_loop3A_322 : f32 to vector<16xf32>
        %parallel_loop3A_324 = arith.mulf %parallel_loop3A_321, %parallel_loop3A_323 : vector<16xf32>
        %parallel_loop3A_325 = arith.constant 16 : i32
        %parallel_loop3A_326 = arith.addi %parallel_loop3A_293, %parallel_loop3A_325 : i32
        %parallel_loop3A_327 = arith.index_cast %parallel_loop3A_326 : i32 to index
        %parallel_loop3A_328 = tpu.vector_load %arg6[%parallel_loop3A_327] {strides = array<i32>} : memref<12800xf32, #tpu.memory_space<vmem>>, vector<16xf32>,
        %parallel_loop3A_329 = vector.shape_cast %parallel_loop3A_328 : vector<16xf32> to vector<16xf32>
        %parallel_loop3A_330 = arith.addf %parallel_loop3A_324, %parallel_loop3A_329 : vector<16xf32>
        %parallel_loop3A_331 = arith.constant 0 : i32
        %parallel_loop3A_332 = tpu.memref_slice %arg12[%parallel_loop3A_287, %parallel_loop3A_331] : memref<104x64xf32, #tpu.memory_space<vmem>> -> memref<1x64xf32, #tpu.memory_space<vmem>>
        %parallel_loop3A_333 = tpu.memref_squeeze %parallel_loop3A_332 : memref<1x64xf32, #tpu.memory_space<vmem>> -> memref<64xf32, #tpu.memory_space<vmem>>
        %parallel_loop3A_334 = arith.constant 16 : index
        %parallel_loop3A_335 = tpu.vector_load %parallel_loop3A_333[%parallel_loop3A_334] {strides = array<i32>} : memref<64xf32, #tpu.memory_space<vmem>>, vector<16xf32>,
        %parallel_loop3A_336 = vector.shape_cast %parallel_loop3A_335 : vector<16xf32> to vector<16xf32>
        %parallel_loop3A_337 = vector.shape_cast %parallel_loop3A_330 : vector<16xf32> to vector<16xf32>
        tpu.vector_store %parallel_loop3A_333[%parallel_loop3A_334], %parallel_loop3A_337 {strides = array<i32>} : memref<64xf32, #tpu.memory_space<vmem>>, vector<16xf32>,
        %parallel_loop3A_338 = arith.constant 0 : i32
        %parallel_loop3A_339 = tpu.memref_slice %arg8[%parallel_loop3A_285, %parallel_loop3A_338] : memref<104x128xf32, #tpu.memory_space<vmem>> -> memref<1x128xf32, #tpu.memory_space<vmem>>
        %parallel_loop3A_340 = tpu.memref_squeeze %parallel_loop3A_339 : memref<1x128xf32, #tpu.memory_space<vmem>> -> memref<128xf32, #tpu.memory_space<vmem>>
        %parallel_loop3A_341 = arith.constant 32 : index
        %parallel_loop3A_342 = tpu.vector_load %parallel_loop3A_340[%parallel_loop3A_341] {strides = array<i32>} : memref<128xf32, #tpu.memory_space<vmem>>, vector<16xf32>,
        %parallel_loop3A_343 = vector.shape_cast %parallel_loop3A_342 : vector<16xf32> to vector<16xf32>
        %parallel_loop3A_344 = arith.constant 8.000000e+00 : f32
        %parallel_loop3A_345 = vector.broadcast %parallel_loop3A_344 : f32 to vector<16xf32>
        %parallel_loop3A_346 = arith.mulf %parallel_loop3A_343, %parallel_loop3A_345 : vector<16xf32>
        %parallel_loop3A_347 = arith.constant 32 : i32
        %parallel_loop3A_348 = arith.addi %parallel_loop3A_293, %parallel_loop3A_347 : i32
        %parallel_loop3A_349 = arith.index_cast %parallel_loop3A_348 : i32 to index
        %parallel_loop3A_350 = tpu.vector_load %arg6[%parallel_loop3A_349] {strides = array<i32>} : memref<12800xf32, #tpu.memory_space<vmem>>, vector<16xf32>,
        %parallel_loop3A_351 = vector.shape_cast %parallel_loop3A_350 : vector<16xf32> to vector<16xf32>
        %parallel_loop3A_352 = arith.addf %parallel_loop3A_346, %parallel_loop3A_351 : vector<16xf32>
        %parallel_loop3A_353 = arith.constant 0 : i32
        %parallel_loop3A_354 = tpu.memref_slice %arg12[%parallel_loop3A_287, %parallel_loop3A_353] : memref<104x64xf32, #tpu.memory_space<vmem>> -> memref<1x64xf32, #tpu.memory_space<vmem>>
        %parallel_loop3A_355 = tpu.memref_squeeze %parallel_loop3A_354 : memref<1x64xf32, #tpu.memory_space<vmem>> -> memref<64xf32, #tpu.memory_space<vmem>>
        %parallel_loop3A_356 = arith.constant 32 : index
        %parallel_loop3A_357 = tpu.vector_load %parallel_loop3A_355[%parallel_loop3A_356] {strides = array<i32>} : memref<64xf32, #tpu.memory_space<vmem>>, vector<16xf32>,
        %parallel_loop3A_358 = vector.shape_cast %parallel_loop3A_357 : vector<16xf32> to vector<16xf32>
        %parallel_loop3A_359 = vector.shape_cast %parallel_loop3A_352 : vector<16xf32> to vector<16xf32>
        tpu.vector_store %parallel_loop3A_355[%parallel_loop3A_356], %parallel_loop3A_359 {strides = array<i32>} : memref<64xf32, #tpu.memory_space<vmem>>, vector<16xf32>,
        %parallel_loop3A_360 = arith.constant 0 : i32
        %parallel_loop3A_361 = tpu.memref_slice %arg8[%parallel_loop3A_285, %parallel_loop3A_360] : memref<104x128xf32, #tpu.memory_space<vmem>> -> memref<1x128xf32, #tpu.memory_space<vmem>>
        %parallel_loop3A_362 = tpu.memref_squeeze %parallel_loop3A_361 : memref<1x128xf32, #tpu.memory_space<vmem>> -> memref<128xf32, #tpu.memory_space<vmem>>
        %parallel_loop3A_363 = arith.constant 48 : index
        %parallel_loop3A_364 = tpu.vector_load %parallel_loop3A_362[%parallel_loop3A_363] {strides = array<i32>} : memref<128xf32, #tpu.memory_space<vmem>>, vector<16xf32>,
        %parallel_loop3A_365 = vector.shape_cast %parallel_loop3A_364 : vector<16xf32> to vector<16xf32>
        %parallel_loop3A_366 = arith.constant 8.000000e+00 : f32
        %parallel_loop3A_367 = vector.broadcast %parallel_loop3A_366 : f32 to vector<16xf32>
        %parallel_loop3A_368 = arith.mulf %parallel_loop3A_365, %parallel_loop3A_367 : vector<16xf32>
        %parallel_loop3A_369 = arith.constant 48 : i32
        %parallel_loop3A_370 = arith.addi %parallel_loop3A_293, %parallel_loop3A_369 : i32
        %parallel_loop3A_371 = arith.index_cast %parallel_loop3A_370 : i32 to index
        %parallel_loop3A_372 = tpu.vector_load %arg6[%parallel_loop3A_371] {strides = array<i32>} : memref<12800xf32, #tpu.memory_space<vmem>>, vector<16xf32>,
        %parallel_loop3A_373 = vector.shape_cast %parallel_loop3A_372 : vector<16xf32> to vector<16xf32>
        %parallel_loop3A_374 = arith.addf %parallel_loop3A_368, %parallel_loop3A_373 : vector<16xf32>
        %parallel_loop3A_375 = arith.constant 0 : i32
        %parallel_loop3A_376 = tpu.memref_slice %arg12[%parallel_loop3A_287, %parallel_loop3A_375] : memref<104x64xf32, #tpu.memory_space<vmem>> -> memref<1x64xf32, #tpu.memory_space<vmem>>
        %parallel_loop3A_377 = tpu.memref_squeeze %parallel_loop3A_376 : memref<1x64xf32, #tpu.memory_space<vmem>> -> memref<64xf32, #tpu.memory_space<vmem>>
        %parallel_loop3A_378 = arith.constant 48 : index
        %parallel_loop3A_379 = tpu.vector_load %parallel_loop3A_377[%parallel_loop3A_378] {strides = array<i32>} : memref<64xf32, #tpu.memory_space<vmem>>, vector<16xf32>,
        %parallel_loop3A_380 = vector.shape_cast %parallel_loop3A_379 : vector<16xf32> to vector<16xf32>
        %parallel_loop3A_381 = vector.shape_cast %parallel_loop3A_374 : vector<16xf32> to vector<16xf32>
        tpu.vector_store %parallel_loop3A_377[%parallel_loop3A_378], %parallel_loop3A_381 {strides = array<i32>} : memref<64xf32, #tpu.memory_space<vmem>>, vector<16xf32>,
        %parallel_loop3A_382 = arith.constant 1 : i32
        %parallel_loop3A_383 = arith.addi %parallel_loop3A_283, %parallel_loop3A_382 : i32
        %parallel_loop3A_384 = arith.constant 1 : i32
        %parallel_loop3A_385 = arith.addi %parallel_loop3A_283, %parallel_loop3A_384 : i32
        %parallel_loop3A_386 = arith.constant 0 : i32
        %parallel_loop3A_387 = arith.addi %parallel_loop3A_386, %parallel_loop3A_283 : i32
        %parallel_loop3A_388 = arith.constant 1 : i32
        %parallel_loop3A_389 = arith.addi %parallel_loop3A_387, %parallel_loop3A_388 : i32
        %parallel_loop3A_390 = arith.constant 64 : i32
        %parallel_loop3A_391 = arith.muli %parallel_loop3A_389, %parallel_loop3A_390 : i32
        %parallel_loop3A_392 = arith.constant 0 : i32
        %parallel_loop3A_393 = tpu.memref_slice %arg8[%parallel_loop3A_383, %parallel_loop3A_392] : memref<104x128xf32, #tpu.memory_space<vmem>> -> memref<1x128xf32, #tpu.memory_space<vmem>>
        %parallel_loop3A_394 = tpu.memref_squeeze %parallel_loop3A_393 : memref<1x128xf32, #tpu.memory_space<vmem>> -> memref<128xf32, #tpu.memory_space<vmem>>
        %parallel_loop3A_395 = arith.constant 0 : index
        %parallel_loop3A_396 = tpu.vector_load %parallel_loop3A_394[%parallel_loop3A_395] {strides = array<i32>} : memref<128xf32, #tpu.memory_space<vmem>>, vector<16xf32>,
        %parallel_loop3A_397 = vector.shape_cast %parallel_loop3A_396 : vector<16xf32> to vector<16xf32>
        %parallel_loop3A_398 = arith.constant 8.000000e+00 : f32
        %parallel_loop3A_399 = vector.broadcast %parallel_loop3A_398 : f32 to vector<16xf32>
        %parallel_loop3A_400 = arith.mulf %parallel_loop3A_397, %parallel_loop3A_399 : vector<16xf32>
        %parallel_loop3A_401 = arith.constant 0 : i32
        %parallel_loop3A_402 = arith.addi %parallel_loop3A_391, %parallel_loop3A_401 : i32
        %parallel_loop3A_403 = arith.index_cast %parallel_loop3A_402 : i32 to index
        %parallel_loop3A_404 = tpu.vector_load %arg6[%parallel_loop3A_403] {strides = array<i32>} : memref<12800xf32, #tpu.memory_space<vmem>>, vector<16xf32>,
        %parallel_loop3A_405 = vector.shape_cast %parallel_loop3A_404 : vector<16xf32> to vector<16xf32>
        %parallel_loop3A_406 = arith.addf %parallel_loop3A_400, %parallel_loop3A_405 : vector<16xf32>
        %parallel_loop3A_407 = arith.constant 0 : i32
        %parallel_loop3A_408 = tpu.memref_slice %arg12[%parallel_loop3A_385, %parallel_loop3A_407] : memref<104x64xf32, #tpu.memory_space<vmem>> -> memref<1x64xf32, #tpu.memory_space<vmem>>
        %parallel_loop3A_409 = tpu.memref_squeeze %parallel_loop3A_408 : memref<1x64xf32, #tpu.memory_space<vmem>> -> memref<64xf32, #tpu.memory_space<vmem>>
        %parallel_loop3A_410 = arith.constant 0 : index
        %parallel_loop3A_411 = tpu.vector_load %parallel_loop3A_409[%parallel_loop3A_410] {strides = array<i32>} : memref<64xf32, #tpu.memory_space<vmem>>, vector<16xf32>,
        %parallel_loop3A_412 = vector.shape_cast %parallel_loop3A_411 : vector<16xf32> to vector<16xf32>
        %parallel_loop3A_413 = vector.shape_cast %parallel_loop3A_406 : vector<16xf32> to vector<16xf32>
        tpu.vector_store %parallel_loop3A_409[%parallel_loop3A_410], %parallel_loop3A_413 {strides = array<i32>} : memref<64xf32, #tpu.memory_space<vmem>>, vector<16xf32>,
        %parallel_loop3A_414 = arith.constant 0 : i32
        %parallel_loop3A_415 = tpu.memref_slice %arg8[%parallel_loop3A_383, %parallel_loop3A_414] : memref<104x128xf32, #tpu.memory_space<vmem>> -> memref<1x128xf32, #tpu.memory_space<vmem>>
        %parallel_loop3A_416 = tpu.memref_squeeze %parallel_loop3A_415 : memref<1x128xf32, #tpu.memory_space<vmem>> -> memref<128xf32, #tpu.memory_space<vmem>>
        %parallel_loop3A_417 = arith.constant 16 : index
        %parallel_loop3A_418 = tpu.vector_load %parallel_loop3A_416[%parallel_loop3A_417] {strides = array<i32>} : memref<128xf32, #tpu.memory_space<vmem>>, vector<16xf32>,
        %parallel_loop3A_419 = vector.shape_cast %parallel_loop3A_418 : vector<16xf32> to vector<16xf32>
        %parallel_loop3A_420 = arith.constant 8.000000e+00 : f32
        %parallel_loop3A_421 = vector.broadcast %parallel_loop3A_420 : f32 to vector<16xf32>
        %parallel_loop3A_422 = arith.mulf %parallel_loop3A_419, %parallel_loop3A_421 : vector<16xf32>
        %parallel_loop3A_423 = arith.constant 16 : i32
        %parallel_loop3A_424 = arith.addi %parallel_loop3A_391, %parallel_loop3A_423 : i32
        %parallel_loop3A_425 = arith.index_cast %parallel_loop3A_424 : i32 to index
        %parallel_loop3A_426 = tpu.vector_load %arg6[%parallel_loop3A_425] {strides = array<i32>} : memref<12800xf32, #tpu.memory_space<vmem>>, vector<16xf32>,
        %parallel_loop3A_427 = vector.shape_cast %parallel_loop3A_426 : vector<16xf32> to vector<16xf32>
        %parallel_loop3A_428 = arith.addf %parallel_loop3A_422, %parallel_loop3A_427 : vector<16xf32>
        %parallel_loop3A_429 = arith.constant 0 : i32
        %parallel_loop3A_430 = tpu.memref_slice %arg12[%parallel_loop3A_385, %parallel_loop3A_429] : memref<104x64xf32, #tpu.memory_space<vmem>> -> memref<1x64xf32, #tpu.memory_space<vmem>>
        %parallel_loop3A_431 = tpu.memref_squeeze %parallel_loop3A_430 : memref<1x64xf32, #tpu.memory_space<vmem>> -> memref<64xf32, #tpu.memory_space<vmem>>
        %parallel_loop3A_432 = arith.constant 16 : index
        %parallel_loop3A_433 = tpu.vector_load %parallel_loop3A_431[%parallel_loop3A_432] {strides = array<i32>} : memref<64xf32, #tpu.memory_space<vmem>>, vector<16xf32>,
        %parallel_loop3A_434 = vector.shape_cast %parallel_loop3A_433 : vector<16xf32> to vector<16xf32>
        %parallel_loop3A_435 = vector.shape_cast %parallel_loop3A_428 : vector<16xf32> to vector<16xf32>
        tpu.vector_store %parallel_loop3A_431[%parallel_loop3A_432], %parallel_loop3A_435 {strides = array<i32>} : memref<64xf32, #tpu.memory_space<vmem>>, vector<16xf32>,
        %parallel_loop3A_436 = arith.constant 0 : i32
        %parallel_loop3A_437 = tpu.memref_slice %arg8[%parallel_loop3A_383, %parallel_loop3A_436] : memref<104x128xf32, #tpu.memory_space<vmem>> -> memref<1x128xf32, #tpu.memory_space<vmem>>
        %parallel_loop3A_438 = tpu.memref_squeeze %parallel_loop3A_437 : memref<1x128xf32, #tpu.memory_space<vmem>> -> memref<128xf32, #tpu.memory_space<vmem>>
        %parallel_loop3A_439 = arith.constant 32 : index
        %parallel_loop3A_440 = tpu.vector_load %parallel_loop3A_438[%parallel_loop3A_439] {strides = array<i32>} : memref<128xf32, #tpu.memory_space<vmem>>, vector<16xf32>,
        %parallel_loop3A_441 = vector.shape_cast %parallel_loop3A_440 : vector<16xf32> to vector<16xf32>
        %parallel_loop3A_442 = arith.constant 8.000000e+00 : f32
        %parallel_loop3A_443 = vector.broadcast %parallel_loop3A_442 : f32 to vector<16xf32>
        %parallel_loop3A_444 = arith.mulf %parallel_loop3A_441, %parallel_loop3A_443 : vector<16xf32>
        %parallel_loop3A_445 = arith.constant 32 : i32
        %parallel_loop3A_446 = arith.addi %parallel_loop3A_391, %parallel_loop3A_445 : i32
        %parallel_loop3A_447 = arith.index_cast %parallel_loop3A_446 : i32 to index
        %parallel_loop3A_448 = tpu.vector_load %arg6[%parallel_loop3A_447] {strides = array<i32>} : memref<12800xf32, #tpu.memory_space<vmem>>, vector<16xf32>,
        %parallel_loop3A_449 = vector.shape_cast %parallel_loop3A_448 : vector<16xf32> to vector<16xf32>
        %parallel_loop3A_450 = arith.addf %parallel_loop3A_444, %parallel_loop3A_449 : vector<16xf32>
        %parallel_loop3A_451 = arith.constant 0 : i32
        %parallel_loop3A_452 = tpu.memref_slice %arg12[%parallel_loop3A_385, %parallel_loop3A_451] : memref<104x64xf32, #tpu.memory_space<vmem>> -> memref<1x64xf32, #tpu.memory_space<vmem>>
        %parallel_loop3A_453 = tpu.memref_squeeze %parallel_loop3A_452 : memref<1x64xf32, #tpu.memory_space<vmem>> -> memref<64xf32, #tpu.memory_space<vmem>>
        %parallel_loop3A_454 = arith.constant 32 : index
        %parallel_loop3A_455 = tpu.vector_load %parallel_loop3A_453[%parallel_loop3A_454] {strides = array<i32>} : memref<64xf32, #tpu.memory_space<vmem>>, vector<16xf32>,
        %parallel_loop3A_456 = vector.shape_cast %parallel_loop3A_455 : vector<16xf32> to vector<16xf32>
        %parallel_loop3A_457 = vector.shape_cast %parallel_loop3A_450 : vector<16xf32> to vector<16xf32>
        tpu.vector_store %parallel_loop3A_453[%parallel_loop3A_454], %parallel_loop3A_457 {strides = array<i32>} : memref<64xf32, #tpu.memory_space<vmem>>, vector<16xf32>,
        %parallel_loop3A_458 = arith.constant 0 : i32
        %parallel_loop3A_459 = tpu.memref_slice %arg8[%parallel_loop3A_383, %parallel_loop3A_458] : memref<104x128xf32, #tpu.memory_space<vmem>> -> memref<1x128xf32, #tpu.memory_space<vmem>>
        %parallel_loop3A_460 = tpu.memref_squeeze %parallel_loop3A_459 : memref<1x128xf32, #tpu.memory_space<vmem>> -> memref<128xf32, #tpu.memory_space<vmem>>
        %parallel_loop3A_461 = arith.constant 48 : index
        %parallel_loop3A_462 = tpu.vector_load %parallel_loop3A_460[%parallel_loop3A_461] {strides = array<i32>} : memref<128xf32, #tpu.memory_space<vmem>>, vector<16xf32>,
        %parallel_loop3A_463 = vector.shape_cast %parallel_loop3A_462 : vector<16xf32> to vector<16xf32>
        %parallel_loop3A_464 = arith.constant 8.000000e+00 : f32
        %parallel_loop3A_465 = vector.broadcast %parallel_loop3A_464 : f32 to vector<16xf32>
        %parallel_loop3A_466 = arith.mulf %parallel_loop3A_463, %parallel_loop3A_465 : vector<16xf32>
        %parallel_loop3A_467 = arith.constant 48 : i32
        %parallel_loop3A_468 = arith.addi %parallel_loop3A_391, %parallel_loop3A_467 : i32
        %parallel_loop3A_469 = arith.index_cast %parallel_loop3A_468 : i32 to index
        %parallel_loop3A_470 = tpu.vector_load %arg6[%parallel_loop3A_469] {strides = array<i32>} : memref<12800xf32, #tpu.memory_space<vmem>>, vector<16xf32>,
        %parallel_loop3A_471 = vector.shape_cast %parallel_loop3A_470 : vector<16xf32> to vector<16xf32>
        %parallel_loop3A_472 = arith.addf %parallel_loop3A_466, %parallel_loop3A_471 : vector<16xf32>
        %parallel_loop3A_473 = arith.constant 0 : i32
        %parallel_loop3A_474 = tpu.memref_slice %arg12[%parallel_loop3A_385, %parallel_loop3A_473] : memref<104x64xf32, #tpu.memory_space<vmem>> -> memref<1x64xf32, #tpu.memory_space<vmem>>
        %parallel_loop3A_475 = tpu.memref_squeeze %parallel_loop3A_474 : memref<1x64xf32, #tpu.memory_space<vmem>> -> memref<64xf32, #tpu.memory_space<vmem>>
        %parallel_loop3A_476 = arith.constant 48 : index
        %parallel_loop3A_477 = tpu.vector_load %parallel_loop3A_475[%parallel_loop3A_476] {strides = array<i32>} : memref<64xf32, #tpu.memory_space<vmem>>, vector<16xf32>,
        %parallel_loop3A_478 = vector.shape_cast %parallel_loop3A_477 : vector<16xf32> to vector<16xf32>
        %parallel_loop3A_479 = vector.shape_cast %parallel_loop3A_472 : vector<16xf32> to vector<16xf32>
        tpu.vector_store %parallel_loop3A_475[%parallel_loop3A_476], %parallel_loop3A_479 {strides = array<i32>} : memref<64xf32, #tpu.memory_space<vmem>>, vector<16xf32>,
      } {sc.loop_unroll_factor = 8 : i64, sc.parallel_access}
      %add3A_101 = arith.addi %mul3A_2, %add3A_85 : i32
      %mul3A_102 = arith.constant 200 : i32
      %mul3A_103 = arith.muli %add3A_101, %mul3A_102 : i32
      %add3A_104 = arith.constant 0 : i32
      %add3A_105 = arith.addi %mul3A_103, %add3A_104 : i32
      %dma_start3A_106 = arith.constant 0 : i32
      %dma_start3A_107 = arith.constant 0 : i32
      %dma_start3A_108 = tpu.memref_slice %arg12[%dma_start3A_106, %dma_start3A_107] : memref<104x64xf32, #tpu.memory_space<vmem>> -> memref<104x64xf32, #tpu.memory_space<vmem>>
      %dma_start3A_109 = arith.constant 0 : i32
      %dma_start3A_110 = tpu.memref_slice %arg5[%add3A_105, %dma_start3A_109] : memref<819200x64xf32, #tpu.memory_space<hbm>> -> memref<104x64xf32, #tpu.memory_space<hbm>>
      %dma_start3A_111 = arith.constant 0 : i32
      %dma_start3A_112 = tpu.memref_slice %arg5[%add3A_105, %dma_start3A_111] : memref<819200x64xf32, #tpu.memory_space<hbm>> -> memref<104x64xf32, #tpu.memory_space<hbm>>
      %dma_start3A_113 = arith.constant 0 : i32
      %dma_start3A_114 = arith.constant 0 : i32
      %dma_start3A_115 = tpu.memref_slice %arg12[%dma_start3A_113, %dma_start3A_114] : memref<104x64xf32, #tpu.memory_space<vmem>> -> memref<104x64xf32, #tpu.memory_space<vmem>>
      tpu.enqueue_dma source(%dma_start3A_115 : memref<104x64xf32, #tpu.memory_space<vmem>>) target(%dma_start3A_112 : memref<104x64xf32, #tpu.memory_space<hbm>>) target_semaphore(%arg18 : memref<!tpu.dma_semaphore, #tpu.memory_space<semaphore_mem>>)
      %add3A_116 = arith.constant 0 : i32
      %add3A_117 = arith.addi %add3A_67, %add3A_116 : i32
      %add3A_118 = arith.constant 3 : i32
      %add3A_119 = arith.addi %add3A_117, %add3A_118 : i32
      %lt3A = arith.constant 256 : i32
      %lt3A_120 = arith.cmpi slt, %add3A_119, %lt3A : i32
      %convert_element_type3A_121 = arith.extui %lt3A_120 : i1 to i32
      %cond3A_122 = arith.constant 0 : i32
      %cond3A_123 = arith.cmpi ne, %convert_element_type3A_121, %cond3A_122 : i32
      scf.if %cond3A_123 {
        %jit3A_283 = arith.constant 2 : i32
        %div3A_284 = arith.divsi %add3A_67, %jit3A_283 : i32
        %sign3A_285 = arith.constant 0 : i32
        %sign3A_286 = arith.cmpi sgt, %add3A_67, %sign3A_285 : i32
        %sign3A_287 = arith.extui %sign3A_286 : i1 to i32
        %sign3A_288 = arith.constant 0 : i32
        %sign3A_289 = arith.cmpi slt, %add3A_67, %sign3A_288 : i32
        %sign3A_290 = arith.extui %sign3A_289 : i1 to i32
        %sign3A_291 = arith.subi %sign3A_287, %sign3A_290 : i32
        %sign3A_292 = arith.constant 0 : i32
        %sign3A_293 = arith.cmpi sgt, %jit3A_283, %sign3A_292 : i32
        %sign3A_294 = arith.extui %sign3A_293 : i1 to i32
        %sign3A_295 = arith.constant 0 : i32
        %sign3A_296 = arith.cmpi slt, %jit3A_283, %sign3A_295 : i32
        %sign3A_297 = arith.extui %sign3A_296 : i1 to i32
        %sign3A_298 = arith.subi %sign3A_294, %sign3A_297 : i32
        %ne3A_299 = arith.cmpi ne, %sign3A_291, %sign3A_298 : i32
        %rem3A_300 = arith.remsi %add3A_67, %jit3A_283 : i32
        %ne3A_301 = arith.constant 0 : i32
        %ne3A_302 = arith.cmpi ne, %rem3A_300, %ne3A_301 : i32
        %and3A_303 = arith.andi %ne3A_299, %ne3A_302 : i1
        %sub3A_304 = arith.constant 1 : i32
        %sub3A_305 = arith.subi %div3A_284, %sub3A_304 : i32
        %select_n3A_306 = arith.select %and3A_303, %sub3A_305, %div3A_284 : i32
        %add3A_307 = arith.constant 1 : i32
        %add3A_308 = arith.addi %select_n3A_306, %add3A_307 : i32
        %mul3A_309 = arith.constant 200 : i32
        %mul3A_310 = arith.muli %add3A_308, %mul3A_309 : i32
        %add3A_311 = arith.constant 104 : i32
        %add3A_312 = arith.addi %mul3A_310, %add3A_311 : i32
        %dma_start3A_313 = arith.constant 0 : i32
        %dma_start3A_314 = arith.constant 0 : i32
        %dma_start3A_315 = tpu.memref_slice %arg11[%dma_start3A_313, %dma_start3A_314] : memref<104x128xf32, #tpu.memory_space<vmem>> -> memref<96x128xf32, #tpu.memory_space<vmem>>
        %dma_start3A_316 = tpu.memref_slice %arg7[%add3A_312] : memref<25600xi32, #tpu.memory_space<vmem>> -> memref<96xi32, #tpu.memory_space<vmem>>
        %dma_start3A_317 = arith.constant 0 : i32
        %dma_start3A_318 = arith.constant 0 : i32
        %dma_start3A_319 = tpu.memref_slice %arg3[%dma_start3A_317, %dma_start3A_318] : memref<1000000x128xf32, #tpu.memory_space<hbm>> -> memref<1000000x128xf32, #tpu.memory_space<hbm>>
        tpu.enqueue_indirect_dma source(%dma_start3A_319 : memref<1000000x128xf32, #tpu.memory_space<hbm>>) target(%dma_start3A_315 : memref<96x128xf32, #tpu.memory_space<vmem>>) offsets(%dma_start3A_316 : memref<96xi32, #tpu.memory_space<vmem>>) semaphore(%arg17 : memref<!tpu.dma_semaphore, #tpu.memory_space<semaphore_mem>>)
      } else {
      }
      %add3A_124 = arith.constant 0 : i32
      %add3A_125 = arith.addi %select_n3A, %add3A_124 : i32
      %mul3A_126 = arith.constant 200 : i32
      %mul3A_127 = arith.muli %add3A_125, %mul3A_126 : i32
      %add3A_128 = arith.constant 104 : i32
      %add3A_129 = arith.addi %mul3A_127, %add3A_128 : i32
      %dma_wait3A_130 = arith.constant 0 : i32
      %dma_wait3A_131 = arith.constant 0 : i32
      %dma_wait3A_132 = tpu.memref_slice %arg9[%dma_wait3A_130, %dma_wait3A_131] : memref<104x128xf32, #tpu.memory_space<vmem>> -> memref<96x128xf32, #tpu.memory_space<vmem>>
      %dma_wait3A_133 = tpu.memref_slice %arg7[%add3A_129] : memref<25600xi32, #tpu.memory_space<vmem>> -> memref<96xi32, #tpu.memory_space<vmem>>
      %dma_wait3A_134 = arith.constant 0 : i32
      %dma_wait3A_135 = arith.constant 0 : i32
      %dma_wait3A_136 = tpu.memref_slice %arg3[%dma_wait3A_134, %dma_wait3A_135] : memref<1000000x128xf32, #tpu.memory_space<hbm>> -> memref<1000000x128xf32, #tpu.memory_space<hbm>>
      tpu.wait_indirect_dma semaphore(%arg15 : memref<!tpu.dma_semaphore, #tpu.memory_space<semaphore_mem>>) src(%dma_wait3A_136 : memref<1000000x128xf32, #tpu.memory_space<hbm>>) dst(%dma_wait3A_132 : memref<96x128xf32, #tpu.memory_space<vmem>>)
      %gt3A_137 = arith.constant 0 : i32
      %gt3A_138 = arith.cmpi sgt, %add3A_67, %gt3A_137 : i32
      %convert_element_type3A_139 = arith.extui %gt3A_138 : i1 to i32
      %cond3A_140 = arith.constant 0 : i32
      %cond3A_141 = arith.cmpi ne, %convert_element_type3A_139, %cond3A_140 : i32
      scf.if %cond3A_141 {
        %sub3A_283 = arith.constant 1 : i32
        %sub3A_284 = arith.subi %add3A_125, %sub3A_283 : i32
        %add3A_285 = arith.addi %mul3A_2, %sub3A_284 : i32
        %mul3A_286 = arith.constant 200 : i32
        %mul3A_287 = arith.muli %add3A_285, %mul3A_286 : i32
        %add3A_288 = arith.constant 104 : i32
        %add3A_289 = arith.addi %mul3A_287, %add3A_288 : i32
        %dma_wait3A_290 = arith.constant 0 : i32
        %dma_wait3A_291 = arith.constant 0 : i32
        %dma_wait3A_292 = tpu.memref_slice %arg13[%dma_wait3A_290, %dma_wait3A_291] : memref<104x64xf32, #tpu.memory_space<vmem>> -> memref<96x64xf32, #tpu.memory_space<vmem>>
        %dma_wait3A_293 = arith.constant 0 : i32
        %dma_wait3A_294 = tpu.memref_slice %arg5[%add3A_289, %dma_wait3A_293] : memref<819200x64xf32, #tpu.memory_space<hbm>> -> memref<96x64xf32, #tpu.memory_space<hbm>>
        %dma_wait3A_295 = arith.constant 0 : i32
        %dma_wait3A_296 = tpu.memref_slice %arg5[%add3A_289, %dma_wait3A_295] : memref<819200x64xf32, #tpu.memory_space<hbm>> -> memref<96x64xf32, #tpu.memory_space<hbm>>
        %dma_wait3A_297 = arith.constant 0 : i32
        %dma_wait3A_298 = arith.constant 0 : i32
        %dma_wait3A_299 = tpu.memref_slice %arg13[%dma_wait3A_297, %dma_wait3A_298] : memref<104x64xf32, #tpu.memory_space<vmem>> -> memref<96x64xf32, #tpu.memory_space<vmem>>
        tpu.wait_dma2 semaphore(%arg19 : memref<!tpu.dma_semaphore, #tpu.memory_space<semaphore_mem>>) src(%dma_wait3A_299 : memref<96x64xf32, #tpu.memory_space<vmem>>) dst(%dma_wait3A_296 : memref<96x64xf32, #tpu.memory_space<hbm>>)
      } else {
      }
      %parallel_loop3A_142 = arith.constant 0 : i32
      %parallel_loop3A_143 = arith.constant 96 : i32
      %parallel_loop3A_144 = arith.constant 2 : i32
      scf.for %parallel_loop3A_283 = %parallel_loop3A_142 to %parallel_loop3A_143 step %parallel_loop3A_144  : i32 {
        %parallel_loop3A_284 = arith.constant 0 : i32
        %parallel_loop3A_285 = arith.addi %parallel_loop3A_283, %parallel_loop3A_284 : i32
        %parallel_loop3A_286 = arith.constant 0 : i32
        %parallel_loop3A_287 = arith.addi %parallel_loop3A_283, %parallel_loop3A_286 : i32
        %parallel_loop3A_288 = arith.constant 104 : i32
        %parallel_loop3A_289 = arith.addi %parallel_loop3A_288, %parallel_loop3A_283 : i32
        %parallel_loop3A_290 = arith.constant 0 : i32
        %parallel_loop3A_291 = arith.addi %parallel_loop3A_289, %parallel_loop3A_290 : i32
        %parallel_loop3A_292 = arith.constant 64 : i32
        %parallel_loop3A_293 = arith.muli %parallel_loop3A_291, %parallel_loop3A_292 : i32
        %parallel_loop3A_294 = arith.constant 0 : i32
        %parallel_loop3A_295 = tpu.memref_slice %arg9[%parallel_loop3A_285, %parallel_loop3A_294] : memref<104x128xf32, #tpu.memory_space<vmem>> -> memref<1x128xf32, #tpu.memory_space<vmem>>
        %parallel_loop3A_296 = tpu.memref_squeeze %parallel_loop3A_295 : memref<1x128xf32, #tpu.memory_space<vmem>> -> memref<128xf32, #tpu.memory_space<vmem>>
        %parallel_loop3A_297 = arith.constant 0 : index
        %parallel_loop3A_298 = tpu.vector_load %parallel_loop3A_296[%parallel_loop3A_297] {strides = array<i32>} : memref<128xf32, #tpu.memory_space<vmem>>, vector<16xf32>,
        %parallel_loop3A_299 = vector.shape_cast %parallel_loop3A_298 : vector<16xf32> to vector<16xf32>
        %parallel_loop3A_300 = arith.constant 8.000000e+00 : f32
        %parallel_loop3A_301 = vector.broadcast %parallel_loop3A_300 : f32 to vector<16xf32>
        %parallel_loop3A_302 = arith.mulf %parallel_loop3A_299, %parallel_loop3A_301 : vector<16xf32>
        %parallel_loop3A_303 = arith.constant 0 : i32
        %parallel_loop3A_304 = arith.addi %parallel_loop3A_293, %parallel_loop3A_303 : i32
        %parallel_loop3A_305 = arith.index_cast %parallel_loop3A_304 : i32 to index
        %parallel_loop3A_306 = tpu.vector_load %arg6[%parallel_loop3A_305] {strides = array<i32>} : memref<12800xf32, #tpu.memory_space<vmem>>, vector<16xf32>,
        %parallel_loop3A_307 = vector.shape_cast %parallel_loop3A_306 : vector<16xf32> to vector<16xf32>
        %parallel_loop3A_308 = arith.addf %parallel_loop3A_302, %parallel_loop3A_307 : vector<16xf32>
        %parallel_loop3A_309 = arith.constant 0 : i32
        %parallel_loop3A_310 = tpu.memref_slice %arg13[%parallel_loop3A_287, %parallel_loop3A_309] : memref<104x64xf32, #tpu.memory_space<vmem>> -> memref<1x64xf32, #tpu.memory_space<vmem>>
        %parallel_loop3A_311 = tpu.memref_squeeze %parallel_loop3A_310 : memref<1x64xf32, #tpu.memory_space<vmem>> -> memref<64xf32, #tpu.memory_space<vmem>>
        %parallel_loop3A_312 = arith.constant 0 : index
        %parallel_loop3A_313 = tpu.vector_load %parallel_loop3A_311[%parallel_loop3A_312] {strides = array<i32>} : memref<64xf32, #tpu.memory_space<vmem>>, vector<16xf32>,
        %parallel_loop3A_314 = vector.shape_cast %parallel_loop3A_313 : vector<16xf32> to vector<16xf32>
        %parallel_loop3A_315 = vector.shape_cast %parallel_loop3A_308 : vector<16xf32> to vector<16xf32>
        tpu.vector_store %parallel_loop3A_311[%parallel_loop3A_312], %parallel_loop3A_315 {strides = array<i32>} : memref<64xf32, #tpu.memory_space<vmem>>, vector<16xf32>,
        %parallel_loop3A_316 = arith.constant 0 : i32
        %parallel_loop3A_317 = tpu.memref_slice %arg9[%parallel_loop3A_285, %parallel_loop3A_316] : memref<104x128xf32, #tpu.memory_space<vmem>> -> memref<1x128xf32, #tpu.memory_space<vmem>>
        %parallel_loop3A_318 = tpu.memref_squeeze %parallel_loop3A_317 : memref<1x128xf32, #tpu.memory_space<vmem>> -> memref<128xf32, #tpu.memory_space<vmem>>
        %parallel_loop3A_319 = arith.constant 16 : index
        %parallel_loop3A_320 = tpu.vector_load %parallel_loop3A_318[%parallel_loop3A_319] {strides = array<i32>} : memref<128xf32, #tpu.memory_space<vmem>>, vector<16xf32>,
        %parallel_loop3A_321 = vector.shape_cast %parallel_loop3A_320 : vector<16xf32> to vector<16xf32>
        %parallel_loop3A_322 = arith.constant 8.000000e+00 : f32
        %parallel_loop3A_323 = vector.broadcast %parallel_loop3A_322 : f32 to vector<16xf32>
        %parallel_loop3A_324 = arith.mulf %parallel_loop3A_321, %parallel_loop3A_323 : vector<16xf32>
        %parallel_loop3A_325 = arith.constant 16 : i32
        %parallel_loop3A_326 = arith.addi %parallel_loop3A_293, %parallel_loop3A_325 : i32
        %parallel_loop3A_327 = arith.index_cast %parallel_loop3A_326 : i32 to index
        %parallel_loop3A_328 = tpu.vector_load %arg6[%parallel_loop3A_327] {strides = array<i32>} : memref<12800xf32, #tpu.memory_space<vmem>>, vector<16xf32>,
        %parallel_loop3A_329 = vector.shape_cast %parallel_loop3A_328 : vector<16xf32> to vector<16xf32>
        %parallel_loop3A_330 = arith.addf %parallel_loop3A_324, %parallel_loop3A_329 : vector<16xf32>
        %parallel_loop3A_331 = arith.constant 0 : i32
        %parallel_loop3A_332 = tpu.memref_slice %arg13[%parallel_loop3A_287, %parallel_loop3A_331] : memref<104x64xf32, #tpu.memory_space<vmem>> -> memref<1x64xf32, #tpu.memory_space<vmem>>
        %parallel_loop3A_333 = tpu.memref_squeeze %parallel_loop3A_332 : memref<1x64xf32, #tpu.memory_space<vmem>> -> memref<64xf32, #tpu.memory_space<vmem>>
        %parallel_loop3A_334 = arith.constant 16 : index
        %parallel_loop3A_335 = tpu.vector_load %parallel_loop3A_333[%parallel_loop3A_334] {strides = array<i32>} : memref<64xf32, #tpu.memory_space<vmem>>, vector<16xf32>,
        %parallel_loop3A_336 = vector.shape_cast %parallel_loop3A_335 : vector<16xf32> to vector<16xf32>
        %parallel_loop3A_337 = vector.shape_cast %parallel_loop3A_330 : vector<16xf32> to vector<16xf32>
        tpu.vector_store %parallel_loop3A_333[%parallel_loop3A_334], %parallel_loop3A_337 {strides = array<i32>} : memref<64xf32, #tpu.memory_space<vmem>>, vector<16xf32>,
        %parallel_loop3A_338 = arith.constant 0 : i32
        %parallel_loop3A_339 = tpu.memref_slice %arg9[%parallel_loop3A_285, %parallel_loop3A_338] : memref<104x128xf32, #tpu.memory_space<vmem>> -> memref<1x128xf32, #tpu.memory_space<vmem>>
        %parallel_loop3A_340 = tpu.memref_squeeze %parallel_loop3A_339 : memref<1x128xf32, #tpu.memory_space<vmem>> -> memref<128xf32, #tpu.memory_space<vmem>>
        %parallel_loop3A_341 = arith.constant 32 : index
        %parallel_loop3A_342 = tpu.vector_load %parallel_loop3A_340[%parallel_loop3A_341] {strides = array<i32>} : memref<128xf32, #tpu.memory_space<vmem>>, vector<16xf32>,
        %parallel_loop3A_343 = vector.shape_cast %parallel_loop3A_342 : vector<16xf32> to vector<16xf32>
        %parallel_loop3A_344 = arith.constant 8.000000e+00 : f32
        %parallel_loop3A_345 = vector.broadcast %parallel_loop3A_344 : f32 to vector<16xf32>
        %parallel_loop3A_346 = arith.mulf %parallel_loop3A_343, %parallel_loop3A_345 : vector<16xf32>
        %parallel_loop3A_347 = arith.constant 32 : i32
        %parallel_loop3A_348 = arith.addi %parallel_loop3A_293, %parallel_loop3A_347 : i32
        %parallel_loop3A_349 = arith.index_cast %parallel_loop3A_348 : i32 to index
        %parallel_loop3A_350 = tpu.vector_load %arg6[%parallel_loop3A_349] {strides = array<i32>} : memref<12800xf32, #tpu.memory_space<vmem>>, vector<16xf32>,
        %parallel_loop3A_351 = vector.shape_cast %parallel_loop3A_350 : vector<16xf32> to vector<16xf32>
        %parallel_loop3A_352 = arith.addf %parallel_loop3A_346, %parallel_loop3A_351 : vector<16xf32>
        %parallel_loop3A_353 = arith.constant 0 : i32
        %parallel_loop3A_354 = tpu.memref_slice %arg13[%parallel_loop3A_287, %parallel_loop3A_353] : memref<104x64xf32, #tpu.memory_space<vmem>> -> memref<1x64xf32, #tpu.memory_space<vmem>>
        %parallel_loop3A_355 = tpu.memref_squeeze %parallel_loop3A_354 : memref<1x64xf32, #tpu.memory_space<vmem>> -> memref<64xf32, #tpu.memory_space<vmem>>
        %parallel_loop3A_356 = arith.constant 32 : index
        %parallel_loop3A_357 = tpu.vector_load %parallel_loop3A_355[%parallel_loop3A_356] {strides = array<i32>} : memref<64xf32, #tpu.memory_space<vmem>>, vector<16xf32>,
        %parallel_loop3A_358 = vector.shape_cast %parallel_loop3A_357 : vector<16xf32> to vector<16xf32>
        %parallel_loop3A_359 = vector.shape_cast %parallel_loop3A_352 : vector<16xf32> to vector<16xf32>
        tpu.vector_store %parallel_loop3A_355[%parallel_loop3A_356], %parallel_loop3A_359 {strides = array<i32>} : memref<64xf32, #tpu.memory_space<vmem>>, vector<16xf32>,
        %parallel_loop3A_360 = arith.constant 0 : i32
        %parallel_loop3A_361 = tpu.memref_slice %arg9[%parallel_loop3A_285, %parallel_loop3A_360] : memref<104x128xf32, #tpu.memory_space<vmem>> -> memref<1x128xf32, #tpu.memory_space<vmem>>
        %parallel_loop3A_362 = tpu.memref_squeeze %parallel_loop3A_361 : memref<1x128xf32, #tpu.memory_space<vmem>> -> memref<128xf32, #tpu.memory_space<vmem>>
        %parallel_loop3A_363 = arith.constant 48 : index
        %parallel_loop3A_364 = tpu.vector_load %parallel_loop3A_362[%parallel_loop3A_363] {strides = array<i32>} : memref<128xf32, #tpu.memory_space<vmem>>, vector<16xf32>,
        %parallel_loop3A_365 = vector.shape_cast %parallel_loop3A_364 : vector<16xf32> to vector<16xf32>
        %parallel_loop3A_366 = arith.constant 8.000000e+00 : f32
        %parallel_loop3A_367 = vector.broadcast %parallel_loop3A_366 : f32 to vector<16xf32>
        %parallel_loop3A_368 = arith.mulf %parallel_loop3A_365, %parallel_loop3A_367 : vector<16xf32>
        %parallel_loop3A_369 = arith.constant 48 : i32
        %parallel_loop3A_370 = arith.addi %parallel_loop3A_293, %parallel_loop3A_369 : i32
        %parallel_loop3A_371 = arith.index_cast %parallel_loop3A_370 : i32 to index
        %parallel_loop3A_372 = tpu.vector_load %arg6[%parallel_loop3A_371] {strides = array<i32>} : memref<12800xf32, #tpu.memory_space<vmem>>, vector<16xf32>,
        %parallel_loop3A_373 = vector.shape_cast %parallel_loop3A_372 : vector<16xf32> to vector<16xf32>
        %parallel_loop3A_374 = arith.addf %parallel_loop3A_368, %parallel_loop3A_373 : vector<16xf32>
        %parallel_loop3A_375 = arith.constant 0 : i32
        %parallel_loop3A_376 = tpu.memref_slice %arg13[%parallel_loop3A_287, %parallel_loop3A_375] : memref<104x64xf32, #tpu.memory_space<vmem>> -> memref<1x64xf32, #tpu.memory_space<vmem>>
        %parallel_loop3A_377 = tpu.memref_squeeze %parallel_loop3A_376 : memref<1x64xf32, #tpu.memory_space<vmem>> -> memref<64xf32, #tpu.memory_space<vmem>>
        %parallel_loop3A_378 = arith.constant 48 : index
        %parallel_loop3A_379 = tpu.vector_load %parallel_loop3A_377[%parallel_loop3A_378] {strides = array<i32>} : memref<64xf32, #tpu.memory_space<vmem>>, vector<16xf32>,
        %parallel_loop3A_380 = vector.shape_cast %parallel_loop3A_379 : vector<16xf32> to vector<16xf32>
        %parallel_loop3A_381 = vector.shape_cast %parallel_loop3A_374 : vector<16xf32> to vector<16xf32>
        tpu.vector_store %parallel_loop3A_377[%parallel_loop3A_378], %parallel_loop3A_381 {strides = array<i32>} : memref<64xf32, #tpu.memory_space<vmem>>, vector<16xf32>,
        %parallel_loop3A_382 = arith.constant 1 : i32
        %parallel_loop3A_383 = arith.addi %parallel_loop3A_283, %parallel_loop3A_382 : i32
        %parallel_loop3A_384 = arith.constant 1 : i32
        %parallel_loop3A_385 = arith.addi %parallel_loop3A_283, %parallel_loop3A_384 : i32
        %parallel_loop3A_386 = arith.constant 104 : i32
        %parallel_loop3A_387 = arith.addi %parallel_loop3A_386, %parallel_loop3A_283 : i32
        %parallel_loop3A_388 = arith.constant 1 : i32
        %parallel_loop3A_389 = arith.addi %parallel_loop3A_387, %parallel_loop3A_388 : i32
        %parallel_loop3A_390 = arith.constant 64 : i32
        %parallel_loop3A_391 = arith.muli %parallel_loop3A_389, %parallel_loop3A_390 : i32
        %parallel_loop3A_392 = arith.constant 0 : i32
        %parallel_loop3A_393 = tpu.memref_slice %arg9[%parallel_loop3A_383, %parallel_loop3A_392] : memref<104x128xf32, #tpu.memory_space<vmem>> -> memref<1x128xf32, #tpu.memory_space<vmem>>
        %parallel_loop3A_394 = tpu.memref_squeeze %parallel_loop3A_393 : memref<1x128xf32, #tpu.memory_space<vmem>> -> memref<128xf32, #tpu.memory_space<vmem>>
        %parallel_loop3A_395 = arith.constant 0 : index
        %parallel_loop3A_396 = tpu.vector_load %parallel_loop3A_394[%parallel_loop3A_395] {strides = array<i32>} : memref<128xf32, #tpu.memory_space<vmem>>, vector<16xf32>,
        %parallel_loop3A_397 = vector.shape_cast %parallel_loop3A_396 : vector<16xf32> to vector<16xf32>
        %parallel_loop3A_398 = arith.constant 8.000000e+00 : f32
        %parallel_loop3A_399 = vector.broadcast %parallel_loop3A_398 : f32 to vector<16xf32>
        %parallel_loop3A_400 = arith.mulf %parallel_loop3A_397, %parallel_loop3A_399 : vector<16xf32>
        %parallel_loop3A_401 = arith.constant 0 : i32
        %parallel_loop3A_402 = arith.addi %parallel_loop3A_391, %parallel_loop3A_401 : i32
        %parallel_loop3A_403 = arith.index_cast %parallel_loop3A_402 : i32 to index
        %parallel_loop3A_404 = tpu.vector_load %arg6[%parallel_loop3A_403] {strides = array<i32>} : memref<12800xf32, #tpu.memory_space<vmem>>, vector<16xf32>,
        %parallel_loop3A_405 = vector.shape_cast %parallel_loop3A_404 : vector<16xf32> to vector<16xf32>
        %parallel_loop3A_406 = arith.addf %parallel_loop3A_400, %parallel_loop3A_405 : vector<16xf32>
        %parallel_loop3A_407 = arith.constant 0 : i32
        %parallel_loop3A_408 = tpu.memref_slice %arg13[%parallel_loop3A_385, %parallel_loop3A_407] : memref<104x64xf32, #tpu.memory_space<vmem>> -> memref<1x64xf32, #tpu.memory_space<vmem>>
        %parallel_loop3A_409 = tpu.memref_squeeze %parallel_loop3A_408 : memref<1x64xf32, #tpu.memory_space<vmem>> -> memref<64xf32, #tpu.memory_space<vmem>>
        %parallel_loop3A_410 = arith.constant 0 : index
        %parallel_loop3A_411 = tpu.vector_load %parallel_loop3A_409[%parallel_loop3A_410] {strides = array<i32>} : memref<64xf32, #tpu.memory_space<vmem>>, vector<16xf32>,
        %parallel_loop3A_412 = vector.shape_cast %parallel_loop3A_411 : vector<16xf32> to vector<16xf32>
        %parallel_loop3A_413 = vector.shape_cast %parallel_loop3A_406 : vector<16xf32> to vector<16xf32>
        tpu.vector_store %parallel_loop3A_409[%parallel_loop3A_410], %parallel_loop3A_413 {strides = array<i32>} : memref<64xf32, #tpu.memory_space<vmem>>, vector<16xf32>,
        %parallel_loop3A_414 = arith.constant 0 : i32
        %parallel_loop3A_415 = tpu.memref_slice %arg9[%parallel_loop3A_383, %parallel_loop3A_414] : memref<104x128xf32, #tpu.memory_space<vmem>> -> memref<1x128xf32, #tpu.memory_space<vmem>>
        %parallel_loop3A_416 = tpu.memref_squeeze %parallel_loop3A_415 : memref<1x128xf32, #tpu.memory_space<vmem>> -> memref<128xf32, #tpu.memory_space<vmem>>
        %parallel_loop3A_417 = arith.constant 16 : index
        %parallel_loop3A_418 = tpu.vector_load %parallel_loop3A_416[%parallel_loop3A_417] {strides = array<i32>} : memref<128xf32, #tpu.memory_space<vmem>>, vector<16xf32>,
        %parallel_loop3A_419 = vector.shape_cast %parallel_loop3A_418 : vector<16xf32> to vector<16xf32>
        %parallel_loop3A_420 = arith.constant 8.000000e+00 : f32
        %parallel_loop3A_421 = vector.broadcast %parallel_loop3A_420 : f32 to vector<16xf32>
        %parallel_loop3A_422 = arith.mulf %parallel_loop3A_419, %parallel_loop3A_421 : vector<16xf32>
        %parallel_loop3A_423 = arith.constant 16 : i32
        %parallel_loop3A_424 = arith.addi %parallel_loop3A_391, %parallel_loop3A_423 : i32
        %parallel_loop3A_425 = arith.index_cast %parallel_loop3A_424 : i32 to index
        %parallel_loop3A_426 = tpu.vector_load %arg6[%parallel_loop3A_425] {strides = array<i32>} : memref<12800xf32, #tpu.memory_space<vmem>>, vector<16xf32>,
        %parallel_loop3A_427 = vector.shape_cast %parallel_loop3A_426 : vector<16xf32> to vector<16xf32>
        %parallel_loop3A_428 = arith.addf %parallel_loop3A_422, %parallel_loop3A_427 : vector<16xf32>
        %parallel_loop3A_429 = arith.constant 0 : i32
        %parallel_loop3A_430 = tpu.memref_slice %arg13[%parallel_loop3A_385, %parallel_loop3A_429] : memref<104x64xf32, #tpu.memory_space<vmem>> -> memref<1x64xf32, #tpu.memory_space<vmem>>
        %parallel_loop3A_431 = tpu.memref_squeeze %parallel_loop3A_430 : memref<1x64xf32, #tpu.memory_space<vmem>> -> memref<64xf32, #tpu.memory_space<vmem>>
        %parallel_loop3A_432 = arith.constant 16 : index
        %parallel_loop3A_433 = tpu.vector_load %parallel_loop3A_431[%parallel_loop3A_432] {strides = array<i32>} : memref<64xf32, #tpu.memory_space<vmem>>, vector<16xf32>,
        %parallel_loop3A_434 = vector.shape_cast %parallel_loop3A_433 : vector<16xf32> to vector<16xf32>
        %parallel_loop3A_435 = vector.shape_cast %parallel_loop3A_428 : vector<16xf32> to vector<16xf32>
        tpu.vector_store %parallel_loop3A_431[%parallel_loop3A_432], %parallel_loop3A_435 {strides = array<i32>} : memref<64xf32, #tpu.memory_space<vmem>>, vector<16xf32>,
        %parallel_loop3A_436 = arith.constant 0 : i32
        %parallel_loop3A_437 = tpu.memref_slice %arg9[%parallel_loop3A_383, %parallel_loop3A_436] : memref<104x128xf32, #tpu.memory_space<vmem>> -> memref<1x128xf32, #tpu.memory_space<vmem>>
        %parallel_loop3A_438 = tpu.memref_squeeze %parallel_loop3A_437 : memref<1x128xf32, #tpu.memory_space<vmem>> -> memref<128xf32, #tpu.memory_space<vmem>>
        %parallel_loop3A_439 = arith.constant 32 : index
        %parallel_loop3A_440 = tpu.vector_load %parallel_loop3A_438[%parallel_loop3A_439] {strides = array<i32>} : memref<128xf32, #tpu.memory_space<vmem>>, vector<16xf32>,
        %parallel_loop3A_441 = vector.shape_cast %parallel_loop3A_440 : vector<16xf32> to vector<16xf32>
        %parallel_loop3A_442 = arith.constant 8.000000e+00 : f32
        %parallel_loop3A_443 = vector.broadcast %parallel_loop3A_442 : f32 to vector<16xf32>
        %parallel_loop3A_444 = arith.mulf %parallel_loop3A_441, %parallel_loop3A_443 : vector<16xf32>
        %parallel_loop3A_445 = arith.constant 32 : i32
        %parallel_loop3A_446 = arith.addi %parallel_loop3A_391, %parallel_loop3A_445 : i32
        %parallel_loop3A_447 = arith.index_cast %parallel_loop3A_446 : i32 to index
        %parallel_loop3A_448 = tpu.vector_load %arg6[%parallel_loop3A_447] {strides = array<i32>} : memref<12800xf32, #tpu.memory_space<vmem>>, vector<16xf32>,
        %parallel_loop3A_449 = vector.shape_cast %parallel_loop3A_448 : vector<16xf32> to vector<16xf32>
        %parallel_loop3A_450 = arith.addf %parallel_loop3A_444, %parallel_loop3A_449 : vector<16xf32>
        %parallel_loop3A_451 = arith.constant 0 : i32
        %parallel_loop3A_452 = tpu.memref_slice %arg13[%parallel_loop3A_385, %parallel_loop3A_451] : memref<104x64xf32, #tpu.memory_space<vmem>> -> memref<1x64xf32, #tpu.memory_space<vmem>>
        %parallel_loop3A_453 = tpu.memref_squeeze %parallel_loop3A_452 : memref<1x64xf32, #tpu.memory_space<vmem>> -> memref<64xf32, #tpu.memory_space<vmem>>
        %parallel_loop3A_454 = arith.constant 32 : index
        %parallel_loop3A_455 = tpu.vector_load %parallel_loop3A_453[%parallel_loop3A_454] {strides = array<i32>} : memref<64xf32, #tpu.memory_space<vmem>>, vector<16xf32>,
        %parallel_loop3A_456 = vector.shape_cast %parallel_loop3A_455 : vector<16xf32> to vector<16xf32>
        %parallel_loop3A_457 = vector.shape_cast %parallel_loop3A_450 : vector<16xf32> to vector<16xf32>
        tpu.vector_store %parallel_loop3A_453[%parallel_loop3A_454], %parallel_loop3A_457 {strides = array<i32>} : memref<64xf32, #tpu.memory_space<vmem>>, vector<16xf32>,
        %parallel_loop3A_458 = arith.constant 0 : i32
        %parallel_loop3A_459 = tpu.memref_slice %arg9[%parallel_loop3A_383, %parallel_loop3A_458] : memref<104x128xf32, #tpu.memory_space<vmem>> -> memref<1x128xf32, #tpu.memory_space<vmem>>
        %parallel_loop3A_460 = tpu.memref_squeeze %parallel_loop3A_459 : memref<1x128xf32, #tpu.memory_space<vmem>> -> memref<128xf32, #tpu.memory_space<vmem>>
        %parallel_loop3A_461 = arith.constant 48 : index
        %parallel_loop3A_462 = tpu.vector_load %parallel_loop3A_460[%parallel_loop3A_461] {strides = array<i32>} : memref<128xf32, #tpu.memory_space<vmem>>, vector<16xf32>,
        %parallel_loop3A_463 = vector.shape_cast %parallel_loop3A_462 : vector<16xf32> to vector<16xf32>
        %parallel_loop3A_464 = arith.constant 8.000000e+00 : f32
        %parallel_loop3A_465 = vector.broadcast %parallel_loop3A_464 : f32 to vector<16xf32>
        %parallel_loop3A_466 = arith.mulf %parallel_loop3A_463, %parallel_loop3A_465 : vector<16xf32>
        %parallel_loop3A_467 = arith.constant 48 : i32
        %parallel_loop3A_468 = arith.addi %parallel_loop3A_391, %parallel_loop3A_467 : i32
        %parallel_loop3A_469 = arith.index_cast %parallel_loop3A_468 : i32 to index
        %parallel_loop3A_470 = tpu.vector_load %arg6[%parallel_loop3A_469] {strides = array<i32>} : memref<12800xf32, #tpu.memory_space<vmem>>, vector<16xf32>,
        %parallel_loop3A_471 = vector.shape_cast %parallel_loop3A_470 : vector<16xf32> to vector<16xf32>
        %parallel_loop3A_472 = arith.addf %parallel_loop3A_466, %parallel_loop3A_471 : vector<16xf32>
        %parallel_loop3A_473 = arith.constant 0 : i32
        %parallel_loop3A_474 = tpu.memref_slice %arg13[%parallel_loop3A_385, %parallel_loop3A_473] : memref<104x64xf32, #tpu.memory_space<vmem>> -> memref<1x64xf32, #tpu.memory_space<vmem>>
        %parallel_loop3A_475 = tpu.memref_squeeze %parallel_loop3A_474 : memref<1x64xf32, #tpu.memory_space<vmem>> -> memref<64xf32, #tpu.memory_space<vmem>>
        %parallel_loop3A_476 = arith.constant 48 : index
        %parallel_loop3A_477 = tpu.vector_load %parallel_loop3A_475[%parallel_loop3A_476] {strides = array<i32>} : memref<64xf32, #tpu.memory_space<vmem>>, vector<16xf32>,
        %parallel_loop3A_478 = vector.shape_cast %parallel_loop3A_477 : vector<16xf32> to vector<16xf32>
        %parallel_loop3A_479 = vector.shape_cast %parallel_loop3A_472 : vector<16xf32> to vector<16xf32>
        tpu.vector_store %parallel_loop3A_475[%parallel_loop3A_476], %parallel_loop3A_479 {strides = array<i32>} : memref<64xf32, #tpu.memory_space<vmem>>, vector<16xf32>,
      } {sc.loop_unroll_factor = 8 : i64, sc.parallel_access}
      %add3A_145 = arith.addi %mul3A_2, %add3A_125 : i32
      %mul3A_146 = arith.constant 200 : i32
      %mul3A_147 = arith.muli %add3A_145, %mul3A_146 : i32
      %add3A_148 = arith.constant 104 : i32
      %add3A_149 = arith.addi %mul3A_147, %add3A_148 : i32
      %dma_start3A_150 = arith.constant 0 : i32
      %dma_start3A_151 = arith.constant 0 : i32
      %dma_start3A_152 = tpu.memref_slice %arg13[%dma_start3A_150, %dma_start3A_151] : memref<104x64xf32, #tpu.memory_space<vmem>> -> memref<96x64xf32, #tpu.memory_space<vmem>>
      %dma_start3A_153 = arith.constant 0 : i32
      %dma_start3A_154 = tpu.memref_slice %arg5[%add3A_149, %dma_start3A_153] : memref<819200x64xf32, #tpu.memory_space<hbm>> -> memref<96x64xf32, #tpu.memory_space<hbm>>
      %dma_start3A_155 = arith.constant 0 : i32
      %dma_start3A_156 = tpu.memref_slice %arg5[%add3A_149, %dma_start3A_155] : memref<819200x64xf32, #tpu.memory_space<hbm>> -> memref<96x64xf32, #tpu.memory_space<hbm>>
      %dma_start3A_157 = arith.constant 0 : i32
      %dma_start3A_158 = arith.constant 0 : i32
      %dma_start3A_159 = tpu.memref_slice %arg13[%dma_start3A_157, %dma_start3A_158] : memref<104x64xf32, #tpu.memory_space<vmem>> -> memref<96x64xf32, #tpu.memory_space<vmem>>
      tpu.enqueue_dma source(%dma_start3A_159 : memref<96x64xf32, #tpu.memory_space<vmem>>) target(%dma_start3A_156 : memref<96x64xf32, #tpu.memory_space<hbm>>) target_semaphore(%arg19 : memref<!tpu.dma_semaphore, #tpu.memory_space<semaphore_mem>>)
      %add3A_160 = arith.constant 1 : i32
      %add3A_161 = arith.addi %add3A_67, %add3A_160 : i32
      %add3A_162 = arith.constant 3 : i32
      %add3A_163 = arith.addi %add3A_161, %add3A_162 : i32
      %lt3A_164 = arith.constant 256 : i32
      %lt3A_165 = arith.cmpi slt, %add3A_163, %lt3A_164 : i32
      %convert_element_type3A_166 = arith.extui %lt3A_165 : i1 to i32
      %cond3A_167 = arith.constant 0 : i32
      %cond3A_168 = arith.cmpi ne, %convert_element_type3A_166, %cond3A_167 : i32
      scf.if %cond3A_168 {
        %jit3A_283 = arith.constant 2 : i32
        %div3A_284 = arith.divsi %add3A_67, %jit3A_283 : i32
        %sign3A_285 = arith.constant 0 : i32
        %sign3A_286 = arith.cmpi sgt, %add3A_67, %sign3A_285 : i32
        %sign3A_287 = arith.extui %sign3A_286 : i1 to i32
        %sign3A_288 = arith.constant 0 : i32
        %sign3A_289 = arith.cmpi slt, %add3A_67, %sign3A_288 : i32
        %sign3A_290 = arith.extui %sign3A_289 : i1 to i32
        %sign3A_291 = arith.subi %sign3A_287, %sign3A_290 : i32
        %sign3A_292 = arith.constant 0 : i32
        %sign3A_293 = arith.cmpi sgt, %jit3A_283, %sign3A_292 : i32
        %sign3A_294 = arith.extui %sign3A_293 : i1 to i32
        %sign3A_295 = arith.constant 0 : i32
        %sign3A_296 = arith.cmpi slt, %jit3A_283, %sign3A_295 : i32
        %sign3A_297 = arith.extui %sign3A_296 : i1 to i32
        %sign3A_298 = arith.subi %sign3A_294, %sign3A_297 : i32
        %ne3A_299 = arith.cmpi ne, %sign3A_291, %sign3A_298 : i32
        %rem3A_300 = arith.remsi %add3A_67, %jit3A_283 : i32
        %ne3A_301 = arith.constant 0 : i32
        %ne3A_302 = arith.cmpi ne, %rem3A_300, %ne3A_301 : i32
        %and3A_303 = arith.andi %ne3A_299, %ne3A_302 : i1
        %sub3A_304 = arith.constant 1 : i32
        %sub3A_305 = arith.subi %div3A_284, %sub3A_304 : i32
        %select_n3A_306 = arith.select %and3A_303, %sub3A_305, %div3A_284 : i32
        %add3A_307 = arith.constant 2 : i32
        %add3A_308 = arith.addi %select_n3A_306, %add3A_307 : i32
        %mul3A_309 = arith.constant 200 : i32
        %mul3A_310 = arith.muli %add3A_308, %mul3A_309 : i32
        %add3A_311 = arith.constant 0 : i32
        %add3A_312 = arith.addi %mul3A_310, %add3A_311 : i32
        %dma_start3A_313 = arith.constant 0 : i32
        %dma_start3A_314 = arith.constant 0 : i32
        %dma_start3A_315 = tpu.memref_slice %arg8[%dma_start3A_313, %dma_start3A_314] : memref<104x128xf32, #tpu.memory_space<vmem>> -> memref<104x128xf32, #tpu.memory_space<vmem>>
        %dma_start3A_316 = tpu.memref_slice %arg7[%add3A_312] : memref<25600xi32, #tpu.memory_space<vmem>> -> memref<104xi32, #tpu.memory_space<vmem>>
        %dma_start3A_317 = arith.constant 0 : i32
        %dma_start3A_318 = arith.constant 0 : i32
        %dma_start3A_319 = tpu.memref_slice %arg3[%dma_start3A_317, %dma_start3A_318] : memref<1000000x128xf32, #tpu.memory_space<hbm>> -> memref<1000000x128xf32, #tpu.memory_space<hbm>>
        tpu.enqueue_indirect_dma source(%dma_start3A_319 : memref<1000000x128xf32, #tpu.memory_space<hbm>>) target(%dma_start3A_315 : memref<104x128xf32, #tpu.memory_space<vmem>>) offsets(%dma_start3A_316 : memref<104xi32, #tpu.memory_space<vmem>>) semaphore(%arg14 : memref<!tpu.dma_semaphore, #tpu.memory_space<semaphore_mem>>)
      } else {
      }
      %add3A_169 = arith.constant 1 : i32
      %add3A_170 = arith.addi %select_n3A, %add3A_169 : i32
      %mul3A_171 = arith.constant 200 : i32
      %mul3A_172 = arith.muli %add3A_170, %mul3A_171 : i32
      %add3A_173 = arith.constant 0 : i32
      %add3A_174 = arith.addi %mul3A_172, %add3A_173 : i32
      %dma_wait3A_175 = arith.constant 0 : i32
      %dma_wait3A_176 = arith.constant 0 : i32
      %dma_wait3A_177 = tpu.memref_slice %arg10[%dma_wait3A_175, %dma_wait3A_176] : memref<104x128xf32, #tpu.memory_space<vmem>> -> memref<104x128xf32, #tpu.memory_space<vmem>>
      %dma_wait3A_178 = tpu.memref_slice %arg7[%add3A_174] : memref<25600xi32, #tpu.memory_space<vmem>> -> memref<104xi32, #tpu.memory_space<vmem>>
      %dma_wait3A_179 = arith.constant 0 : i32
      %dma_wait3A_180 = arith.constant 0 : i32
      %dma_wait3A_181 = tpu.memref_slice %arg3[%dma_wait3A_179, %dma_wait3A_180] : memref<1000000x128xf32, #tpu.memory_space<hbm>> -> memref<1000000x128xf32, #tpu.memory_space<hbm>>
      tpu.wait_indirect_dma semaphore(%arg16 : memref<!tpu.dma_semaphore, #tpu.memory_space<semaphore_mem>>) src(%dma_wait3A_181 : memref<1000000x128xf32, #tpu.memory_space<hbm>>) dst(%dma_wait3A_177 : memref<104x128xf32, #tpu.memory_space<vmem>>)
      %sub3A_182 = arith.constant 1 : i32
      %sub3A_183 = arith.subi %add3A_170, %sub3A_182 : i32
      %add3A_184 = arith.addi %mul3A_2, %sub3A_183 : i32
      %mul3A_185 = arith.constant 200 : i32
      %mul3A_186 = arith.muli %add3A_184, %mul3A_185 : i32
      %add3A_187 = arith.constant 0 : i32
      %add3A_188 = arith.addi %mul3A_186, %add3A_187 : i32
      %dma_wait3A_189 = arith.constant 0 : i32
      %dma_wait3A_190 = arith.constant 0 : i32
      %dma_wait3A_191 = tpu.memref_slice %arg12[%dma_wait3A_189, %dma_wait3A_190] : memref<104x64xf32, #tpu.memory_space<vmem>> -> memref<104x64xf32, #tpu.memory_space<vmem>>
      %dma_wait3A_192 = arith.constant 0 : i32
      %dma_wait3A_193 = tpu.memref_slice %arg5[%add3A_188, %dma_wait3A_192] : memref<819200x64xf32, #tpu.memory_space<hbm>> -> memref<104x64xf32, #tpu.memory_space<hbm>>
      %dma_wait3A_194 = arith.constant 0 : i32
      %dma_wait3A_195 = tpu.memref_slice %arg5[%add3A_188, %dma_wait3A_194] : memref<819200x64xf32, #tpu.memory_space<hbm>> -> memref<104x64xf32, #tpu.memory_space<hbm>>
      %dma_wait3A_196 = arith.constant 0 : i32
      %dma_wait3A_197 = arith.constant 0 : i32
      %dma_wait3A_198 = tpu.memref_slice %arg12[%dma_wait3A_196, %dma_wait3A_197] : memref<104x64xf32, #tpu.memory_space<vmem>> -> memref<104x64xf32, #tpu.memory_space<vmem>>
      tpu.wait_dma2 semaphore(%arg18 : memref<!tpu.dma_semaphore, #tpu.memory_space<semaphore_mem>>) src(%dma_wait3A_198 : memref<104x64xf32, #tpu.memory_space<vmem>>) dst(%dma_wait3A_195 : memref<104x64xf32, #tpu.memory_space<hbm>>)
      %parallel_loop3A_199 = arith.constant 0 : i32
      %parallel_loop3A_200 = arith.constant 104 : i32
      %parallel_loop3A_201 = arith.constant 2 : i32
      scf.for %parallel_loop3A_283 = %parallel_loop3A_199 to %parallel_loop3A_200 step %parallel_loop3A_201  : i32 {
        %parallel_loop3A_284 = arith.constant 0 : i32
        %parallel_loop3A_285 = arith.addi %parallel_loop3A_283, %parallel_loop3A_284 : i32
        %parallel_loop3A_286 = arith.constant 0 : i32
        %parallel_loop3A_287 = arith.addi %parallel_loop3A_283, %parallel_loop3A_286 : i32
        %parallel_loop3A_288 = arith.constant 0 : i32
        %parallel_loop3A_289 = arith.addi %parallel_loop3A_288, %parallel_loop3A_283 : i32
        %parallel_loop3A_290 = arith.constant 0 : i32
        %parallel_loop3A_291 = arith.addi %parallel_loop3A_289, %parallel_loop3A_290 : i32
        %parallel_loop3A_292 = arith.constant 64 : i32
        %parallel_loop3A_293 = arith.muli %parallel_loop3A_291, %parallel_loop3A_292 : i32
        %parallel_loop3A_294 = arith.constant 0 : i32
        %parallel_loop3A_295 = tpu.memref_slice %arg10[%parallel_loop3A_285, %parallel_loop3A_294] : memref<104x128xf32, #tpu.memory_space<vmem>> -> memref<1x128xf32, #tpu.memory_space<vmem>>
        %parallel_loop3A_296 = tpu.memref_squeeze %parallel_loop3A_295 : memref<1x128xf32, #tpu.memory_space<vmem>> -> memref<128xf32, #tpu.memory_space<vmem>>
        %parallel_loop3A_297 = arith.constant 0 : index
        %parallel_loop3A_298 = tpu.vector_load %parallel_loop3A_296[%parallel_loop3A_297] {strides = array<i32>} : memref<128xf32, #tpu.memory_space<vmem>>, vector<16xf32>,
        %parallel_loop3A_299 = vector.shape_cast %parallel_loop3A_298 : vector<16xf32> to vector<16xf32>
        %parallel_loop3A_300 = arith.constant 8.000000e+00 : f32
        %parallel_loop3A_301 = vector.broadcast %parallel_loop3A_300 : f32 to vector<16xf32>
        %parallel_loop3A_302 = arith.mulf %parallel_loop3A_299, %parallel_loop3A_301 : vector<16xf32>
        %parallel_loop3A_303 = arith.constant 0 : i32
        %parallel_loop3A_304 = arith.addi %parallel_loop3A_293, %parallel_loop3A_303 : i32
        %parallel_loop3A_305 = arith.index_cast %parallel_loop3A_304 : i32 to index
        %parallel_loop3A_306 = tpu.vector_load %arg6[%parallel_loop3A_305] {strides = array<i32>} : memref<12800xf32, #tpu.memory_space<vmem>>, vector<16xf32>,
        %parallel_loop3A_307 = vector.shape_cast %parallel_loop3A_306 : vector<16xf32> to vector<16xf32>
        %parallel_loop3A_308 = arith.addf %parallel_loop3A_302, %parallel_loop3A_307 : vector<16xf32>
        %parallel_loop3A_309 = arith.constant 0 : i32
        %parallel_loop3A_310 = tpu.memref_slice %arg12[%parallel_loop3A_287, %parallel_loop3A_309] : memref<104x64xf32, #tpu.memory_space<vmem>> -> memref<1x64xf32, #tpu.memory_space<vmem>>
        %parallel_loop3A_311 = tpu.memref_squeeze %parallel_loop3A_310 : memref<1x64xf32, #tpu.memory_space<vmem>> -> memref<64xf32, #tpu.memory_space<vmem>>
        %parallel_loop3A_312 = arith.constant 0 : index
        %parallel_loop3A_313 = tpu.vector_load %parallel_loop3A_311[%parallel_loop3A_312] {strides = array<i32>} : memref<64xf32, #tpu.memory_space<vmem>>, vector<16xf32>,
        %parallel_loop3A_314 = vector.shape_cast %parallel_loop3A_313 : vector<16xf32> to vector<16xf32>
        %parallel_loop3A_315 = vector.shape_cast %parallel_loop3A_308 : vector<16xf32> to vector<16xf32>
        tpu.vector_store %parallel_loop3A_311[%parallel_loop3A_312], %parallel_loop3A_315 {strides = array<i32>} : memref<64xf32, #tpu.memory_space<vmem>>, vector<16xf32>,
        %parallel_loop3A_316 = arith.constant 0 : i32
        %parallel_loop3A_317 = tpu.memref_slice %arg10[%parallel_loop3A_285, %parallel_loop3A_316] : memref<104x128xf32, #tpu.memory_space<vmem>> -> memref<1x128xf32, #tpu.memory_space<vmem>>
        %parallel_loop3A_318 = tpu.memref_squeeze %parallel_loop3A_317 : memref<1x128xf32, #tpu.memory_space<vmem>> -> memref<128xf32, #tpu.memory_space<vmem>>
        %parallel_loop3A_319 = arith.constant 16 : index
        %parallel_loop3A_320 = tpu.vector_load %parallel_loop3A_318[%parallel_loop3A_319] {strides = array<i32>} : memref<128xf32, #tpu.memory_space<vmem>>, vector<16xf32>,
        %parallel_loop3A_321 = vector.shape_cast %parallel_loop3A_320 : vector<16xf32> to vector<16xf32>
        %parallel_loop3A_322 = arith.constant 8.000000e+00 : f32
        %parallel_loop3A_323 = vector.broadcast %parallel_loop3A_322 : f32 to vector<16xf32>
        %parallel_loop3A_324 = arith.mulf %parallel_loop3A_321, %parallel_loop3A_323 : vector<16xf32>
        %parallel_loop3A_325 = arith.constant 16 : i32
        %parallel_loop3A_326 = arith.addi %parallel_loop3A_293, %parallel_loop3A_325 : i32
        %parallel_loop3A_327 = arith.index_cast %parallel_loop3A_326 : i32 to index
        %parallel_loop3A_328 = tpu.vector_load %arg6[%parallel_loop3A_327] {strides = array<i32>} : memref<12800xf32, #tpu.memory_space<vmem>>, vector<16xf32>,
        %parallel_loop3A_329 = vector.shape_cast %parallel_loop3A_328 : vector<16xf32> to vector<16xf32>
        %parallel_loop3A_330 = arith.addf %parallel_loop3A_324, %parallel_loop3A_329 : vector<16xf32>
        %parallel_loop3A_331 = arith.constant 0 : i32
        %parallel_loop3A_332 = tpu.memref_slice %arg12[%parallel_loop3A_287, %parallel_loop3A_331] : memref<104x64xf32, #tpu.memory_space<vmem>> -> memref<1x64xf32, #tpu.memory_space<vmem>>
        %parallel_loop3A_333 = tpu.memref_squeeze %parallel_loop3A_332 : memref<1x64xf32, #tpu.memory_space<vmem>> -> memref<64xf32, #tpu.memory_space<vmem>>
        %parallel_loop3A_334 = arith.constant 16 : index
        %parallel_loop3A_335 = tpu.vector_load %parallel_loop3A_333[%parallel_loop3A_334] {strides = array<i32>} : memref<64xf32, #tpu.memory_space<vmem>>, vector<16xf32>,
        %parallel_loop3A_336 = vector.shape_cast %parallel_loop3A_335 : vector<16xf32> to vector<16xf32>
        %parallel_loop3A_337 = vector.shape_cast %parallel_loop3A_330 : vector<16xf32> to vector<16xf32>
        tpu.vector_store %parallel_loop3A_333[%parallel_loop3A_334], %parallel_loop3A_337 {strides = array<i32>} : memref<64xf32, #tpu.memory_space<vmem>>, vector<16xf32>,
        %parallel_loop3A_338 = arith.constant 0 : i32
        %parallel_loop3A_339 = tpu.memref_slice %arg10[%parallel_loop3A_285, %parallel_loop3A_338] : memref<104x128xf32, #tpu.memory_space<vmem>> -> memref<1x128xf32, #tpu.memory_space<vmem>>
        %parallel_loop3A_340 = tpu.memref_squeeze %parallel_loop3A_339 : memref<1x128xf32, #tpu.memory_space<vmem>> -> memref<128xf32, #tpu.memory_space<vmem>>
        %parallel_loop3A_341 = arith.constant 32 : index
        %parallel_loop3A_342 = tpu.vector_load %parallel_loop3A_340[%parallel_loop3A_341] {strides = array<i32>} : memref<128xf32, #tpu.memory_space<vmem>>, vector<16xf32>,
        %parallel_loop3A_343 = vector.shape_cast %parallel_loop3A_342 : vector<16xf32> to vector<16xf32>
        %parallel_loop3A_344 = arith.constant 8.000000e+00 : f32
        %parallel_loop3A_345 = vector.broadcast %parallel_loop3A_344 : f32 to vector<16xf32>
        %parallel_loop3A_346 = arith.mulf %parallel_loop3A_343, %parallel_loop3A_345 : vector<16xf32>
        %parallel_loop3A_347 = arith.constant 32 : i32
        %parallel_loop3A_348 = arith.addi %parallel_loop3A_293, %parallel_loop3A_347 : i32
        %parallel_loop3A_349 = arith.index_cast %parallel_loop3A_348 : i32 to index
        %parallel_loop3A_350 = tpu.vector_load %arg6[%parallel_loop3A_349] {strides = array<i32>} : memref<12800xf32, #tpu.memory_space<vmem>>, vector<16xf32>,
        %parallel_loop3A_351 = vector.shape_cast %parallel_loop3A_350 : vector<16xf32> to vector<16xf32>
        %parallel_loop3A_352 = arith.addf %parallel_loop3A_346, %parallel_loop3A_351 : vector<16xf32>
        %parallel_loop3A_353 = arith.constant 0 : i32
        %parallel_loop3A_354 = tpu.memref_slice %arg12[%parallel_loop3A_287, %parallel_loop3A_353] : memref<104x64xf32, #tpu.memory_space<vmem>> -> memref<1x64xf32, #tpu.memory_space<vmem>>
        %parallel_loop3A_355 = tpu.memref_squeeze %parallel_loop3A_354 : memref<1x64xf32, #tpu.memory_space<vmem>> -> memref<64xf32, #tpu.memory_space<vmem>>
        %parallel_loop3A_356 = arith.constant 32 : index
        %parallel_loop3A_357 = tpu.vector_load %parallel_loop3A_355[%parallel_loop3A_356] {strides = array<i32>} : memref<64xf32, #tpu.memory_space<vmem>>, vector<16xf32>,
        %parallel_loop3A_358 = vector.shape_cast %parallel_loop3A_357 : vector<16xf32> to vector<16xf32>
        %parallel_loop3A_359 = vector.shape_cast %parallel_loop3A_352 : vector<16xf32> to vector<16xf32>
        tpu.vector_store %parallel_loop3A_355[%parallel_loop3A_356], %parallel_loop3A_359 {strides = array<i32>} : memref<64xf32, #tpu.memory_space<vmem>>, vector<16xf32>,
        %parallel_loop3A_360 = arith.constant 0 : i32
        %parallel_loop3A_361 = tpu.memref_slice %arg10[%parallel_loop3A_285, %parallel_loop3A_360] : memref<104x128xf32, #tpu.memory_space<vmem>> -> memref<1x128xf32, #tpu.memory_space<vmem>>
        %parallel_loop3A_362 = tpu.memref_squeeze %parallel_loop3A_361 : memref<1x128xf32, #tpu.memory_space<vmem>> -> memref<128xf32, #tpu.memory_space<vmem>>
        %parallel_loop3A_363 = arith.constant 48 : index
        %parallel_loop3A_364 = tpu.vector_load %parallel_loop3A_362[%parallel_loop3A_363] {strides = array<i32>} : memref<128xf32, #tpu.memory_space<vmem>>, vector<16xf32>,
        %parallel_loop3A_365 = vector.shape_cast %parallel_loop3A_364 : vector<16xf32> to vector<16xf32>
        %parallel_loop3A_366 = arith.constant 8.000000e+00 : f32
        %parallel_loop3A_367 = vector.broadcast %parallel_loop3A_366 : f32 to vector<16xf32>
        %parallel_loop3A_368 = arith.mulf %parallel_loop3A_365, %parallel_loop3A_367 : vector<16xf32>
        %parallel_loop3A_369 = arith.constant 48 : i32
        %parallel_loop3A_370 = arith.addi %parallel_loop3A_293, %parallel_loop3A_369 : i32
        %parallel_loop3A_371 = arith.index_cast %parallel_loop3A_370 : i32 to index
        %parallel_loop3A_372 = tpu.vector_load %arg6[%parallel_loop3A_371] {strides = array<i32>} : memref<12800xf32, #tpu.memory_space<vmem>>, vector<16xf32>,
        %parallel_loop3A_373 = vector.shape_cast %parallel_loop3A_372 : vector<16xf32> to vector<16xf32>
        %parallel_loop3A_374 = arith.addf %parallel_loop3A_368, %parallel_loop3A_373 : vector<16xf32>
        %parallel_loop3A_375 = arith.constant 0 : i32
        %parallel_loop3A_376 = tpu.memref_slice %arg12[%parallel_loop3A_287, %parallel_loop3A_375] : memref<104x64xf32, #tpu.memory_space<vmem>> -> memref<1x64xf32, #tpu.memory_space<vmem>>
        %parallel_loop3A_377 = tpu.memref_squeeze %parallel_loop3A_376 : memref<1x64xf32, #tpu.memory_space<vmem>> -> memref<64xf32, #tpu.memory_space<vmem>>
        %parallel_loop3A_378 = arith.constant 48 : index
        %parallel_loop3A_379 = tpu.vector_load %parallel_loop3A_377[%parallel_loop3A_378] {strides = array<i32>} : memref<64xf32, #tpu.memory_space<vmem>>, vector<16xf32>,
        %parallel_loop3A_380 = vector.shape_cast %parallel_loop3A_379 : vector<16xf32> to vector<16xf32>
        %parallel_loop3A_381 = vector.shape_cast %parallel_loop3A_374 : vector<16xf32> to vector<16xf32>
        tpu.vector_store %parallel_loop3A_377[%parallel_loop3A_378], %parallel_loop3A_381 {strides = array<i32>} : memref<64xf32, #tpu.memory_space<vmem>>, vector<16xf32>,
        %parallel_loop3A_382 = arith.constant 1 : i32
        %parallel_loop3A_383 = arith.addi %parallel_loop3A_283, %parallel_loop3A_382 : i32
        %parallel_loop3A_384 = arith.constant 1 : i32
        %parallel_loop3A_385 = arith.addi %parallel_loop3A_283, %parallel_loop3A_384 : i32
        %parallel_loop3A_386 = arith.constant 0 : i32
        %parallel_loop3A_387 = arith.addi %parallel_loop3A_386, %parallel_loop3A_283 : i32
        %parallel_loop3A_388 = arith.constant 1 : i32
        %parallel_loop3A_389 = arith.addi %parallel_loop3A_387, %parallel_loop3A_388 : i32
        %parallel_loop3A_390 = arith.constant 64 : i32
        %parallel_loop3A_391 = arith.muli %parallel_loop3A_389, %parallel_loop3A_390 : i32
        %parallel_loop3A_392 = arith.constant 0 : i32
        %parallel_loop3A_393 = tpu.memref_slice %arg10[%parallel_loop3A_383, %parallel_loop3A_392] : memref<104x128xf32, #tpu.memory_space<vmem>> -> memref<1x128xf32, #tpu.memory_space<vmem>>
        %parallel_loop3A_394 = tpu.memref_squeeze %parallel_loop3A_393 : memref<1x128xf32, #tpu.memory_space<vmem>> -> memref<128xf32, #tpu.memory_space<vmem>>
        %parallel_loop3A_395 = arith.constant 0 : index
        %parallel_loop3A_396 = tpu.vector_load %parallel_loop3A_394[%parallel_loop3A_395] {strides = array<i32>} : memref<128xf32, #tpu.memory_space<vmem>>, vector<16xf32>,
        %parallel_loop3A_397 = vector.shape_cast %parallel_loop3A_396 : vector<16xf32> to vector<16xf32>
        %parallel_loop3A_398 = arith.constant 8.000000e+00 : f32
        %parallel_loop3A_399 = vector.broadcast %parallel_loop3A_398 : f32 to vector<16xf32>
        %parallel_loop3A_400 = arith.mulf %parallel_loop3A_397, %parallel_loop3A_399 : vector<16xf32>
        %parallel_loop3A_401 = arith.constant 0 : i32
        %parallel_loop3A_402 = arith.addi %parallel_loop3A_391, %parallel_loop3A_401 : i32
        %parallel_loop3A_403 = arith.index_cast %parallel_loop3A_402 : i32 to index
        %parallel_loop3A_404 = tpu.vector_load %arg6[%parallel_loop3A_403] {strides = array<i32>} : memref<12800xf32, #tpu.memory_space<vmem>>, vector<16xf32>,
        %parallel_loop3A_405 = vector.shape_cast %parallel_loop3A_404 : vector<16xf32> to vector<16xf32>
        %parallel_loop3A_406 = arith.addf %parallel_loop3A_400, %parallel_loop3A_405 : vector<16xf32>
        %parallel_loop3A_407 = arith.constant 0 : i32
        %parallel_loop3A_408 = tpu.memref_slice %arg12[%parallel_loop3A_385, %parallel_loop3A_407] : memref<104x64xf32, #tpu.memory_space<vmem>> -> memref<1x64xf32, #tpu.memory_space<vmem>>
        %parallel_loop3A_409 = tpu.memref_squeeze %parallel_loop3A_408 : memref<1x64xf32, #tpu.memory_space<vmem>> -> memref<64xf32, #tpu.memory_space<vmem>>
        %parallel_loop3A_410 = arith.constant 0 : index
        %parallel_loop3A_411 = tpu.vector_load %parallel_loop3A_409[%parallel_loop3A_410] {strides = array<i32>} : memref<64xf32, #tpu.memory_space<vmem>>, vector<16xf32>,
        %parallel_loop3A_412 = vector.shape_cast %parallel_loop3A_411 : vector<16xf32> to vector<16xf32>
        %parallel_loop3A_413 = vector.shape_cast %parallel_loop3A_406 : vector<16xf32> to vector<16xf32>
        tpu.vector_store %parallel_loop3A_409[%parallel_loop3A_410], %parallel_loop3A_413 {strides = array<i32>} : memref<64xf32, #tpu.memory_space<vmem>>, vector<16xf32>,
        %parallel_loop3A_414 = arith.constant 0 : i32
        %parallel_loop3A_415 = tpu.memref_slice %arg10[%parallel_loop3A_383, %parallel_loop3A_414] : memref<104x128xf32, #tpu.memory_space<vmem>> -> memref<1x128xf32, #tpu.memory_space<vmem>>
        %parallel_loop3A_416 = tpu.memref_squeeze %parallel_loop3A_415 : memref<1x128xf32, #tpu.memory_space<vmem>> -> memref<128xf32, #tpu.memory_space<vmem>>
        %parallel_loop3A_417 = arith.constant 16 : index
        %parallel_loop3A_418 = tpu.vector_load %parallel_loop3A_416[%parallel_loop3A_417] {strides = array<i32>} : memref<128xf32, #tpu.memory_space<vmem>>, vector<16xf32>,
        %parallel_loop3A_419 = vector.shape_cast %parallel_loop3A_418 : vector<16xf32> to vector<16xf32>
        %parallel_loop3A_420 = arith.constant 8.000000e+00 : f32
        %parallel_loop3A_421 = vector.broadcast %parallel_loop3A_420 : f32 to vector<16xf32>
        %parallel_loop3A_422 = arith.mulf %parallel_loop3A_419, %parallel_loop3A_421 : vector<16xf32>
        %parallel_loop3A_423 = arith.constant 16 : i32
        %parallel_loop3A_424 = arith.addi %parallel_loop3A_391, %parallel_loop3A_423 : i32
        %parallel_loop3A_425 = arith.index_cast %parallel_loop3A_424 : i32 to index
        %parallel_loop3A_426 = tpu.vector_load %arg6[%parallel_loop3A_425] {strides = array<i32>} : memref<12800xf32, #tpu.memory_space<vmem>>, vector<16xf32>,
        %parallel_loop3A_427 = vector.shape_cast %parallel_loop3A_426 : vector<16xf32> to vector<16xf32>
        %parallel_loop3A_428 = arith.addf %parallel_loop3A_422, %parallel_loop3A_427 : vector<16xf32>
        %parallel_loop3A_429 = arith.constant 0 : i32
        %parallel_loop3A_430 = tpu.memref_slice %arg12[%parallel_loop3A_385, %parallel_loop3A_429] : memref<104x64xf32, #tpu.memory_space<vmem>> -> memref<1x64xf32, #tpu.memory_space<vmem>>
        %parallel_loop3A_431 = tpu.memref_squeeze %parallel_loop3A_430 : memref<1x64xf32, #tpu.memory_space<vmem>> -> memref<64xf32, #tpu.memory_space<vmem>>
        %parallel_loop3A_432 = arith.constant 16 : index
        %parallel_loop3A_433 = tpu.vector_load %parallel_loop3A_431[%parallel_loop3A_432] {strides = array<i32>} : memref<64xf32, #tpu.memory_space<vmem>>, vector<16xf32>,
        %parallel_loop3A_434 = vector.shape_cast %parallel_loop3A_433 : vector<16xf32> to vector<16xf32>
        %parallel_loop3A_435 = vector.shape_cast %parallel_loop3A_428 : vector<16xf32> to vector<16xf32>
        tpu.vector_store %parallel_loop3A_431[%parallel_loop3A_432], %parallel_loop3A_435 {strides = array<i32>} : memref<64xf32, #tpu.memory_space<vmem>>, vector<16xf32>,
        %parallel_loop3A_436 = arith.constant 0 : i32
        %parallel_loop3A_437 = tpu.memref_slice %arg10[%parallel_loop3A_383, %parallel_loop3A_436] : memref<104x128xf32, #tpu.memory_space<vmem>> -> memref<1x128xf32, #tpu.memory_space<vmem>>
        %parallel_loop3A_438 = tpu.memref_squeeze %parallel_loop3A_437 : memref<1x128xf32, #tpu.memory_space<vmem>> -> memref<128xf32, #tpu.memory_space<vmem>>
        %parallel_loop3A_439 = arith.constant 32 : index
        %parallel_loop3A_440 = tpu.vector_load %parallel_loop3A_438[%parallel_loop3A_439] {strides = array<i32>} : memref<128xf32, #tpu.memory_space<vmem>>, vector<16xf32>,
        %parallel_loop3A_441 = vector.shape_cast %parallel_loop3A_440 : vector<16xf32> to vector<16xf32>
        %parallel_loop3A_442 = arith.constant 8.000000e+00 : f32
        %parallel_loop3A_443 = vector.broadcast %parallel_loop3A_442 : f32 to vector<16xf32>
        %parallel_loop3A_444 = arith.mulf %parallel_loop3A_441, %parallel_loop3A_443 : vector<16xf32>
        %parallel_loop3A_445 = arith.constant 32 : i32
        %parallel_loop3A_446 = arith.addi %parallel_loop3A_391, %parallel_loop3A_445 : i32
        %parallel_loop3A_447 = arith.index_cast %parallel_loop3A_446 : i32 to index
        %parallel_loop3A_448 = tpu.vector_load %arg6[%parallel_loop3A_447] {strides = array<i32>} : memref<12800xf32, #tpu.memory_space<vmem>>, vector<16xf32>,
        %parallel_loop3A_449 = vector.shape_cast %parallel_loop3A_448 : vector<16xf32> to vector<16xf32>
        %parallel_loop3A_450 = arith.addf %parallel_loop3A_444, %parallel_loop3A_449 : vector<16xf32>
        %parallel_loop3A_451 = arith.constant 0 : i32
        %parallel_loop3A_452 = tpu.memref_slice %arg12[%parallel_loop3A_385, %parallel_loop3A_451] : memref<104x64xf32, #tpu.memory_space<vmem>> -> memref<1x64xf32, #tpu.memory_space<vmem>>
        %parallel_loop3A_453 = tpu.memref_squeeze %parallel_loop3A_452 : memref<1x64xf32, #tpu.memory_space<vmem>> -> memref<64xf32, #tpu.memory_space<vmem>>
        %parallel_loop3A_454 = arith.constant 32 : index
        %parallel_loop3A_455 = tpu.vector_load %parallel_loop3A_453[%parallel_loop3A_454] {strides = array<i32>} : memref<64xf32, #tpu.memory_space<vmem>>, vector<16xf32>,
        %parallel_loop3A_456 = vector.shape_cast %parallel_loop3A_455 : vector<16xf32> to vector<16xf32>
        %parallel_loop3A_457 = vector.shape_cast %parallel_loop3A_450 : vector<16xf32> to vector<16xf32>
        tpu.vector_store %parallel_loop3A_453[%parallel_loop3A_454], %parallel_loop3A_457 {strides = array<i32>} : memref<64xf32, #tpu.memory_space<vmem>>, vector<16xf32>,
        %parallel_loop3A_458 = arith.constant 0 : i32
        %parallel_loop3A_459 = tpu.memref_slice %arg10[%parallel_loop3A_383, %parallel_loop3A_458] : memref<104x128xf32, #tpu.memory_space<vmem>> -> memref<1x128xf32, #tpu.memory_space<vmem>>
        %parallel_loop3A_460 = tpu.memref_squeeze %parallel_loop3A_459 : memref<1x128xf32, #tpu.memory_space<vmem>> -> memref<128xf32, #tpu.memory_space<vmem>>
        %parallel_loop3A_461 = arith.constant 48 : index
        %parallel_loop3A_462 = tpu.vector_load %parallel_loop3A_460[%parallel_loop3A_461] {strides = array<i32>} : memref<128xf32, #tpu.memory_space<vmem>>, vector<16xf32>,
        %parallel_loop3A_463 = vector.shape_cast %parallel_loop3A_462 : vector<16xf32> to vector<16xf32>
        %parallel_loop3A_464 = arith.constant 8.000000e+00 : f32
        %parallel_loop3A_465 = vector.broadcast %parallel_loop3A_464 : f32 to vector<16xf32>
        %parallel_loop3A_466 = arith.mulf %parallel_loop3A_463, %parallel_loop3A_465 : vector<16xf32>
        %parallel_loop3A_467 = arith.constant 48 : i32
        %parallel_loop3A_468 = arith.addi %parallel_loop3A_391, %parallel_loop3A_467 : i32
        %parallel_loop3A_469 = arith.index_cast %parallel_loop3A_468 : i32 to index
        %parallel_loop3A_470 = tpu.vector_load %arg6[%parallel_loop3A_469] {strides = array<i32>} : memref<12800xf32, #tpu.memory_space<vmem>>, vector<16xf32>,
        %parallel_loop3A_471 = vector.shape_cast %parallel_loop3A_470 : vector<16xf32> to vector<16xf32>
        %parallel_loop3A_472 = arith.addf %parallel_loop3A_466, %parallel_loop3A_471 : vector<16xf32>
        %parallel_loop3A_473 = arith.constant 0 : i32
        %parallel_loop3A_474 = tpu.memref_slice %arg12[%parallel_loop3A_385, %parallel_loop3A_473] : memref<104x64xf32, #tpu.memory_space<vmem>> -> memref<1x64xf32, #tpu.memory_space<vmem>>
        %parallel_loop3A_475 = tpu.memref_squeeze %parallel_loop3A_474 : memref<1x64xf32, #tpu.memory_space<vmem>> -> memref<64xf32, #tpu.memory_space<vmem>>
        %parallel_loop3A_476 = arith.constant 48 : index
        %parallel_loop3A_477 = tpu.vector_load %parallel_loop3A_475[%parallel_loop3A_476] {strides = array<i32>} : memref<64xf32, #tpu.memory_space<vmem>>, vector<16xf32>,
        %parallel_loop3A_478 = vector.shape_cast %parallel_loop3A_477 : vector<16xf32> to vector<16xf32>
        %parallel_loop3A_479 = vector.shape_cast %parallel_loop3A_472 : vector<16xf32> to vector<16xf32>
        tpu.vector_store %parallel_loop3A_475[%parallel_loop3A_476], %parallel_loop3A_479 {strides = array<i32>} : memref<64xf32, #tpu.memory_space<vmem>>, vector<16xf32>,
      } {sc.loop_unroll_factor = 8 : i64, sc.parallel_access}
      %add3A_202 = arith.addi %mul3A_2, %add3A_170 : i32
      %mul3A_203 = arith.constant 200 : i32
      %mul3A_204 = arith.muli %add3A_202, %mul3A_203 : i32
      %add3A_205 = arith.constant 0 : i32
      %add3A_206 = arith.addi %mul3A_204, %add3A_205 : i32
      %dma_start3A_207 = arith.constant 0 : i32
      %dma_start3A_208 = arith.constant 0 : i32
      %dma_start3A_209 = tpu.memref_slice %arg12[%dma_start3A_207, %dma_start3A_208] : memref<104x64xf32, #tpu.memory_space<vmem>> -> memref<104x64xf32, #tpu.memory_space<vmem>>
      %dma_start3A_210 = arith.constant 0 : i32
      %dma_start3A_211 = tpu.memref_slice %arg5[%add3A_206, %dma_start3A_210] : memref<819200x64xf32, #tpu.memory_space<hbm>> -> memref<104x64xf32, #tpu.memory_space<hbm>>
      %dma_start3A_212 = arith.constant 0 : i32
      %dma_start3A_213 = tpu.memref_slice %arg5[%add3A_206, %dma_start3A_212] : memref<819200x64xf32, #tpu.memory_space<hbm>> -> memref<104x64xf32, #tpu.memory_space<hbm>>
      %dma_start3A_214 = arith.constant 0 : i32
      %dma_start3A_215 = arith.constant 0 : i32
      %dma_start3A_216 = tpu.memref_slice %arg12[%dma_start3A_214, %dma_start3A_215] : memref<104x64xf32, #tpu.memory_space<vmem>> -> memref<104x64xf32, #tpu.memory_space<vmem>>
      tpu.enqueue_dma source(%dma_start3A_216 : memref<104x64xf32, #tpu.memory_space<vmem>>) target(%dma_start3A_213 : memref<104x64xf32, #tpu.memory_space<hbm>>) target_semaphore(%arg18 : memref<!tpu.dma_semaphore, #tpu.memory_space<semaphore_mem>>)
      %add3A_217 = arith.constant 2 : i32
      %add3A_218 = arith.addi %add3A_67, %add3A_217 : i32
      %add3A_219 = arith.constant 3 : i32
      %add3A_220 = arith.addi %add3A_218, %add3A_219 : i32
      %lt3A_221 = arith.constant 256 : i32
      %lt3A_222 = arith.cmpi slt, %add3A_220, %lt3A_221 : i32
      %convert_element_type3A_223 = arith.extui %lt3A_222 : i1 to i32
      %cond3A_224 = arith.constant 0 : i32
      %cond3A_225 = arith.cmpi ne, %convert_element_type3A_223, %cond3A_224 : i32
      scf.if %cond3A_225 {
        %jit3A_283 = arith.constant 2 : i32
        %div3A_284 = arith.divsi %add3A_67, %jit3A_283 : i32
        %sign3A_285 = arith.constant 0 : i32
        %sign3A_286 = arith.cmpi sgt, %add3A_67, %sign3A_285 : i32
        %sign3A_287 = arith.extui %sign3A_286 : i1 to i32
        %sign3A_288 = arith.constant 0 : i32
        %sign3A_289 = arith.cmpi slt, %add3A_67, %sign3A_288 : i32
        %sign3A_290 = arith.extui %sign3A_289 : i1 to i32
        %sign3A_291 = arith.subi %sign3A_287, %sign3A_290 : i32
        %sign3A_292 = arith.constant 0 : i32
        %sign3A_293 = arith.cmpi sgt, %jit3A_283, %sign3A_292 : i32
        %sign3A_294 = arith.extui %sign3A_293 : i1 to i32
        %sign3A_295 = arith.constant 0 : i32
        %sign3A_296 = arith.cmpi slt, %jit3A_283, %sign3A_295 : i32
        %sign3A_297 = arith.extui %sign3A_296 : i1 to i32
        %sign3A_298 = arith.subi %sign3A_294, %sign3A_297 : i32
        %ne3A_299 = arith.cmpi ne, %sign3A_291, %sign3A_298 : i32
        %rem3A_300 = arith.remsi %add3A_67, %jit3A_283 : i32
        %ne3A_301 = arith.constant 0 : i32
        %ne3A_302 = arith.cmpi ne, %rem3A_300, %ne3A_301 : i32
        %and3A_303 = arith.andi %ne3A_299, %ne3A_302 : i1
        %sub3A_304 = arith.constant 1 : i32
        %sub3A_305 = arith.subi %div3A_284, %sub3A_304 : i32
        %select_n3A_306 = arith.select %and3A_303, %sub3A_305, %div3A_284 : i32
        %add3A_307 = arith.constant 2 : i32
        %add3A_308 = arith.addi %select_n3A_306, %add3A_307 : i32
        %mul3A_309 = arith.constant 200 : i32
        %mul3A_310 = arith.muli %add3A_308, %mul3A_309 : i32
        %add3A_311 = arith.constant 104 : i32
        %add3A_312 = arith.addi %mul3A_310, %add3A_311 : i32
        %dma_start3A_313 = arith.constant 0 : i32
        %dma_start3A_314 = arith.constant 0 : i32
        %dma_start3A_315 = tpu.memref_slice %arg9[%dma_start3A_313, %dma_start3A_314] : memref<104x128xf32, #tpu.memory_space<vmem>> -> memref<96x128xf32, #tpu.memory_space<vmem>>
        %dma_start3A_316 = tpu.memref_slice %arg7[%add3A_312] : memref<25600xi32, #tpu.memory_space<vmem>> -> memref<96xi32, #tpu.memory_space<vmem>>
        %dma_start3A_317 = arith.constant 0 : i32
        %dma_start3A_318 = arith.constant 0 : i32
        %dma_start3A_319 = tpu.memref_slice %arg3[%dma_start3A_317, %dma_start3A_318] : memref<1000000x128xf32, #tpu.memory_space<hbm>> -> memref<1000000x128xf32, #tpu.memory_space<hbm>>
        tpu.enqueue_indirect_dma source(%dma_start3A_319 : memref<1000000x128xf32, #tpu.memory_space<hbm>>) target(%dma_start3A_315 : memref<96x128xf32, #tpu.memory_space<vmem>>) offsets(%dma_start3A_316 : memref<96xi32, #tpu.memory_space<vmem>>) semaphore(%arg15 : memref<!tpu.dma_semaphore, #tpu.memory_space<semaphore_mem>>)
      } else {
      }
      %add3A_226 = arith.constant 1 : i32
      %add3A_227 = arith.addi %select_n3A, %add3A_226 : i32
      %mul3A_228 = arith.constant 200 : i32
      %mul3A_229 = arith.muli %add3A_227, %mul3A_228 : i32
      %add3A_230 = arith.constant 104 : i32
      %add3A_231 = arith.addi %mul3A_229, %add3A_230 : i32
      %dma_wait3A_232 = arith.constant 0 : i32
      %dma_wait3A_233 = arith.constant 0 : i32
      %dma_wait3A_234 = tpu.memref_slice %arg11[%dma_wait3A_232, %dma_wait3A_233] : memref<104x128xf32, #tpu.memory_space<vmem>> -> memref<96x128xf32, #tpu.memory_space<vmem>>
      %dma_wait3A_235 = tpu.memref_slice %arg7[%add3A_231] : memref<25600xi32, #tpu.memory_space<vmem>> -> memref<96xi32, #tpu.memory_space<vmem>>
      %dma_wait3A_236 = arith.constant 0 : i32
      %dma_wait3A_237 = arith.constant 0 : i32
      %dma_wait3A_238 = tpu.memref_slice %arg3[%dma_wait3A_236, %dma_wait3A_237] : memref<1000000x128xf32, #tpu.memory_space<hbm>> -> memref<1000000x128xf32, #tpu.memory_space<hbm>>
      tpu.wait_indirect_dma semaphore(%arg17 : memref<!tpu.dma_semaphore, #tpu.memory_space<semaphore_mem>>) src(%dma_wait3A_238 : memref<1000000x128xf32, #tpu.memory_space<hbm>>) dst(%dma_wait3A_234 : memref<96x128xf32, #tpu.memory_space<vmem>>)
      %sub3A_239 = arith.constant 1 : i32
      %sub3A_240 = arith.subi %add3A_227, %sub3A_239 : i32
      %add3A_241 = arith.addi %mul3A_2, %sub3A_240 : i32
      %mul3A_242 = arith.constant 200 : i32
      %mul3A_243 = arith.muli %add3A_241, %mul3A_242 : i32
      %add3A_244 = arith.constant 104 : i32
      %add3A_245 = arith.addi %mul3A_243, %add3A_244 : i32
      %dma_wait3A_246 = arith.constant 0 : i32
      %dma_wait3A_247 = arith.constant 0 : i32
      %dma_wait3A_248 = tpu.memref_slice %arg13[%dma_wait3A_246, %dma_wait3A_247] : memref<104x64xf32, #tpu.memory_space<vmem>> -> memref<96x64xf32, #tpu.memory_space<vmem>>
      %dma_wait3A_249 = arith.constant 0 : i32
      %dma_wait3A_250 = tpu.memref_slice %arg5[%add3A_245, %dma_wait3A_249] : memref<819200x64xf32, #tpu.memory_space<hbm>> -> memref<96x64xf32, #tpu.memory_space<hbm>>
      %dma_wait3A_251 = arith.constant 0 : i32
      %dma_wait3A_252 = tpu.memref_slice %arg5[%add3A_245, %dma_wait3A_251] : memref<819200x64xf32, #tpu.memory_space<hbm>> -> memref<96x64xf32, #tpu.memory_space<hbm>>
      %dma_wait3A_253 = arith.constant 0 : i32
      %dma_wait3A_254 = arith.constant 0 : i32
      %dma_wait3A_255 = tpu.memref_slice %arg13[%dma_wait3A_253, %dma_wait3A_254] : memref<104x64xf32, #tpu.memory_space<vmem>> -> memref<96x64xf32, #tpu.memory_space<vmem>>
      tpu.wait_dma2 semaphore(%arg19 : memref<!tpu.dma_semaphore, #tpu.memory_space<semaphore_mem>>) src(%dma_wait3A_255 : memref<96x64xf32, #tpu.memory_space<vmem>>) dst(%dma_wait3A_252 : memref<96x64xf32, #tpu.memory_space<hbm>>)
      %parallel_loop3A_256 = arith.constant 0 : i32
      %parallel_loop3A_257 = arith.constant 96 : i32
      %parallel_loop3A_258 = arith.constant 2 : i32
      scf.for %parallel_loop3A_283 = %parallel_loop3A_256 to %parallel_loop3A_257 step %parallel_loop3A_258  : i32 {
        %parallel_loop3A_284 = arith.constant 0 : i32
        %parallel_loop3A_285 = arith.addi %parallel_loop3A_283, %parallel_loop3A_284 : i32
        %parallel_loop3A_286 = arith.constant 0 : i32
        %parallel_loop3A_287 = arith.addi %parallel_loop3A_283, %parallel_loop3A_286 : i32
        %parallel_loop3A_288 = arith.constant 104 : i32
        %parallel_loop3A_289 = arith.addi %parallel_loop3A_288, %parallel_loop3A_283 : i32
        %parallel_loop3A_290 = arith.constant 0 : i32
        %parallel_loop3A_291 = arith.addi %parallel_loop3A_289, %parallel_loop3A_290 : i32
        %parallel_loop3A_292 = arith.constant 64 : i32
        %parallel_loop3A_293 = arith.muli %parallel_loop3A_291, %parallel_loop3A_292 : i32
        %parallel_loop3A_294 = arith.constant 0 : i32
        %parallel_loop3A_295 = tpu.memref_slice %arg11[%parallel_loop3A_285, %parallel_loop3A_294] : memref<104x128xf32, #tpu.memory_space<vmem>> -> memref<1x128xf32, #tpu.memory_space<vmem>>
        %parallel_loop3A_296 = tpu.memref_squeeze %parallel_loop3A_295 : memref<1x128xf32, #tpu.memory_space<vmem>> -> memref<128xf32, #tpu.memory_space<vmem>>
        %parallel_loop3A_297 = arith.constant 0 : index
        %parallel_loop3A_298 = tpu.vector_load %parallel_loop3A_296[%parallel_loop3A_297] {strides = array<i32>} : memref<128xf32, #tpu.memory_space<vmem>>, vector<16xf32>,
        %parallel_loop3A_299 = vector.shape_cast %parallel_loop3A_298 : vector<16xf32> to vector<16xf32>
        %parallel_loop3A_300 = arith.constant 8.000000e+00 : f32
        %parallel_loop3A_301 = vector.broadcast %parallel_loop3A_300 : f32 to vector<16xf32>
        %parallel_loop3A_302 = arith.mulf %parallel_loop3A_299, %parallel_loop3A_301 : vector<16xf32>
        %parallel_loop3A_303 = arith.constant 0 : i32
        %parallel_loop3A_304 = arith.addi %parallel_loop3A_293, %parallel_loop3A_303 : i32
        %parallel_loop3A_305 = arith.index_cast %parallel_loop3A_304 : i32 to index
        %parallel_loop3A_306 = tpu.vector_load %arg6[%parallel_loop3A_305] {strides = array<i32>} : memref<12800xf32, #tpu.memory_space<vmem>>, vector<16xf32>,
        %parallel_loop3A_307 = vector.shape_cast %parallel_loop3A_306 : vector<16xf32> to vector<16xf32>
        %parallel_loop3A_308 = arith.addf %parallel_loop3A_302, %parallel_loop3A_307 : vector<16xf32>
        %parallel_loop3A_309 = arith.constant 0 : i32
        %parallel_loop3A_310 = tpu.memref_slice %arg13[%parallel_loop3A_287, %parallel_loop3A_309] : memref<104x64xf32, #tpu.memory_space<vmem>> -> memref<1x64xf32, #tpu.memory_space<vmem>>
        %parallel_loop3A_311 = tpu.memref_squeeze %parallel_loop3A_310 : memref<1x64xf32, #tpu.memory_space<vmem>> -> memref<64xf32, #tpu.memory_space<vmem>>
        %parallel_loop3A_312 = arith.constant 0 : index
        %parallel_loop3A_313 = tpu.vector_load %parallel_loop3A_311[%parallel_loop3A_312] {strides = array<i32>} : memref<64xf32, #tpu.memory_space<vmem>>, vector<16xf32>,
        %parallel_loop3A_314 = vector.shape_cast %parallel_loop3A_313 : vector<16xf32> to vector<16xf32>
        %parallel_loop3A_315 = vector.shape_cast %parallel_loop3A_308 : vector<16xf32> to vector<16xf32>
        tpu.vector_store %parallel_loop3A_311[%parallel_loop3A_312], %parallel_loop3A_315 {strides = array<i32>} : memref<64xf32, #tpu.memory_space<vmem>>, vector<16xf32>,
        %parallel_loop3A_316 = arith.constant 0 : i32
        %parallel_loop3A_317 = tpu.memref_slice %arg11[%parallel_loop3A_285, %parallel_loop3A_316] : memref<104x128xf32, #tpu.memory_space<vmem>> -> memref<1x128xf32, #tpu.memory_space<vmem>>
        %parallel_loop3A_318 = tpu.memref_squeeze %parallel_loop3A_317 : memref<1x128xf32, #tpu.memory_space<vmem>> -> memref<128xf32, #tpu.memory_space<vmem>>
        %parallel_loop3A_319 = arith.constant 16 : index
        %parallel_loop3A_320 = tpu.vector_load %parallel_loop3A_318[%parallel_loop3A_319] {strides = array<i32>} : memref<128xf32, #tpu.memory_space<vmem>>, vector<16xf32>,
        %parallel_loop3A_321 = vector.shape_cast %parallel_loop3A_320 : vector<16xf32> to vector<16xf32>
        %parallel_loop3A_322 = arith.constant 8.000000e+00 : f32
        %parallel_loop3A_323 = vector.broadcast %parallel_loop3A_322 : f32 to vector<16xf32>
        %parallel_loop3A_324 = arith.mulf %parallel_loop3A_321, %parallel_loop3A_323 : vector<16xf32>
        %parallel_loop3A_325 = arith.constant 16 : i32
        %parallel_loop3A_326 = arith.addi %parallel_loop3A_293, %parallel_loop3A_325 : i32
        %parallel_loop3A_327 = arith.index_cast %parallel_loop3A_326 : i32 to index
        %parallel_loop3A_328 = tpu.vector_load %arg6[%parallel_loop3A_327] {strides = array<i32>} : memref<12800xf32, #tpu.memory_space<vmem>>, vector<16xf32>,
        %parallel_loop3A_329 = vector.shape_cast %parallel_loop3A_328 : vector<16xf32> to vector<16xf32>
        %parallel_loop3A_330 = arith.addf %parallel_loop3A_324, %parallel_loop3A_329 : vector<16xf32>
        %parallel_loop3A_331 = arith.constant 0 : i32
        %parallel_loop3A_332 = tpu.memref_slice %arg13[%parallel_loop3A_287, %parallel_loop3A_331] : memref<104x64xf32, #tpu.memory_space<vmem>> -> memref<1x64xf32, #tpu.memory_space<vmem>>
        %parallel_loop3A_333 = tpu.memref_squeeze %parallel_loop3A_332 : memref<1x64xf32, #tpu.memory_space<vmem>> -> memref<64xf32, #tpu.memory_space<vmem>>
        %parallel_loop3A_334 = arith.constant 16 : index
        %parallel_loop3A_335 = tpu.vector_load %parallel_loop3A_333[%parallel_loop3A_334] {strides = array<i32>} : memref<64xf32, #tpu.memory_space<vmem>>, vector<16xf32>,
        %parallel_loop3A_336 = vector.shape_cast %parallel_loop3A_335 : vector<16xf32> to vector<16xf32>
        %parallel_loop3A_337 = vector.shape_cast %parallel_loop3A_330 : vector<16xf32> to vector<16xf32>
        tpu.vector_store %parallel_loop3A_333[%parallel_loop3A_334], %parallel_loop3A_337 {strides = array<i32>} : memref<64xf32, #tpu.memory_space<vmem>>, vector<16xf32>,
        %parallel_loop3A_338 = arith.constant 0 : i32
        %parallel_loop3A_339 = tpu.memref_slice %arg11[%parallel_loop3A_285, %parallel_loop3A_338] : memref<104x128xf32, #tpu.memory_space<vmem>> -> memref<1x128xf32, #tpu.memory_space<vmem>>
        %parallel_loop3A_340 = tpu.memref_squeeze %parallel_loop3A_339 : memref<1x128xf32, #tpu.memory_space<vmem>> -> memref<128xf32, #tpu.memory_space<vmem>>
        %parallel_loop3A_341 = arith.constant 32 : index
        %parallel_loop3A_342 = tpu.vector_load %parallel_loop3A_340[%parallel_loop3A_341] {strides = array<i32>} : memref<128xf32, #tpu.memory_space<vmem>>, vector<16xf32>,
        %parallel_loop3A_343 = vector.shape_cast %parallel_loop3A_342 : vector<16xf32> to vector<16xf32>
        %parallel_loop3A_344 = arith.constant 8.000000e+00 : f32
        %parallel_loop3A_345 = vector.broadcast %parallel_loop3A_344 : f32 to vector<16xf32>
        %parallel_loop3A_346 = arith.mulf %parallel_loop3A_343, %parallel_loop3A_345 : vector<16xf32>
        %parallel_loop3A_347 = arith.constant 32 : i32
        %parallel_loop3A_348 = arith.addi %parallel_loop3A_293, %parallel_loop3A_347 : i32
        %parallel_loop3A_349 = arith.index_cast %parallel_loop3A_348 : i32 to index
        %parallel_loop3A_350 = tpu.vector_load %arg6[%parallel_loop3A_349] {strides = array<i32>} : memref<12800xf32, #tpu.memory_space<vmem>>, vector<16xf32>,
        %parallel_loop3A_351 = vector.shape_cast %parallel_loop3A_350 : vector<16xf32> to vector<16xf32>
        %parallel_loop3A_352 = arith.addf %parallel_loop3A_346, %parallel_loop3A_351 : vector<16xf32>
        %parallel_loop3A_353 = arith.constant 0 : i32
        %parallel_loop3A_354 = tpu.memref_slice %arg13[%parallel_loop3A_287, %parallel_loop3A_353] : memref<104x64xf32, #tpu.memory_space<vmem>> -> memref<1x64xf32, #tpu.memory_space<vmem>>
        %parallel_loop3A_355 = tpu.memref_squeeze %parallel_loop3A_354 : memref<1x64xf32, #tpu.memory_space<vmem>> -> memref<64xf32, #tpu.memory_space<vmem>>
        %parallel_loop3A_356 = arith.constant 32 : index
        %parallel_loop3A_357 = tpu.vector_load %parallel_loop3A_355[%parallel_loop3A_356] {strides = array<i32>} : memref<64xf32, #tpu.memory_space<vmem>>, vector<16xf32>,
        %parallel_loop3A_358 = vector.shape_cast %parallel_loop3A_357 : vector<16xf32> to vector<16xf32>
        %parallel_loop3A_359 = vector.shape_cast %parallel_loop3A_352 : vector<16xf32> to vector<16xf32>
        tpu.vector_store %parallel_loop3A_355[%parallel_loop3A_356], %parallel_loop3A_359 {strides = array<i32>} : memref<64xf32, #tpu.memory_space<vmem>>, vector<16xf32>,
        %parallel_loop3A_360 = arith.constant 0 : i32
        %parallel_loop3A_361 = tpu.memref_slice %arg11[%parallel_loop3A_285, %parallel_loop3A_360] : memref<104x128xf32, #tpu.memory_space<vmem>> -> memref<1x128xf32, #tpu.memory_space<vmem>>
        %parallel_loop3A_362 = tpu.memref_squeeze %parallel_loop3A_361 : memref<1x128xf32, #tpu.memory_space<vmem>> -> memref<128xf32, #tpu.memory_space<vmem>>
        %parallel_loop3A_363 = arith.constant 48 : index
        %parallel_loop3A_364 = tpu.vector_load %parallel_loop3A_362[%parallel_loop3A_363] {strides = array<i32>} : memref<128xf32, #tpu.memory_space<vmem>>, vector<16xf32>,
        %parallel_loop3A_365 = vector.shape_cast %parallel_loop3A_364 : vector<16xf32> to vector<16xf32>
        %parallel_loop3A_366 = arith.constant 8.000000e+00 : f32
        %parallel_loop3A_367 = vector.broadcast %parallel_loop3A_366 : f32 to vector<16xf32>
        %parallel_loop3A_368 = arith.mulf %parallel_loop3A_365, %parallel_loop3A_367 : vector<16xf32>
        %parallel_loop3A_369 = arith.constant 48 : i32
        %parallel_loop3A_370 = arith.addi %parallel_loop3A_293, %parallel_loop3A_369 : i32
        %parallel_loop3A_371 = arith.index_cast %parallel_loop3A_370 : i32 to index
        %parallel_loop3A_372 = tpu.vector_load %arg6[%parallel_loop3A_371] {strides = array<i32>} : memref<12800xf32, #tpu.memory_space<vmem>>, vector<16xf32>,
        %parallel_loop3A_373 = vector.shape_cast %parallel_loop3A_372 : vector<16xf32> to vector<16xf32>
        %parallel_loop3A_374 = arith.addf %parallel_loop3A_368, %parallel_loop3A_373 : vector<16xf32>
        %parallel_loop3A_375 = arith.constant 0 : i32
        %parallel_loop3A_376 = tpu.memref_slice %arg13[%parallel_loop3A_287, %parallel_loop3A_375] : memref<104x64xf32, #tpu.memory_space<vmem>> -> memref<1x64xf32, #tpu.memory_space<vmem>>
        %parallel_loop3A_377 = tpu.memref_squeeze %parallel_loop3A_376 : memref<1x64xf32, #tpu.memory_space<vmem>> -> memref<64xf32, #tpu.memory_space<vmem>>
        %parallel_loop3A_378 = arith.constant 48 : index
        %parallel_loop3A_379 = tpu.vector_load %parallel_loop3A_377[%parallel_loop3A_378] {strides = array<i32>} : memref<64xf32, #tpu.memory_space<vmem>>, vector<16xf32>,
        %parallel_loop3A_380 = vector.shape_cast %parallel_loop3A_379 : vector<16xf32> to vector<16xf32>
        %parallel_loop3A_381 = vector.shape_cast %parallel_loop3A_374 : vector<16xf32> to vector<16xf32>
        tpu.vector_store %parallel_loop3A_377[%parallel_loop3A_378], %parallel_loop3A_381 {strides = array<i32>} : memref<64xf32, #tpu.memory_space<vmem>>, vector<16xf32>,
        %parallel_loop3A_382 = arith.constant 1 : i32
        %parallel_loop3A_383 = arith.addi %parallel_loop3A_283, %parallel_loop3A_382 : i32
        %parallel_loop3A_384 = arith.constant 1 : i32
        %parallel_loop3A_385 = arith.addi %parallel_loop3A_283, %parallel_loop3A_384 : i32
        %parallel_loop3A_386 = arith.constant 104 : i32
        %parallel_loop3A_387 = arith.addi %parallel_loop3A_386, %parallel_loop3A_283 : i32
        %parallel_loop3A_388 = arith.constant 1 : i32
        %parallel_loop3A_389 = arith.addi %parallel_loop3A_387, %parallel_loop3A_388 : i32
        %parallel_loop3A_390 = arith.constant 64 : i32
        %parallel_loop3A_391 = arith.muli %parallel_loop3A_389, %parallel_loop3A_390 : i32
        %parallel_loop3A_392 = arith.constant 0 : i32
        %parallel_loop3A_393 = tpu.memref_slice %arg11[%parallel_loop3A_383, %parallel_loop3A_392] : memref<104x128xf32, #tpu.memory_space<vmem>> -> memref<1x128xf32, #tpu.memory_space<vmem>>
        %parallel_loop3A_394 = tpu.memref_squeeze %parallel_loop3A_393 : memref<1x128xf32, #tpu.memory_space<vmem>> -> memref<128xf32, #tpu.memory_space<vmem>>
        %parallel_loop3A_395 = arith.constant 0 : index
        %parallel_loop3A_396 = tpu.vector_load %parallel_loop3A_394[%parallel_loop3A_395] {strides = array<i32>} : memref<128xf32, #tpu.memory_space<vmem>>, vector<16xf32>,
        %parallel_loop3A_397 = vector.shape_cast %parallel_loop3A_396 : vector<16xf32> to vector<16xf32>
        %parallel_loop3A_398 = arith.constant 8.000000e+00 : f32
        %parallel_loop3A_399 = vector.broadcast %parallel_loop3A_398 : f32 to vector<16xf32>
        %parallel_loop3A_400 = arith.mulf %parallel_loop3A_397, %parallel_loop3A_399 : vector<16xf32>
        %parallel_loop3A_401 = arith.constant 0 : i32
        %parallel_loop3A_402 = arith.addi %parallel_loop3A_391, %parallel_loop3A_401 : i32
        %parallel_loop3A_403 = arith.index_cast %parallel_loop3A_402 : i32 to index
        %parallel_loop3A_404 = tpu.vector_load %arg6[%parallel_loop3A_403] {strides = array<i32>} : memref<12800xf32, #tpu.memory_space<vmem>>, vector<16xf32>,
        %parallel_loop3A_405 = vector.shape_cast %parallel_loop3A_404 : vector<16xf32> to vector<16xf32>
        %parallel_loop3A_406 = arith.addf %parallel_loop3A_400, %parallel_loop3A_405 : vector<16xf32>
        %parallel_loop3A_407 = arith.constant 0 : i32
        %parallel_loop3A_408 = tpu.memref_slice %arg13[%parallel_loop3A_385, %parallel_loop3A_407] : memref<104x64xf32, #tpu.memory_space<vmem>> -> memref<1x64xf32, #tpu.memory_space<vmem>>
        %parallel_loop3A_409 = tpu.memref_squeeze %parallel_loop3A_408 : memref<1x64xf32, #tpu.memory_space<vmem>> -> memref<64xf32, #tpu.memory_space<vmem>>
        %parallel_loop3A_410 = arith.constant 0 : index
        %parallel_loop3A_411 = tpu.vector_load %parallel_loop3A_409[%parallel_loop3A_410] {strides = array<i32>} : memref<64xf32, #tpu.memory_space<vmem>>, vector<16xf32>,
        %parallel_loop3A_412 = vector.shape_cast %parallel_loop3A_411 : vector<16xf32> to vector<16xf32>
        %parallel_loop3A_413 = vector.shape_cast %parallel_loop3A_406 : vector<16xf32> to vector<16xf32>
        tpu.vector_store %parallel_loop3A_409[%parallel_loop3A_410], %parallel_loop3A_413 {strides = array<i32>} : memref<64xf32, #tpu.memory_space<vmem>>, vector<16xf32>,
        %parallel_loop3A_414 = arith.constant 0 : i32
        %parallel_loop3A_415 = tpu.memref_slice %arg11[%parallel_loop3A_383, %parallel_loop3A_414] : memref<104x128xf32, #tpu.memory_space<vmem>> -> memref<1x128xf32, #tpu.memory_space<vmem>>
        %parallel_loop3A_416 = tpu.memref_squeeze %parallel_loop3A_415 : memref<1x128xf32, #tpu.memory_space<vmem>> -> memref<128xf32, #tpu.memory_space<vmem>>
        %parallel_loop3A_417 = arith.constant 16 : index
        %parallel_loop3A_418 = tpu.vector_load %parallel_loop3A_416[%parallel_loop3A_417] {strides = array<i32>} : memref<128xf32, #tpu.memory_space<vmem>>, vector<16xf32>,
        %parallel_loop3A_419 = vector.shape_cast %parallel_loop3A_418 : vector<16xf32> to vector<16xf32>
        %parallel_loop3A_420 = arith.constant 8.000000e+00 : f32
        %parallel_loop3A_421 = vector.broadcast %parallel_loop3A_420 : f32 to vector<16xf32>
        %parallel_loop3A_422 = arith.mulf %parallel_loop3A_419, %parallel_loop3A_421 : vector<16xf32>
        %parallel_loop3A_423 = arith.constant 16 : i32
        %parallel_loop3A_424 = arith.addi %parallel_loop3A_391, %parallel_loop3A_423 : i32
        %parallel_loop3A_425 = arith.index_cast %parallel_loop3A_424 : i32 to index
        %parallel_loop3A_426 = tpu.vector_load %arg6[%parallel_loop3A_425] {strides = array<i32>} : memref<12800xf32, #tpu.memory_space<vmem>>, vector<16xf32>,
        %parallel_loop3A_427 = vector.shape_cast %parallel_loop3A_426 : vector<16xf32> to vector<16xf32>
        %parallel_loop3A_428 = arith.addf %parallel_loop3A_422, %parallel_loop3A_427 : vector<16xf32>
        %parallel_loop3A_429 = arith.constant 0 : i32
        %parallel_loop3A_430 = tpu.memref_slice %arg13[%parallel_loop3A_385, %parallel_loop3A_429] : memref<104x64xf32, #tpu.memory_space<vmem>> -> memref<1x64xf32, #tpu.memory_space<vmem>>
        %parallel_loop3A_431 = tpu.memref_squeeze %parallel_loop3A_430 : memref<1x64xf32, #tpu.memory_space<vmem>> -> memref<64xf32, #tpu.memory_space<vmem>>
        %parallel_loop3A_432 = arith.constant 16 : index
        %parallel_loop3A_433 = tpu.vector_load %parallel_loop3A_431[%parallel_loop3A_432] {strides = array<i32>} : memref<64xf32, #tpu.memory_space<vmem>>, vector<16xf32>,
        %parallel_loop3A_434 = vector.shape_cast %parallel_loop3A_433 : vector<16xf32> to vector<16xf32>
        %parallel_loop3A_435 = vector.shape_cast %parallel_loop3A_428 : vector<16xf32> to vector<16xf32>
        tpu.vector_store %parallel_loop3A_431[%parallel_loop3A_432], %parallel_loop3A_435 {strides = array<i32>} : memref<64xf32, #tpu.memory_space<vmem>>, vector<16xf32>,
        %parallel_loop3A_436 = arith.constant 0 : i32
        %parallel_loop3A_437 = tpu.memref_slice %arg11[%parallel_loop3A_383, %parallel_loop3A_436] : memref<104x128xf32, #tpu.memory_space<vmem>> -> memref<1x128xf32, #tpu.memory_space<vmem>>
        %parallel_loop3A_438 = tpu.memref_squeeze %parallel_loop3A_437 : memref<1x128xf32, #tpu.memory_space<vmem>> -> memref<128xf32, #tpu.memory_space<vmem>>
        %parallel_loop3A_439 = arith.constant 32 : index
        %parallel_loop3A_440 = tpu.vector_load %parallel_loop3A_438[%parallel_loop3A_439] {strides = array<i32>} : memref<128xf32, #tpu.memory_space<vmem>>, vector<16xf32>,
        %parallel_loop3A_441 = vector.shape_cast %parallel_loop3A_440 : vector<16xf32> to vector<16xf32>
        %parallel_loop3A_442 = arith.constant 8.000000e+00 : f32
        %parallel_loop3A_443 = vector.broadcast %parallel_loop3A_442 : f32 to vector<16xf32>
        %parallel_loop3A_444 = arith.mulf %parallel_loop3A_441, %parallel_loop3A_443 : vector<16xf32>
        %parallel_loop3A_445 = arith.constant 32 : i32
        %parallel_loop3A_446 = arith.addi %parallel_loop3A_391, %parallel_loop3A_445 : i32
        %parallel_loop3A_447 = arith.index_cast %parallel_loop3A_446 : i32 to index
        %parallel_loop3A_448 = tpu.vector_load %arg6[%parallel_loop3A_447] {strides = array<i32>} : memref<12800xf32, #tpu.memory_space<vmem>>, vector<16xf32>,
        %parallel_loop3A_449 = vector.shape_cast %parallel_loop3A_448 : vector<16xf32> to vector<16xf32>
        %parallel_loop3A_450 = arith.addf %parallel_loop3A_444, %parallel_loop3A_449 : vector<16xf32>
        %parallel_loop3A_451 = arith.constant 0 : i32
        %parallel_loop3A_452 = tpu.memref_slice %arg13[%parallel_loop3A_385, %parallel_loop3A_451] : memref<104x64xf32, #tpu.memory_space<vmem>> -> memref<1x64xf32, #tpu.memory_space<vmem>>
        %parallel_loop3A_453 = tpu.memref_squeeze %parallel_loop3A_452 : memref<1x64xf32, #tpu.memory_space<vmem>> -> memref<64xf32, #tpu.memory_space<vmem>>
        %parallel_loop3A_454 = arith.constant 32 : index
        %parallel_loop3A_455 = tpu.vector_load %parallel_loop3A_453[%parallel_loop3A_454] {strides = array<i32>} : memref<64xf32, #tpu.memory_space<vmem>>, vector<16xf32>,
        %parallel_loop3A_456 = vector.shape_cast %parallel_loop3A_455 : vector<16xf32> to vector<16xf32>
        %parallel_loop3A_457 = vector.shape_cast %parallel_loop3A_450 : vector<16xf32> to vector<16xf32>
        tpu.vector_store %parallel_loop3A_453[%parallel_loop3A_454], %parallel_loop3A_457 {strides = array<i32>} : memref<64xf32, #tpu.memory_space<vmem>>, vector<16xf32>,
        %parallel_loop3A_458 = arith.constant 0 : i32
        %parallel_loop3A_459 = tpu.memref_slice %arg11[%parallel_loop3A_383, %parallel_loop3A_458] : memref<104x128xf32, #tpu.memory_space<vmem>> -> memref<1x128xf32, #tpu.memory_space<vmem>>
        %parallel_loop3A_460 = tpu.memref_squeeze %parallel_loop3A_459 : memref<1x128xf32, #tpu.memory_space<vmem>> -> memref<128xf32, #tpu.memory_space<vmem>>
        %parallel_loop3A_461 = arith.constant 48 : index
        %parallel_loop3A_462 = tpu.vector_load %parallel_loop3A_460[%parallel_loop3A_461] {strides = array<i32>} : memref<128xf32, #tpu.memory_space<vmem>>, vector<16xf32>,
        %parallel_loop3A_463 = vector.shape_cast %parallel_loop3A_462 : vector<16xf32> to vector<16xf32>
        %parallel_loop3A_464 = arith.constant 8.000000e+00 : f32
        %parallel_loop3A_465 = vector.broadcast %parallel_loop3A_464 : f32 to vector<16xf32>
        %parallel_loop3A_466 = arith.mulf %parallel_loop3A_463, %parallel_loop3A_465 : vector<16xf32>
        %parallel_loop3A_467 = arith.constant 48 : i32
        %parallel_loop3A_468 = arith.addi %parallel_loop3A_391, %parallel_loop3A_467 : i32
        %parallel_loop3A_469 = arith.index_cast %parallel_loop3A_468 : i32 to index
        %parallel_loop3A_470 = tpu.vector_load %arg6[%parallel_loop3A_469] {strides = array<i32>} : memref<12800xf32, #tpu.memory_space<vmem>>, vector<16xf32>,
        %parallel_loop3A_471 = vector.shape_cast %parallel_loop3A_470 : vector<16xf32> to vector<16xf32>
        %parallel_loop3A_472 = arith.addf %parallel_loop3A_466, %parallel_loop3A_471 : vector<16xf32>
        %parallel_loop3A_473 = arith.constant 0 : i32
        %parallel_loop3A_474 = tpu.memref_slice %arg13[%parallel_loop3A_385, %parallel_loop3A_473] : memref<104x64xf32, #tpu.memory_space<vmem>> -> memref<1x64xf32, #tpu.memory_space<vmem>>
        %parallel_loop3A_475 = tpu.memref_squeeze %parallel_loop3A_474 : memref<1x64xf32, #tpu.memory_space<vmem>> -> memref<64xf32, #tpu.memory_space<vmem>>
        %parallel_loop3A_476 = arith.constant 48 : index
        %parallel_loop3A_477 = tpu.vector_load %parallel_loop3A_475[%parallel_loop3A_476] {strides = array<i32>} : memref<64xf32, #tpu.memory_space<vmem>>, vector<16xf32>,
        %parallel_loop3A_478 = vector.shape_cast %parallel_loop3A_477 : vector<16xf32> to vector<16xf32>
        %parallel_loop3A_479 = vector.shape_cast %parallel_loop3A_472 : vector<16xf32> to vector<16xf32>
        tpu.vector_store %parallel_loop3A_475[%parallel_loop3A_476], %parallel_loop3A_479 {strides = array<i32>} : memref<64xf32, #tpu.memory_space<vmem>>, vector<16xf32>,
      } {sc.loop_unroll_factor = 8 : i64, sc.parallel_access}
      %add3A_259 = arith.addi %mul3A_2, %add3A_227 : i32
      %mul3A_260 = arith.constant 200 : i32
      %mul3A_261 = arith.muli %add3A_259, %mul3A_260 : i32
      %add3A_262 = arith.constant 104 : i32
      %add3A_263 = arith.addi %mul3A_261, %add3A_262 : i32
      %dma_start3A_264 = arith.constant 0 : i32
      %dma_start3A_265 = arith.constant 0 : i32
      %dma_start3A_266 = tpu.memref_slice %arg13[%dma_start3A_264, %dma_start3A_265] : memref<104x64xf32, #tpu.memory_space<vmem>> -> memref<96x64xf32, #tpu.memory_space<vmem>>
      %dma_start3A_267 = arith.constant 0 : i32
      %dma_start3A_268 = tpu.memref_slice %arg5[%add3A_263, %dma_start3A_267] : memref<819200x64xf32, #tpu.memory_space<hbm>> -> memref<96x64xf32, #tpu.memory_space<hbm>>
      %dma_start3A_269 = arith.constant 0 : i32
      %dma_start3A_270 = tpu.memref_slice %arg5[%add3A_263, %dma_start3A_269] : memref<819200x64xf32, #tpu.memory_space<hbm>> -> memref<96x64xf32, #tpu.memory_space<hbm>>
      %dma_start3A_271 = arith.constant 0 : i32
      %dma_start3A_272 = arith.constant 0 : i32
      %dma_start3A_273 = tpu.memref_slice %arg13[%dma_start3A_271, %dma_start3A_272] : memref<104x64xf32, #tpu.memory_space<vmem>> -> memref<96x64xf32, #tpu.memory_space<vmem>>
      tpu.enqueue_dma source(%dma_start3A_273 : memref<96x64xf32, #tpu.memory_space<vmem>>) target(%dma_start3A_270 : memref<96x64xf32, #tpu.memory_space<hbm>>) target_semaphore(%arg19 : memref<!tpu.dma_semaphore, #tpu.memory_space<semaphore_mem>>)
      %add3A_274 = arith.constant 3 : i32
      %add3A_275 = arith.addi %add3A_67, %add3A_274 : i32
      %add3A_276 = arith.constant 3 : i32
      %add3A_277 = arith.addi %add3A_275, %add3A_276 : i32
      %lt3A_278 = arith.constant 256 : i32
      %lt3A_279 = arith.cmpi slt, %add3A_277, %lt3A_278 : i32
      %convert_element_type3A_280 = arith.extui %lt3A_279 : i1 to i32
      %cond3A_281 = arith.constant 0 : i32
      %cond3A_282 = arith.cmpi ne, %convert_element_type3A_280, %cond3A_281 : i32
      scf.if %cond3A_282 {
        %jit3A_283 = arith.constant 2 : i32
        %div3A_284 = arith.divsi %add3A_67, %jit3A_283 : i32
        %sign3A_285 = arith.constant 0 : i32
        %sign3A_286 = arith.cmpi sgt, %add3A_67, %sign3A_285 : i32
        %sign3A_287 = arith.extui %sign3A_286 : i1 to i32
        %sign3A_288 = arith.constant 0 : i32
        %sign3A_289 = arith.cmpi slt, %add3A_67, %sign3A_288 : i32
        %sign3A_290 = arith.extui %sign3A_289 : i1 to i32
        %sign3A_291 = arith.subi %sign3A_287, %sign3A_290 : i32
        %sign3A_292 = arith.constant 0 : i32
        %sign3A_293 = arith.cmpi sgt, %jit3A_283, %sign3A_292 : i32
        %sign3A_294 = arith.extui %sign3A_293 : i1 to i32
        %sign3A_295 = arith.constant 0 : i32
        %sign3A_296 = arith.cmpi slt, %jit3A_283, %sign3A_295 : i32
        %sign3A_297 = arith.extui %sign3A_296 : i1 to i32
        %sign3A_298 = arith.subi %sign3A_294, %sign3A_297 : i32
        %ne3A_299 = arith.cmpi ne, %sign3A_291, %sign3A_298 : i32
        %rem3A_300 = arith.remsi %add3A_67, %jit3A_283 : i32
        %ne3A_301 = arith.constant 0 : i32
        %ne3A_302 = arith.cmpi ne, %rem3A_300, %ne3A_301 : i32
        %and3A_303 = arith.andi %ne3A_299, %ne3A_302 : i1
        %sub3A_304 = arith.constant 1 : i32
        %sub3A_305 = arith.subi %div3A_284, %sub3A_304 : i32
        %select_n3A_306 = arith.select %and3A_303, %sub3A_305, %div3A_284 : i32
        %add3A_307 = arith.constant 3 : i32
        %add3A_308 = arith.addi %select_n3A_306, %add3A_307 : i32
        %mul3A_309 = arith.constant 200 : i32
        %mul3A_310 = arith.muli %add3A_308, %mul3A_309 : i32
        %add3A_311 = arith.constant 0 : i32
        %add3A_312 = arith.addi %mul3A_310, %add3A_311 : i32
        %dma_start3A_313 = arith.constant 0 : i32
        %dma_start3A_314 = arith.constant 0 : i32
        %dma_start3A_315 = tpu.memref_slice %arg10[%dma_start3A_313, %dma_start3A_314] : memref<104x128xf32, #tpu.memory_space<vmem>> -> memref<104x128xf32, #tpu.memory_space<vmem>>
        %dma_start3A_316 = tpu.memref_slice %arg7[%add3A_312] : memref<25600xi32, #tpu.memory_space<vmem>> -> memref<104xi32, #tpu.memory_space<vmem>>
        %dma_start3A_317 = arith.constant 0 : i32
        %dma_start3A_318 = arith.constant 0 : i32
        %dma_start3A_319 = tpu.memref_slice %arg3[%dma_start3A_317, %dma_start3A_318] : memref<1000000x128xf32, #tpu.memory_space<hbm>> -> memref<1000000x128xf32, #tpu.memory_space<hbm>>
        tpu.enqueue_indirect_dma source(%dma_start3A_319 : memref<1000000x128xf32, #tpu.memory_space<hbm>>) target(%dma_start3A_315 : memref<104x128xf32, #tpu.memory_space<vmem>>) offsets(%dma_start3A_316 : memref<104xi32, #tpu.memory_space<vmem>>) semaphore(%arg16 : memref<!tpu.dma_semaphore, #tpu.memory_space<semaphore_mem>>)
      } else {
      }
    }
    %scan3A_31 = arith.constant 64 : i32
    %add3A_32 = arith.constant 127 : i32
    %add3A_33 = arith.addi %mul3A_2, %add3A_32 : i32
    %mul3A_34 = arith.constant 200 : i32
    %mul3A_35 = arith.muli %add3A_33, %mul3A_34 : i32
    %add3A_36 = arith.constant 0 : i32
    %add3A_37 = arith.addi %mul3A_35, %add3A_36 : i32
    %dma_wait3A = arith.constant 0 : i32
    %dma_wait3A_38 = arith.constant 0 : i32
    %dma_wait3A_39 = tpu.memref_slice %arg12[%dma_wait3A, %dma_wait3A_38] : memref<104x64xf32, #tpu.memory_space<vmem>> -> memref<104x64xf32, #tpu.memory_space<vmem>>
    %dma_wait3A_40 = arith.constant 0 : i32
    %dma_wait3A_41 = tpu.memref_slice %arg5[%add3A_37, %dma_wait3A_40] : memref<819200x64xf32, #tpu.memory_space<hbm>> -> memref<104x64xf32, #tpu.memory_space<hbm>>
    %dma_wait3A_42 = arith.constant 0 : i32
    %dma_wait3A_43 = tpu.memref_slice %arg5[%add3A_37, %dma_wait3A_42] : memref<819200x64xf32, #tpu.memory_space<hbm>> -> memref<104x64xf32, #tpu.memory_space<hbm>>
    %dma_wait3A_44 = arith.constant 0 : i32
    %dma_wait3A_45 = arith.constant 0 : i32
    %dma_wait3A_46 = tpu.memref_slice %arg12[%dma_wait3A_44, %dma_wait3A_45] : memref<104x64xf32, #tpu.memory_space<vmem>> -> memref<104x64xf32, #tpu.memory_space<vmem>>
    tpu.wait_dma2 semaphore(%arg18 : memref<!tpu.dma_semaphore, #tpu.memory_space<semaphore_mem>>) src(%dma_wait3A_46 : memref<104x64xf32, #tpu.memory_space<vmem>>) dst(%dma_wait3A_43 : memref<104x64xf32, #tpu.memory_space<hbm>>)
    %add3A_47 = arith.constant 127 : i32
    %add3A_48 = arith.addi %mul3A_2, %add3A_47 : i32
    %mul3A_49 = arith.constant 200 : i32
    %mul3A_50 = arith.muli %add3A_48, %mul3A_49 : i32
    %add3A_51 = arith.constant 104 : i32
    %add3A_52 = arith.addi %mul3A_50, %add3A_51 : i32
    %dma_wait3A_53 = arith.constant 0 : i32
    %dma_wait3A_54 = arith.constant 0 : i32
    %dma_wait3A_55 = tpu.memref_slice %arg13[%dma_wait3A_53, %dma_wait3A_54] : memref<104x64xf32, #tpu.memory_space<vmem>> -> memref<96x64xf32, #tpu.memory_space<vmem>>
    %dma_wait3A_56 = arith.constant 0 : i32
    %dma_wait3A_57 = tpu.memref_slice %arg5[%add3A_52, %dma_wait3A_56] : memref<819200x64xf32, #tpu.memory_space<hbm>> -> memref<96x64xf32, #tpu.memory_space<hbm>>
    %dma_wait3A_58 = arith.constant 0 : i32
    %dma_wait3A_59 = tpu.memref_slice %arg5[%add3A_52, %dma_wait3A_58] : memref<819200x64xf32, #tpu.memory_space<hbm>> -> memref<96x64xf32, #tpu.memory_space<hbm>>
    %dma_wait3A_60 = arith.constant 0 : i32
    %dma_wait3A_61 = arith.constant 0 : i32
    %dma_wait3A_62 = tpu.memref_slice %arg13[%dma_wait3A_60, %dma_wait3A_61] : memref<104x64xf32, #tpu.memory_space<vmem>> -> memref<96x64xf32, #tpu.memory_space<vmem>>
    tpu.wait_dma2 semaphore(%arg19 : memref<!tpu.dma_semaphore, #tpu.memory_space<semaphore_mem>>) src(%dma_wait3A_62 : memref<96x64xf32, #tpu.memory_space<vmem>>) dst(%dma_wait3A_59 : memref<96x64xf32, #tpu.memory_space<hbm>>)
    return
  }
}

</mosaic_0001>

<sc_bundles>
// kernel: _embed_sc.3.cloned.1.call-start
scs
__scs_entry_jumppad:
0x0: {  	(pc) =	sbr.rel $0x88, $3  }
0x1: {  	(tag) =	ssettag $0x0;
	lr =	simm.s32 $0x1  }
0x2: {  	[smem:$0x3F9E] =	sst lr;
	_ =	strace $0xD0000000  }
0x3: {  	_ = 	snop  }
0x4: {  	_ = 	snop  }
0x5: {  	_ = 	snop  }
0x6: {  	_ = 	snop  }
0x7: {  	_ = 	snop  }
__scs_overlays_trampoline_lowered:
0x8: {  	[smem:$0x3FAD] =	sst s0  }
0x9: {  	[smem:$0x3FAE] =	sst s1  }
0xa: {  	[smem:$0x3FAF] =	sst s2  }
0xb: {  	[smem:$0x3FB0] =	sst s3  }
0xc: {  	[smem:$0x3FB1] =	sst s4  }
0xd: {  	[smem:$0x3FB2] =	sst s5  }
0xe: {  	[smem:$0x3FB3] =	sst s6  }
0xf: {  	[smem:$0x3FB4] =	sst s7  }
0x10: {  	[smem:$0x3FB5] =	sst s8  }
0x11: {  	[smem:$0x3FB6] =	sst s9;
	s0 =	simm.s32 @!p0 $0x0  }
0x12: {  	s1 =	sld [smem:$0x3F9C];
	s0 =	simm.s32 @p0 $0x1  }
0x13: {  	[smem:$0x3FB7] =	sst s0;
	s0 =	simm.s32 @!p1 $0x0  }
0x14: {  	s2 =	sld [smem:$0x3F9B];
	s0 =	simm.s32 @p1 $0x1  }
0x15: {  	[smem:$0x3FB8] =	sst s0;
	s0 =	simm.s32 @!p2 $0x0  }
0x16: {  	s3 =	sld [smem:$0x3FDB];
	s0 =	simm.s32 @p2 $0x1  }
0x17: {  	s4 =	simm.s32 $0x1BF5;
	[smem:$0x3FBA] =	sst s0  }
0x18: {  	s0 =	sld [smem:$0x3F9D];
	_ =	swait.ge [sflag:s4], $0x0  }
0x19: {  	s7 =	sld [smem:$0x3F9E]  }
0x1a: {  	s8 =	sadd.s32 $0xFFFFE003, lr  }
0x1b: {  	s9 =	sadd.s32 $0xFFFFFEF7, lr;
	s5 =	simm.s32 $0xFFFFFFFF;
	p2 =	slt.u32 s8, $0xFFFFF086  }
0x1c: {  	p1 =	slt.u32 s9, $0xF7A;
	s5 =	simm.s32 @!p2 $0x0  }
0x1d: {  	s5 =	simm.s32 @p1 $0x1;
	p0 =	seq.s32 s7, s2  }
0x1e: {  	s7 =	smul.u32 @!p0 $0xF7A, s2;
	p2 =	seq.s32 @!p0 s5, $0x0  }
0x1f: {  	s9 =	smul.u32 $0xF7A, s1;
	s8 =	simm.s32 @!p0 $0x1BF5;
	p2 =	por !p2, p0  }
0x20: {  	[sflag:s8] =	ssyncset.s32 @!p0 $0xFFFFF086;
	s6 =	sadd.s32 @!p0 s3, s7;
	s7 =	simm.s32 @!p0 $0x108  }
0x21: {  	s3 =	sadd.s32 s3, s9;
	s6 =	sadd.s32 @!p0 $0x88, s6;
	s7 =	simm.s32 @p2 $0x1082  }
0x22: {  	[simem:s7], [sflag:s8] =	dma.local @!p0 [hbm:s6], $0xF7A  }
0x23: {  	s9 =	sor.u32 $0xD0000000, s2;
	s6 =	simm.s32 $0x108;
	_ =	swait.ge @!p0 [sflag:s8], $0x0  }
0x24: {  	s3 =	sadd.s32 $0x88, s3;
	s6 =	simm.s32 @!p1 $0x1082;
	[sflag:s4] =	ssyncset.s32 $0xFFFFF086  }
0x25: {  	[simem:s6], [sflag:s4] =	dma.local [hbm:s3], $0xF7A  }
0x26: {  	[smem:$0x3F9E] =	sst s1;
	(tag) =	ssettag s2;
	_ =	strace s9  }
0x27: {  	s1 =	sld [smem:$0x3FAE]  }
0x28: {  	s2 =	sld [smem:$0x3FAF]  }
0x29: {  	s4 =	sld [smem:$0x3FB1]  }
0x2a: {  	p0 =	seq.s32 s5, $0x0;
	s5 =	sld [smem:$0x3FB2]  }
0x2b: {  	s6 =	sld [smem:$0x3FB3]  }
0x2c: {  	s7 =	sld [smem:$0x3FB4]  }
0x2d: {  	s3 =	simm.s32 $0x108;
	s8 =	sld [smem:$0x3FB5]  }
0x2e: {  	s3 =	simm.s32 @!p0 $0x1082;
	s9 =	sld [smem:$0x3FB6]  }
0x2f: {  	lr =	sadd.s32 s0, s3;
	s0 =	sld [smem:$0x3FAD]  }
0x30: {  	s3 =	sld [smem:$0x3FB0]  }
0x31: {  	[smem:$0x3FB9] =	sst s10  }
0x32: {  	s10 =	sld [smem:$0x3FB7];
	_ =	sdelay $0x3  }
0x33: {  	p0 =	seq.s32 s10, $0x1;
	s10 =	sld [smem:$0x3FB9];
	_ =	sdelay $0x3  }
0x34: {  	[smem:$0x3FB9] =	sst s10  }
0x35: {  	s10 =	sld [smem:$0x3FB8];
	_ =	sdelay $0x3  }
0x36: {  	p1 =	seq.s32 s10, $0x1;
	s10 =	sld [smem:$0x3FB9];
	_ =	sdelay $0x3  }
0x37: {  	[smem:$0x3FB9] =	sst s10  }
0x38: {  	s10 =	sld [smem:$0x3FBA]  }
0x39: {  	_ = 	snop;
	(pc) =	sbr.ind lr, $3  }
0x3a: {  	_ = 	snop  }
0x3b: {  	_ = 	snop  }
0x3c: {  	p2 =	seq.s32 s10, $0x1;
	s10 =	sld [smem:$0x3FB9]  }
0x3d: {  	_ =	shalt  }
0x3e: {  	_ =	shalt  }
0x3f: {  	_ =	shalt  }
0x40: {  	_ =	shalt  }
0x41: {  	_ =	shalt  }
0x42: {  	_ =	shalt  }
0x43: {  	_ =	shalt  }
0x44: {  	_ =	shalt  }
0x45: {  	_ =	shalt  }
0x46: {  	_ =	shalt  }
0x47: {  	_ =	shalt  }
0x48: {  	_ =	shalt  }
0x49: {  	_ =	shalt  }
0x4a: {  	_ =	shalt  }
0x4b: {  	_ =	shalt  }
0x4c: {  	_ =	shalt  }
0x4d: {  	_ =	shalt  }
0x4e: {  	_ =	shalt  }
0x4f: {  	_ =	shalt  }
0x50: {  	_ =	shalt  }
0x51: {  	_ =	shalt  }
0x52: {  	_ =	shalt  }
0x53: {  	_ =	shalt  }
0x54: {  	_ =	shalt  }
0x55: {  	_ =	shalt  }
0x56: {  	_ =	shalt  }
0x57: {  	_ =	shalt  }
0x58: {  	_ =	shalt  }
0x59: {  	_ =	shalt  }
0x5a: {  	_ =	shalt  }
0x5b: {  	_ =	shalt  }
0x5c: {  	_ =	shalt  }
0x5d: {  	_ =	shalt  }
0x5e: {  	_ =	shalt  }
0x5f: {  	_ =	shalt  }
0x60: {  	_ =	shalt  }
0x61: {  	_ =	shalt  }
0x62: {  	_ =	shalt  }
0x63: {  	_ =	shalt  }
0x64: {  	_ =	shalt  }
0x65: {  	_ =	shalt  }
0x66: {  	_ =	shalt  }
0x67: {  	_ =	shalt  }
0x68: {  	_ =	shalt  }
0x69: {  	_ =	shalt  }
0x6a: {  	_ =	shalt  }
0x6b: {  	_ =	shalt  }
0x6c: {  	_ =	shalt  }
0x6d: {  	_ =	shalt  }
0x6e: {  	_ =	shalt  }
0x6f: {  	_ =	shalt  }
0x70: {  	_ =	shalt  }
0x71: {  	_ =	shalt  }
0x72: {  	_ =	shalt  }
0x73: {  	_ =	shalt  }
0x74: {  	_ =	shalt  }
0x75: {  	_ =	shalt  }
0x76: {  	_ =	shalt  }
0x77: {  	_ =	shalt  }
0x78: {  	_ =	shalt  }
0x79: {  	_ =	shalt  }
0x7a: {  	_ =	shalt  }
0x7b: {  	_ =	shalt  }
0x7c: {  	_ =	shalt  }
0x7d: {  	_ =	shalt  }
0x7e: {  	_ =	shalt  }
0x7f: {  	_ =	shalt  }
0x80: {  	_ =	shalt  }
0x81: {  	_ =	shalt  }
0x82: {  	_ =	shalt  }
0x83: {  	_ =	shalt  }
0x84: {  	_ =	shalt  }
0x85: {  	_ =	shalt  }
0x86: {  	_ =	shalt  }
0x87: {  	_ =	shalt  }
.Lfunc_end0:
.L_simem_size_0:
called_computation_lowered:
.L_overlay_start_0:
0x88: {  	s2 =	sld [smem:$0x3FD9]  }
0x89: {  	s3 =	sld [smem:$0x3FFE];
	_ =	sdelay $0x1  }
0x8a: {  	s1 =	srdreg.scid  }
0x8b: {  	s0 =	sand.u32 $0x1, s1  }
0x8c: {  	s17 =	sshll.u32 s0, $0xA;
	s2 =	sadd.s32 s3, s2  }
0x8d: {  	s2 =	sadd.s32 s2, s17  }
0x8e: {  	[smem:$0x3FC5] =	sst s2  }
0x8f: {  	_ = 	snop  }
0x90: {  	s2 =	sld [smem:$0x3FC9]  }
0x91: {  	s18 =	sld [smem:$0x3FC8]  }
0x92: {  	s4 =	sld [smem:$0x3FC7];
	(tm) =	ssettm $0x1  }
0x93: {  	s5 =	sld [smem:$0x3FFB];
	_ =	sdelay $0x3  }
0x94: {  	_ =	strace s5  }
0x95: {  	s5 =	sld [smem:$0x3FFC];
	_ =	sdelay $0x3  }
0x96: {  	_ =	strace s5  }
0x97: {  	s5 =	sld [smem:$0x3FFD];
	_ =	sdelay $0x3  }
0x98: {  	_ =	strace s5  }
0x99: {  	_ =	strace $0x8FFFFFFF  }
0x9a: {  	s19 =	sld [smem:$0x3FDB];
	_ =	sdelay $0x1  }
0x9b: {  	s6 =	simm.s32 $_scs_section_size  }
0x9c: {  	s7 =	simm.s32 $_size__tile_overlayer_lowered;
	s8 =	simm.s32 $_tile_overlayer_lowered  }
0x9d: {  	s22 =	simm.s32 $0x1BFF;
	s21 =	sshll.u32 s8, $0x1;
	s5 =	sadd.s32 s6, s19  }
0x9e: {  	s9 =	simm.s32 $0x0;
	s20 =	sshll.u32 s7, $0x1;
	s7 =	sadd.s32 s21, s5  }
0x9f: {  	[timem:s9], [sflag:s22] =	dma.local [hbm:s7], s20  }
0xa0: {  	_ =	swait.ge [sflag:s22], s20  }
0xa1: {  	s6 =	ssub.s32 $0x0, s20;
	[sflag:s22] =	ssyncset.done $0x0  }
0xa2: {  	[sflag:s22] =	ssyncadd.s32 s6;
	_ =	sdelay $0x1  }
0xa3: {  	s23 =	simm.s32 $0x1B8B  }
0xa4: {  	_ =	swait.ge [sflag:s23], $0x1  }
0xa5: {  	[sflag:s23] =	ssyncset.done $0x0  }
0xa6: {  	s25 =	simm.s32 $0x1B8E;
	s24 =	sld [smem:$0x3FFE];
	[sflag:s23] =	ssyncadd.s32 $0xFFFFFFFF  }
0xa7: {  	s26 =	simm.s32 $execute0_lowered;
	[smem:$0x3FD2] =	sst s25  }
0xa8: {  	s7 =	sshll.u32 s26, $0x1;
	_ =	strace $0x80000046;
	[dreg:$0x1] =	wrdreg $0xFFFFFFFF  }
0xa9: {  	s28 =	simm.s32 $_size_execute0_lowered;
	s5 =	sadd.s32 s5, s7;
	[dreg:$0x0] =	wrdreg $0x0  }
0xaa: {  	s7 =	sshll.u32 s28, $0x1;
	[dreg:$0x2] =	wrdreg s5  }
0xab: {  	[dreg:$0x3] =	wrdreg s7  }
0xac: {  	[dreg:$0x4] =	wrdreg $0xC0  }
0xad: {  	_ =	task [dreg:s9], $0x5FFFF  }
0xae: {  	[dreg:$0x1] =	wrdreg $0xFFFFFFFF  }
0xaf: {  	[dreg:$0x0] =	wrdreg $0x60  }
0xb0: {  	[dreg:$0x2] =	wrdreg s2  }
0xb1: {  	[dreg:$0x3] =	wrdreg s18  }
0xb2: {  	[dreg:$0x4] =	wrdreg s4  }
0xb3: {  	[dreg:$0x5] =	wrdreg s24  }
0xb4: {  	[dreg:$0x6] =	wrdreg $0x9  }
0xb5: {  	_ =	task.clear_ibuf [dreg:s9], $0x7FFFF;
	_ =	strace $0x90000046  }
0xb6: {  	s29 =	simm.s32 $0x9;
	_ =	strace $0x80000048  }
0xb7: {  	_ =	swait.ge [sflag:s29], $0x1  }
0xb8: {  	[sflag:s29] =	ssyncadd.s32 $0xFFFFFFFF  }
0xb9: {  	_ =	strace $0x90000048  }
0xba: {  	_ =	sfence  }
0xbb: {  	s30 =	sld [smem:$0x0];
	_ =	sdelay $0x2  }
0xbc: {  	s31 =	sshll.u32 s1, $0xD;
	s1 =	sshrl.u32 s1, $0x2  }
0xbd: {  	s3 =	sand.u32 $0x4000, s31;
	s1 =	sadd.s32 s1, s30  }
0xbe: {  	s0 =	sor.u32 s3, s0;
	s1 =	sshll.u32 s1, $0x11  }
0xbf: {  	s0 =	sor.u32 s1, s0  }
0xc0: {  	s0 =	sadd.s32 $0x8F2B, s0  }
0xc1: {  	[sflag:s0] =	ssyncadd.remote.s32 $0x1  }
0xc2: {  	_ =	sfence.sel $0xFFFF  }
0xc3: {  	[dreg:$0x0] =	wrdreg $0xFFFFFFFF;
	(pc) =	sbr.abs _section_cstart, $3  }
0xc4: {  	[dreg:$0x1] =	wrdreg $0xFFFFFFFF  }
0xc5: {  	_ =	task.clear_ibuf [dreg:s9], $0x2FFFF;
	_ =	strace $0x9FFFFFFF  }
0xc6: {  	(tm) =	ssettm $0x7FFFFFFF  }
0xc7: {  	_ =	shalt  }
tec
execute0_lowered:
.L_overlay_start_1:
0x0: {  	(tag) =	ssettag $0x1  }
0x1: {  	s0 =	rddreg [dreg:$0x0]  }
0x2: {  	s6 =	rddreg [dreg:$0x1]  }
0x3: {  	s2 =	srdreg.scid;
	s3 =	stileid.u32  }
0x4: {  	s1 =	rddreg [dreg:$0x3];
	s2 =	sand.u32 $0x1, s2;
	s3 =	sshll.u32 s3, $0x1  }
0x5: {  	s10 =	simm.s32 $0x0;
	s4 =	ssub.s32 $0x2, s2;
	s2 =	sor.u32 s2, s3  }
0x6: {  	[smem:$0x7FF] =	sst s10;
	s5 =	smul.u32 $0xC80, s2  }
.Ltmp0:
0x7: {  	s11 =	sadd.s32 $0x400, s1;
	_ =	strace $0x80000047;
	(pc) =	sbr.rel .LBB2_1-.Ltmp0, $4  }
0x8: {  	[dreg:$0xa] =	wrdreg s11;
	s29 =	sshrl.u32 s4, $0x1;
	s2 =	sshll.u32 s2, $0x7  }
0x9: {  	s30 =	ssub.s32 s4, s29;
	[dreg:$0xb] =	wrdreg s2;
	s0 =	sadd.s32 s0, s5  }
0xa: {  	s31 =	smax.u32 s30, $0x1;
	[dreg:$0xc] =	wrdreg s0  }
0xb: {  	s2 =	simm.s32 $0x0;
	[dreg:$0xd] =	wrdreg s31  }
.LBB2_16:
0xc: {  	s0 =	simm.s32 $0x5  }
0xd: {  	_ =	swait.ge [sflag:s0], $0x3400  }
0xe: {  	[sflag:s0] =	ssyncset.done $0x0  }
0xf: {  	s1 =	simm.s32 $0x6;
	[sflag:s0] =	ssyncadd.s32 $0xFFFFCC00  }
0x10: {  	_ =	swait.ge [sflag:s1], $0x3000  }
0x11: {  	s2 =	rddreg [dreg:$0xe]  }
0x12: {  	s31 =	rddreg [dreg:$0xd];
	s2 =	sadd.s32 $0x1, s2  }
0x13: {  	p0 =	sne.s32 s2, s31  }
.Ltmp1:
0x14: {  	_ = 	snop;
	(pc) =	sbr.rel @!p0 .LBB2_17-.Ltmp1, $3  }
0x15: {  	_ =	sdelay $0x1  }
0x16: {  	[sflag:s1] =	ssyncset.done $0x0  }
0x17: {  	[sflag:s1] =	ssyncadd.s32 $0xFFFFD000  }
.LBB2_1:
0x18: {  	[dreg:$0xe] =	wrdreg s2  }
0x19: {  	s0 =	rddreg [dreg:$0x2];
	s1 =	simm.s32 $0x7  }
0x1a: {  	[tilespmem:s10], [sflag:$0x7] =	stream.linear.gather [hbm4b:s0+s10], $0x3200, $0x38;
	[tilespmem:$0x1CE00] =	vst v63  }
0x1b: {  	_ =	swait.ge [sflag:s1], $0x3200  }
0x1c: {  	[sflag:s1] =	ssyncset.done $0x0  }
0x1d: {  	s24 =	simm.s32 $0x3200;
	s23 =	rddreg [dreg:$0xc];
	[sflag:s1] =	ssyncadd.s32 $0xFFFFCE00  }
0x1e: {  	[tilespmem:s24], [sflag:$0x7] =	stream.linear.gather [hbm4b:s23+s10], $0x6400, $0x38;
	[tilespmem:$0x1CE00] =	vst v63  }
0x1f: {  	_ =	swait.ge [sflag:s1], $0x6400  }
0x20: {  	[sflag:s1] =	ssyncset.done $0x0  }
0x21: {  	s25 =	simm.s32 $0x68;
	s26 =	simm.s32 $0x9600;
	[sflag:s1] =	ssyncadd.s32 $0xFFFF9C00  }
0x22: {  	[tilespmem:s26], [sflag:$0x1] =	stream.indirect.gather [hbm4b:s6+s25], $0x80, s24, s25, $0xb8;
	[tilespmem:$0x1CE00] =	vst v63  }
0x23: {  	s28 =	simm.s32 $0x60;
	s29 =	simm.s32 $0x3268;
	s3 =	simm.s32 $0xCA00  }
0x24: {  	[tilespmem:s3], [sflag:$0x2] =	stream.indirect.gather [hbm4b:s6+s28], $0x80, s29, s28, $0xb8;
	[tilespmem:$0x1CE00] =	vst v63  }
0x25: {  	s30 =	simm.s32 $0x32C8;
	s31 =	simm.s32 $0xFE00;
	s12 =	simm.s32 $0x0  }
0x26: {  	[tilespmem:s31], [sflag:$0x3] =	stream.indirect.gather [hbm4b:s6+s25], $0x80, s30, s25, $0xb8;
	[tilespmem:$0x1CE00] =	vst v63  }
.LBB2_2:
0x27: {  	s0 =	simm.s32 $0x1  }
0x28: {  	_ =	swait.ge [sflag:s0], $0x3400  }
0x29: {  	p0 =	seq.s32 s12, $0x0;
	[sflag:s0] =	ssyncset.done $0x0  }
0x2a: {  	[sflag:s0] =	ssyncadd.s32 $0xFFFFCC00;
	s0 =	simm.s32 @!p0 $0x5  }
0x2b: {  	_ =	swait.ge @!p0 [sflag:s0], $0x3400  }
0x2c: {  	[sflag:s0] =	ssyncset.done @!p0 $0x0  }
0x2d: {  	s7 =	simm.s32 $0x9A00;
	[sflag:s0] =	ssyncadd.s32 @!p0 $0xFFFFCC00  }
0x2e: {  	v0 =	vld [tilespmem:s7+$0x300]  }
0x2f: {  	s0 =	simm.s32 $0x200;
	v1 =	vld [tilespmem:s7+$0xFFFFFD00]  }
0x30: {  	v2 =	vld [tilespmem:s0+$0x180]  }
0x31: {  	v3 =	vld [tilespmem:s7+$0xFFFFFE00]  }
0x32: {  	v4 =	vld [tilespmem:s7+$0xFFFFFF00]  }
0x33: {  	v5 =	vld [tilespmem:s7+$0x0]  }
0x34: {  	v6 =	vld [tilespmem:s7+$0x100]  }
0x35: {  	v8 =	vld [tilespmem:s0+$0xFFFFFE00];
	v0 =	vmul.f32 $8.000000000e+00, v0  }
0x36: {  	v9 =	vld [tilespmem:s0+$0xFFFFFE80]  }
0x37: {  	v12 =	vld [tilespmem:s0+$0xFFFFFF80];
	v0 =	vadd.f32 v2, v0  }
0x38: {  	s30 =	simm.s32 $0x16A00;
	v2 =	vld [tilespmem:s7+$0xFFFFFC00]  }
0x39: {  	v11 =	vld [tilespmem:s0+$0xFFFFFF00];
	v1 =	vmul.f32 $8.000000000e+00, v1;
	[tilespmem:s30+$0x300] =	vst v0  }
0x3a: {  	v4 =	vmul.f32 $8.000000000e+00, v4;
	v0 =	vld [tilespmem:s7+$0x310]  }
0x3b: {  	v7 =	vld [tilespmem:s7+$0x200];
	v1 =	vadd.f32 v9, v1  }
0x3c: {  	v3 =	vmul.f32 $8.000000000e+00, v3;
	v4 =	vadd.f32 v12, v4;
	v10 =	vld [tilespmem:s0+$0x190]  }
0x3d: {  	v9 =	vld [tilespmem:s0+$0x80];
	[tilespmem:s30+$0xFFFFFD00] =	vst v1;
	v2 =	vmul.f32 $8.000000000e+00, v2  }
0x3e: {  	v1 =	vadd.f32 v11, v3;
	v3 =	vmul.f32 $8.000000000e+00, v5;
	[tilespmem:s30+$0xFFFFFF00] =	vst v4;
	v5 =	vld [tilespmem:s7+$0xFFFFFD10]  }
0x3f: {  	v11 =	vld [tilespmem:s0+$0xFFFFFF90];
	v2 =	vadd.f32 v8, v2;
	v0 =	vmul.f32 $8.000000000e+00, v0  }
0x40: {  	v8 =	vld [tilespmem:s0+$0x0]  }
0x41: {  	[tilespmem:s30+$0xFFFFFC00] =	vst v2;
	v2 =	vld [tilespmem:s0+$0x100];
	v0 =	vadd.f32 v10, v0  }
0x42: {  	[tilespmem:s30+$0xFFFFFE00] =	vst v1;
	v10 =	vld [tilespmem:s7+$0xFFFFFC10]  }
0x43: {  	[tilespmem:s30+$0x310] =	vst v0;
	v0 =	vmul.f32 $8.000000000e+00, v6;
	v6 =	vmul.f32 $8.000000000e+00, v7;
	v7 =	vld [tilespmem:s7+$0xFFFFFE10]  }
0x44: {  	v1 =	vld [tilespmem:s7+$0x320]  }
0x45: {  	v3 =	vadd.f32 v8, v3;
	v8 =	vld [tilespmem:s0+$0xFFFFFE10]  }
0x46: {  	v4 =	vld [tilespmem:s0+$0x1A0]  }
0x47: {  	v0 =	vadd.f32 v9, v0;
	[tilespmem:s30+$0x0] =	vst v3;
	v3 =	vld [tilespmem:s7+$0xFFFFFF10]  }
0x48: {  	v2 =	vadd.f32 v2, v6;
	v9 =	vld [tilespmem:s0+$0xFFFFFF10]  }
0x49: {  	[tilespmem:s30+$0x100] =	vst v0;
	v0 =	vld [tilespmem:s7+$0x10];
	v1 =	vmul.f32 $8.000000000e+00, v1  }
0x4a: {  	v10 =	vmul.f32 $8.000000000e+00, v10;
	[tilespmem:s30+$0x200] =	vst v2;
	v2 =	vld [tilespmem:s7+$0x110]  }
0x4b: {  	v6 =	vld [tilespmem:s7+$0x210];
	v1 =	vadd.f32 v4, v1  }
0x4c: {  	v7 =	vmul.f32 $8.000000000e+00, v7;
	v8 =	vadd.f32 v8, v10;
	v10 =	vld [tilespmem:s0+$0x10]  }
0x4d: {  	v4 =	vld [tilespmem:s0+$0xFFFFFE90];
	[tilespmem:s30+$0x320] =	vst v1  }
0x4e: {  	v7 =	vadd.f32 v9, v7;
	v1 =	vld [tilespmem:s7+$0x330]  }
0x4f: {  	v3 =	vmul.f32 $8.000000000e+00, v3;
	[tilespmem:s30+$0xFFFFFC10] =	vst v8;
	v8 =	vld [tilespmem:s0+$0x110]  }
0x50: {  	v5 =	vmul.f32 $8.000000000e+00, v5;
	v0 =	vmul.f32 $8.000000000e+00, v0;
	[tilespmem:s30+$0xFFFFFE10] =	vst v7;
	v56 =	vld [tilespmem:s0+$0x1B0]  }
0x51: {  	v3 =	vadd.f32 v11, v3;
	v9 =	vld [tilespmem:s7+$0xFFFFFE20]  }
0x52: {  	v0 =	vadd.f32 v10, v0;
	v4 =	vadd.f32 v4, v5;
	v5 =	vld [tilespmem:s0+$0x90]  }
0x53: {  	v11 =	vld [tilespmem:s0+$0xFFFFFF20];
	[tilespmem:s30+$0xFFFFFF10] =	vst v3;
	v1 =	vmul.f32 $8.000000000e+00, v1  }
0x54: {  	v3 =	vmul.f32 $8.000000000e+00, v6;
	v6 =	vld [tilespmem:s7+$0xFFFFFF20];
	[tilespmem:s30+$0x10] =	vst v0  }
0x55: {  	v2 =	vmul.f32 $8.000000000e+00, v2;
	[tilespmem:s30+$0xFFFFFD10] =	vst v4;
	v4 =	vld [tilespmem:s7+$0xFFFFFC20];
	v1 =	vadd.f32 v56, v1  }
0x56: {  	v57 =	vld [tilespmem:s0+$0x20]  }
0x57: {  	[tilespmem:s30+$0x330] =	vst v1;
	v1 =	vadd.f32 v5, v2;
	v2 =	vadd.f32 v8, v3;
	v8 =	vld [tilespmem:s0+$0xFFFFFE20]  }
0x58: {  	v7 =	vld [tilespmem:s7+$0xFFFFFD20]  }
0x59: {  	v0 =	vld [tilespmem:s7+$0x380];
	[tilespmem:s30+$0x110] =	vst v1  }
0x5a: {  	v4 =	vmul.f32 $8.000000000e+00, v4;
	[tilespmem:s30+$0x210] =	vst v2;
	v2 =	vld [tilespmem:s7+$0x120]  }
0x5b: {  	v1 =	vld [tilespmem:s0+$0x1C0]  }
0x5c: {  	v4 =	vadd.f32 v8, v4;
	v8 =	vld [tilespmem:s0+$0xA0]  }
0x5d: {  	v9 =	vmul.f32 $8.000000000e+00, v9;
	v3 =	vld [tilespmem:s7+$0x20]  }
0x5e: {  	v10 =	vld [tilespmem:s0+$0xFFFFFEA0];
	v0 =	vmul.f32 $8.000000000e+00, v0  }
0x5f: {  	v5 =	vld [tilespmem:s7+$0x220];
	[tilespmem:s30+$0xFFFFFC20] =	vst v4;
	v4 =	vadd.f32 v11, v9;
	v2 =	vmul.f32 $8.000000000e+00, v2  }
0x60: {  	v0 =	vadd.f32 v1, v0;
	v1 =	vld [tilespmem:s0+$0xFFFFFFA0]  }
0x61: {  	[tilespmem:s30+$0xFFFFFE20] =	vst v4;
	v2 =	vadd.f32 v8, v2;
	v8 =	vld [tilespmem:s0+$0xFFFFFE30]  }
0x62: {  	s2 =	simm.s32 $0x3C0;
	v3 =	vmul.f32 $8.000000000e+00, v3;
	[tilespmem:s30+$0x380] =	vst v0;
	v11 =	vld [tilespmem:s0+$0xFFFFFF30]  }
0x63: {  	s1 =	sor.u32 $0x50, s2;
	v0 =	vmul.f32 $8.000000000e+00, v7;
	v7 =	vld [tilespmem:s7+$0x390]  }
0x64: {  	v3 =	vadd.f32 v57, v3;
	v9 =	vld [tilespmem:s1+$0x0]  }
0x65: {  	v6 =	vmul.f32 $8.000000000e+00, v6;
	v0 =	vadd.f32 v10, v0;
	v10 =	vld [tilespmem:s0+$0x120];
	[tilespmem:s30+$0x120] =	vst v2  }
0x66: {  	[tilespmem:s30+$0x20] =	vst v3;
	v2 =	vld [tilespmem:s7+$0x130]  }
0x67: {  	[tilespmem:s30+$0xFFFFFD20] =	vst v0;
	v0 =	vadd.f32 v1, v6;
	v1 =	vld [tilespmem:s7+$0xFFFFFC30]  }
0x68: {  	v6 =	vld [tilespmem:s7+$0x30]  }
0x69: {  	v4 =	vld [tilespmem:s7+$0xFFFFFD30]  }
0x6a: {  	v5 =	vmul.f32 $8.000000000e+00, v5;
	[tilespmem:s30+$0xFFFFFF20] =	vst v0;
	v0 =	vld [tilespmem:s7+$0xFFFFFE30]  }
0x6b: {  	v3 =	vld [tilespmem:s7+$0xFFFFFF30]  }
0x6c: {  	v7 =	vmul.f32 $8.000000000e+00, v7;
	v5 =	vadd.f32 v10, v5;
	v10 =	vld [tilespmem:s0+$0xFFFFFEB0]  }
0x6d: {  	v58 =	vld [tilespmem:s0+$0xFFFFFFB0]  }
0x6e: {  	v7 =	vadd.f32 v9, v7;
	v9 =	vld [tilespmem:s0+$0x30];
	[tilespmem:s30+$0x220] =	vst v5  }
0x6f: {  	v1 =	vmul.f32 $8.000000000e+00, v1;
	v5 =	vld [tilespmem:s7+$0x230]  }
0x70: {  	v4 =	vmul.f32 $8.000000000e+00, v4;
	[tilespmem:s30+$0x390] =	vst v7;
	v7 =	vld [tilespmem:s0+$0x130]  }
0x71: {  	s11 =	sor.u32 $0x60, s2;
	v0 =	vmul.f32 $8.000000000e+00, v0;
	v1 =	vadd.f32 v8, v1;
	v8 =	vld [tilespmem:s0+$0xB0]  }
0x72: {  	v13 =	vld [tilespmem:s11+$0x0];
	v3 =	vmul.f32 $8.000000000e+00, v3;
	v4 =	vadd.f32 v10, v4  }
0x73: {  	v10 =	vld [tilespmem:s7+$0x3A0];
	[tilespmem:s30+$0xFFFFFC30] =	vst v1;
	v0 =	vadd.f32 v11, v0  }
0x74: {  	v1 =	vmul.f32 $8.000000000e+00, v2;
	v2 =	vld [tilespmem:s7+$0xFFFFFC80];
	[tilespmem:s30+$0xFFFFFD30] =	vst v4;
	v3 =	vadd.f32 v58, v3  }
0x75: {  	v6 =	vmul.f32 $8.000000000e+00, v6;
	v4 =	vmul.f32 $8.000000000e+00, v5;
	[tilespmem:s30+$0xFFFFFE30] =	vst v0;
	v5 =	vld [tilespmem:s7+$0xFFFFFD80]  }
0x76: {  	[tilespmem:s30+$0xFFFFFF30] =	vst v3;
	v3 =	vld [tilespmem:s7+$0xFFFFFE80]  }
0x77: {  	v0 =	vadd.f32 v9, v6;
	v1 =	vadd.f32 v8, v1;
	v8 =	vld [tilespmem:s0+$0xFFFFFEC0]  }
0x78: {  	v9 =	vld [tilespmem:s0+$0xFFFFFF40]  }
0x79: {  	[tilespmem:s30+$0x30] =	vst v0;
	v0 =	vadd.f32 v7, v4;
	v4 =	vld [tilespmem:s7+$0xFFFFFF80]  }
0x7a: {  	v7 =	vld [tilespmem:s0+$0xFFFFFE40]  }
0x7b: {  	v11 =	vld [tilespmem:s0+$0xFFFFFFC0]  }
0x7c: {  	[tilespmem:s30+$0x130] =	vst v1;
	v1 =	vld [tilespmem:s7+$0x80]  }
0x7d: {  	v59 =	vld [tilespmem:s0+$0x40];
	[tilespmem:s30+$0x230] =	vst v0;
	v2 =	vmul.f32 $8.000000000e+00, v2  }
0x7e: {  	v6 =	vld [tilespmem:s7+$0x280];
	v5 =	vmul.f32 $8.000000000e+00, v5  }
0x7f: {  	v0 =	vld [tilespmem:s7+$0x180];
	v3 =	vmul.f32 $8.000000000e+00, v3;
	v2 =	vadd.f32 v7, v2  }
0x80: {  	v7 =	vld [tilespmem:s0+$0xC0];
	v4 =	vmul.f32 $8.000000000e+00, v4;
	v5 =	vadd.f32 v8, v5  }
0x81: {  	v8 =	vld [tilespmem:s0+$0x140];
	[tilespmem:s30+$0xFFFFFC80] =	vst v2;
	v2 =	vadd.f32 v9, v3  }
0x82: {  	[tilespmem:s30+$0xFFFFFD80] =	vst v5;
	v4 =	vadd.f32 v11, v4;
	v3 =	vld [tilespmem:s7+$0xFFFFFC90]  }
0x83: {  	v1 =	vmul.f32 $8.000000000e+00, v1;
	v5 =	vmul.f32 $8.000000000e+00, v6;
	v6 =	vld [tilespmem:s7+$0xFFFFFD90];
	[tilespmem:s30+$0xFFFFFE80] =	vst v2  }
0x84: {  	s13 =	simm.s32 $0x40;
	v0 =	vmul.f32 $8.000000000e+00, v0;
	[tilespmem:s30+$0xFFFFFF80] =	vst v4;
	v2 =	vld [tilespmem:s7+$0xFFFFFE90]  }
0x85: {  	s3 =	simm.s32 $0xC0;
	s5 =	sor.u32 $0x50, s13;
	v1 =	vadd.f32 v59, v1;
	v4 =	vld [tilespmem:s7+$0xFFFFFF90]  }
0x86: {  	s4 =	simm.s32 $0x140;
	s6 =	sor.u32 $0x50, s3;
	v0 =	vadd.f32 v7, v0;
	v7 =	vld [tilespmem:s5+$0x0]  }
0x87: {  	s14 =	simm.s32 $0x1C0;
	s8 =	sor.u32 $0x50, s4;
	[tilespmem:s30+$0x80] =	vst v1;
	v1 =	vadd.f32 v8, v5;
	v8 =	vld [tilespmem:s6+$0x0]  }
0x88: {  	s10 =	sor.u32 $0x50, s14;
	v9 =	vmul.f32 $8.000000000e+00, v10;
	v10 =	vld [tilespmem:s8+$0x0]  }
0x89: {  	s15 =	simm.s32 $0x240;
	v11 =	vld [tilespmem:s10+$0x0]  }
0x8a: {  	s17 =	sor.u32 $0x50, s15;
	v5 =	vld [tilespmem:s7+$0x90]  }
0x8b: {  	v60 =	vld [tilespmem:s17+$0x0];
	[tilespmem:s30+$0x180] =	vst v0;
	v3 =	vmul.f32 $8.000000000e+00, v3  }
0x8c: {  	s9 =	simm.s32 $0x2C0;
	[tilespmem:s30+$0x280] =	vst v1;
	v0 =	vld [tilespmem:s7+$0x190];
	v6 =	vmul.f32 $8.000000000e+00, v6  }
0x8d: {  	s18 =	simm.s32 $0x340;
	s11 =	sor.u32 $0x50, s9;
	v1 =	vld [tilespmem:s7+$0x290];
	v2 =	vmul.f32 $8.000000000e+00, v2;
	v3 =	vadd.f32 v7, v3  }
0x8e: {  	s19 =	sor.u32 $0x50, s18;
	v7 =	vld [tilespmem:s11+$0x0];
	v4 =	vmul.f32 $8.000000000e+00, v4;
	v6 =	vadd.f32 v8, v6  }
0x8f: {  	v8 =	vld [tilespmem:s19+$0x0];
	[tilespmem:s30+$0xFFFFFC90] =	vst v3;
	v2 =	vadd.f32 v10, v2  }
0x90: {  	v5 =	vmul.f32 $8.000000000e+00, v5;
	[tilespmem:s30+$0xFFFFFD90] =	vst v6;
	v4 =	vadd.f32 v11, v4;
	v3 =	vld [tilespmem:s7+$0xFFFFFCA0]  }
0x91: {  	v6 =	vld [tilespmem:s7+$0xFFFFFDA0];
	[tilespmem:s30+$0xFFFFFE90] =	vst v2  }
0x92: {  	v0 =	vmul.f32 $8.000000000e+00, v0;
	v2 =	vadd.f32 v60, v5;
	[tilespmem:s30+$0xFFFFFF90] =	vst v4;
	v5 =	vld [tilespmem:s7+$0xFFFFFEA0]  }
0x93: {  	s20 =	sor.u32 $0x60, s13;
	v1 =	vmul.f32 $8.000000000e+00, v1;
	v4 =	vld [tilespmem:s7+$0xFFFFFFA0]  }
0x94: {  	s21 =	sor.u32 $0x60, s3;
	v0 =	vadd.f32 v7, v0;
	v7 =	vld [tilespmem:s20+$0x0]  }
0x95: {  	s22 =	sor.u32 $0x60, s4;
	v1 =	vadd.f32 v8, v1;
	v8 =	vld [tilespmem:s21+$0x0]  }
0x96: {  	s23 =	sor.u32 $0x60, s14;
	v10 =	vld [tilespmem:s22+$0x0]  }
0x97: {  	v11 =	vld [tilespmem:s23+$0x0];
	[tilespmem:s30+$0x90] =	vst v2  }
0x98: {  	s24 =	sor.u32 $0x60, s15;
	v2 =	vld [tilespmem:s7+$0xA0]  }
0x99: {  	[tilespmem:s30+$0x190] =	vst v0;
	v61 =	vld [tilespmem:s24+$0x0]  }
0x9a: {  	[tilespmem:s30+$0x290] =	vst v1;
	v0 =	vld [tilespmem:s7+$0x1A0];
	v3 =	vmul.f32 $8.000000000e+00, v3  }
0x9b: {  	s25 =	sor.u32 $0x60, s9;
	v9 =	vadd.f32 v13, v9;
	v1 =	vld [tilespmem:s7+$0x2A0];
	v6 =	vmul.f32 $8.000000000e+00, v6  }
0x9c: {  	s26 =	sor.u32 $0x60, s18;
	v5 =	vmul.f32 $8.000000000e+00, v5;
	v3 =	vadd.f32 v7, v3;
	v7 =	vld [tilespmem:s25+$0x0]  }
0x9d: {  	[tilespmem:s30+$0x3A0] =	vst v9;
	v4 =	vmul.f32 $8.000000000e+00, v4;
	v6 =	vadd.f32 v8, v6;
	v8 =	vld [tilespmem:s26+$0x0]  }
0x9e: {  	s29 =	sor.u32 $0x70, s2;
	v9 =	vld [tilespmem:s7+$0x3B0];
	v2 =	vmul.f32 $8.000000000e+00, v2;
	[tilespmem:s30+$0xFFFFFCA0] =	vst v3;
	v3 =	vadd.f32 v10, v5  }
0x9f: {  	v62 =	vld [tilespmem:s29+$0x0];
	[tilespmem:s30+$0xFFFFFDA0] =	vst v6;
	v4 =	vadd.f32 v11, v4;
	v0 =	vmul.f32 $8.000000000e+00, v0  }
0xa0: {  	v5 =	vld [tilespmem:s7+$0xFFFFFCB0];
	v1 =	vmul.f32 $8.000000000e+00, v1;
	[tilespmem:s30+$0xFFFFFEA0] =	vst v3;
	v2 =	vadd.f32 v61, v2  }
0xa1: {  	v6 =	vld [tilespmem:s7+$0xFFFFFDB0];
	[tilespmem:s30+$0xFFFFFFA0] =	vst v4;
	v0 =	vadd.f32 v7, v0  }
0xa2: {  	v10 =	vld [tilespmem:s7+$0xFFFFFEB0];
	v1 =	vadd.f32 v8, v1;
	[tilespmem:s30+$0xA0] =	vst v2  }
0xa3: {  	v11 =	vld [tilespmem:s7+$0xFFFFFFB0];
	[tilespmem:s30+$0x1A0] =	vst v0  }
0xa4: {  	v2 =	vld [tilespmem:s7+$0xB0];
	[tilespmem:s30+$0x2A0] =	vst v1  }
0xa5: {  	s31 =	sshll.u32 s12, $0x1;
	v63 =	vld [tilespmem:s7+$0x1B0];
	[dreg:$0xf] =	wrdreg s12  }
0xa6: {  	[dreg:$0x12] =	wrdreg s31  }
0xa7: {  	s1 =	sor.u32 $0x70, s13;
	v1 =	vmul.f32 $8.000000000e+00, v9;
	v0 =	vld [tilespmem:s7+$0x2B0]  }
0xa8: {  	s3 =	sor.u32 $0x70, s3;
	v7 =	vld [tilespmem:s1+$0x0]  }
0xa9: {  	s16 =	simm.s32 $0x0;
	s4 =	sor.u32 $0x70, s4;
	v4 =	vmul.f32 $8.000000000e+00, v5;
	v3 =	vmul.f32 $8.000000000e+00, v6;
	v1 =	vadd.f32 v62, v1;
	v8 =	vld [tilespmem:s3+$0x0]  }
0xaa: {  	s28 =	simm.s32 $0xA200;
	s5 =	sor.u32 $0x70, s14;
	s8 =	sor.u32 $0x70, s15;
	v9 =	vld [tilespmem:s4+$0x0];
	v6 =	vmul.f32 $8.000000000e+00, v10;
	v5 =	vmul.f32 $8.000000000e+00, v11  }
0xab: {  	s17 =	sor.u32 $0x70, s18;
	s7 =	sor.u32 $0x70, s9;
	s9 =	simm.s32 $0x16A00;
	v10 =	vld [tilespmem:s5+$0x0];
	[tilespmem:s30+$0x3B0] =	vst v1;
	v2 =	vmul.f32 $8.000000000e+00, v2;
	v1 =	vmul.f32 $8.000000000e+00, v63  }
.LBB2_3:
0xac: {  	v11 =	vld [tilespmem:s28+$0x300]  }
0xad: {  	v12 =	vld [tilespmem:s28+$0xFFFFFD00];
	s0 =	sadd.s32 $0x400, s0  }
0xae: {  	v35 =	vld [tilespmem:s0+$0x80]  }
0xaf: {  	v4 =	vadd.f32 v7, v4;
	v7 =	vld [tilespmem:s0+$0x180]  }
0xb0: {  	v3 =	vadd.f32 v8, v3;
	v8 =	vld [tilespmem:s28+$0xFFFFFE00]  }
0xb1: {  	[tilespmem:s30+$0xFFFFFCB0] =	vst v4;
	v4 =	vadd.f32 v9, v6;
	v6 =	vld [tilespmem:s28+$0xFFFFFF00]  }
0xb2: {  	[tilespmem:s30+$0xFFFFFDB0] =	vst v3;
	v3 =	vadd.f32 v10, v5;
	v10 =	vld [tilespmem:s28+$0x100]  }
0xb3: {  	v9 =	vmul.f32 $8.000000000e+00, v11;
	v11 =	vld [tilespmem:s0+$0xFFFFFE00]  }
0xb4: {  	v34 =	vld [tilespmem:s0+$0xFFFFFE80]  }
0xb5: {  	[tilespmem:s30+$0xFFFFFFB0] =	vst v3;
	v7 =	vadd.f32 v7, v9;
	v9 =	vld [tilespmem:s28+$0xFFFFFC00]  }
0xb6: {  	[tilespmem:s30+$0xFFFFFEB0] =	vst v4;
	s30 =	sadd.s32 $0x800, s30;
	v15 =	vld [tilespmem:s0+$0xFFFFFF80]  }
0xb7: {  	v4 =	vmul.f32 $8.000000000e+00, v12;
	v14 =	vld [tilespmem:s0+$0xFFFFFF00];
	[tilespmem:s30+$0x300] =	vst v7  }
0xb8: {  	v7 =	vld [tilespmem:s28+$0x310]  }
0xb9: {  	v5 =	vld [tilespmem:s28+$0x0];
	v6 =	vmul.f32 $8.000000000e+00, v6;
	v4 =	vadd.f32 v34, v4  }
0xba: {  	v8 =	vmul.f32 $8.000000000e+00, v8;
	v13 =	vld [tilespmem:s0+$0x190]  }
0xbb: {  	v3 =	vld [tilespmem:s28+$0x200];
	v9 =	vmul.f32 $8.000000000e+00, v9;
	[tilespmem:s30+$0xFFFFFD00] =	vst v4;
	v6 =	vadd.f32 v15, v6  }
0xbc: {  	v10 =	vmul.f32 $8.000000000e+00, v10;
	v4 =	vadd.f32 v14, v8;
	v8 =	vld [tilespmem:s28+$0xFFFFFD10]  }
0xbd: {  	v9 =	vadd.f32 v11, v9;
	v11 =	vld [tilespmem:s0+$0x0];
	[tilespmem:s30+$0xFFFFFF00] =	vst v6;
	v7 =	vmul.f32 $8.000000000e+00, v7  }
0xbe: {  	[tilespmem:s30+$0xFFFFFE00] =	vst v4;
	v6 =	vadd.f32 v35, v10;
	v10 =	vld [tilespmem:s28+$0xFFFFFF10]  }
0xbf: {  	v38 =	vld [tilespmem:s0+$0xFFFFFF10];
	v7 =	vadd.f32 v13, v7  }
0xc0: {  	v5 =	vmul.f32 $8.000000000e+00, v5;
	[tilespmem:s30+$0xFFFFFC00] =	vst v9;
	v9 =	vld [tilespmem:s0+$0x100]  }
0xc1: {  	v36 =	vld [tilespmem:s28+$0xFFFFFC10];
	[tilespmem:s30+$0x310] =	vst v7  }
0xc2: {  	v4 =	vadd.f32 v11, v5;
	v5 =	vld [tilespmem:s28+$0x320]  }
0xc3: {  	v37 =	vld [tilespmem:s0+$0xFFFFFE10]  }
0xc4: {  	v3 =	vmul.f32 $8.000000000e+00, v3;
	[tilespmem:s30+$0x0] =	vst v4;
	v4 =	vld [tilespmem:s0+$0x1A0]  }
0xc5: {  	v39 =	vld [tilespmem:s0+$0xFFFFFF90]  }
0xc6: {  	v7 =	vld [tilespmem:s28+$0xFFFFFE10];
	v3 =	vadd.f32 v9, v3;
	v9 =	vmul.f32 $8.000000000e+00, v36  }
0xc7: {  	[tilespmem:s30+$0x100] =	vst v6;
	v6 =	vmul.f32 $8.000000000e+00, v8;
	v8 =	vld [tilespmem:s28+$0x10];
	v5 =	vmul.f32 $8.000000000e+00, v5  }
0xc8: {  	[tilespmem:s30+$0x200] =	vst v3;
	v3 =	vld [tilespmem:s28+$0x110];
	v9 =	vadd.f32 v37, v9  }
0xc9: {  	v11 =	vld [tilespmem:s28+$0x210];
	v4 =	vadd.f32 v4, v5  }
0xca: {  	[tilespmem:s30+$0xFFFFFC10] =	vst v9;
	v5 =	vld [tilespmem:s0+$0xFFFFFE90]  }
0xcb: {  	v7 =	vmul.f32 $8.000000000e+00, v7;
	v9 =	vld [tilespmem:s0+$0x90];
	[tilespmem:s30+$0x320] =	vst v4  }
0xcc: {  	v4 =	vld [tilespmem:s28+$0x330]  }
0xcd: {  	v7 =	vadd.f32 v38, v7;
	v41 =	vld [tilespmem:s28+$0xFFFFFC20]  }
0xce: {  	v40 =	vld [tilespmem:s0+$0x1B0]  }
0xcf: {  	v10 =	vmul.f32 $8.000000000e+00, v10;
	v43 =	vld [tilespmem:s0+$0xFFFFFE20];
	[tilespmem:s30+$0xFFFFFE10] =	vst v7;
	v5 =	vadd.f32 v5, v6  }
0xd0: {  	v42 =	vld [tilespmem:s28+$0xFFFFFE20]  }
0xd1: {  	v7 =	vadd.f32 v39, v10;
	[tilespmem:s30+$0xFFFFFD10] =	vst v5;
	v5 =	vld [tilespmem:s0+$0x110];
	v4 =	vmul.f32 $8.000000000e+00, v4  }
0xd2: {  	v6 =	vld [tilespmem:s0+$0x10]  }
0xd3: {  	v3 =	vmul.f32 $8.000000000e+00, v3;
	v45 =	vld [tilespmem:s0+$0xFFFFFF20];
	[tilespmem:s30+$0xFFFFFF10] =	vst v7;
	v4 =	vadd.f32 v40, v4  }
0xd4: {  	v11 =	vmul.f32 $8.000000000e+00, v11;
	v7 =	vld [tilespmem:s28+$0xFFFFFF20]  }
0xd5: {  	v8 =	vmul.f32 $8.000000000e+00, v8;
	v3 =	vadd.f32 v9, v3;
	v10 =	vld [tilespmem:s28+$0xFFFFFD20];
	[tilespmem:s30+$0x330] =	vst v4  }
0xd6: {  	v4 =	vadd.f32 v5, v11;
	v5 =	vld [tilespmem:s28+$0x380]  }
0xd7: {  	[tilespmem:s30+$0x110] =	vst v3;
	v44 =	vld [tilespmem:s0+$0xFFFFFEA0];
	v6 =	vadd.f32 v6, v8  }
0xd8: {  	[tilespmem:s30+$0x210] =	vst v4;
	v4 =	vld [tilespmem:s0+$0x1C0]  }
0xd9: {  	v47 =	vld [tilespmem:s0+$0xA0];
	[tilespmem:s30+$0x10] =	vst v6  }
0xda: {  	v8 =	vld [tilespmem:s28+$0x20];
	v3 =	vmul.f32 $8.000000000e+00, v10  }
0xdb: {  	v10 =	vld [tilespmem:s28+$0x120];
	v5 =	vmul.f32 $8.000000000e+00, v5  }
0xdc: {  	v46 =	vld [tilespmem:s0+$0x20];
	v3 =	vadd.f32 v44, v3  }
0xdd: {  	v6 =	vmul.f32 $8.000000000e+00, v41;
	v4 =	vadd.f32 v4, v5;
	v5 =	vld [tilespmem:s0+$0xFFFFFFA0]  }
0xde: {  	v11 =	vld [tilespmem:s28+$0x220];
	[tilespmem:s30+$0xFFFFFD20] =	vst v3  }
0xdf: {  	s2 =	sadd.s32 $0x400, s2;
	v9 =	vmul.f32 $8.000000000e+00, v42;
	v49 =	vld [tilespmem:s0+$0xFFFFFEB0];
	[tilespmem:s30+$0x380] =	vst v4;
	v4 =	vadd.f32 v43, v6  }
0xe0: {  	s1 =	sor.u32 $0x50, s2;
	v7 =	vmul.f32 $8.000000000e+00, v7;
	v6 =	vld [tilespmem:s28+$0x390]  }
0xe1: {  	[tilespmem:s30+$0xFFFFFC20] =	vst v4;
	v4 =	vadd.f32 v45, v9;
	v9 =	vld [tilespmem:s1+$0x0]  }
0xe2: {  	v8 =	vmul.f32 $8.000000000e+00, v8;
	v3 =	vadd.f32 v5, v7;
	v5 =	vld [tilespmem:s0+$0x120]  }
0xe3: {  	v7 =	vld [tilespmem:s28+$0xFFFFFC30]  }
0xe4: {  	v10 =	vmul.f32 $8.000000000e+00, v10;
	v48 =	vld [tilespmem:s0+$0xFFFFFE30];
	[tilespmem:s30+$0xFFFFFE20] =	vst v4;
	v4 =	vadd.f32 v46, v8  }
0xe5: {  	v8 =	vld [tilespmem:s28+$0xFFFFFD30];
	[tilespmem:s30+$0xFFFFFF20] =	vst v3;
	v3 =	vmul.f32 $8.000000000e+00, v6  }
0xe6: {  	v11 =	vmul.f32 $8.000000000e+00, v11;
	v50 =	vld [tilespmem:s0+$0xFFFFFF30];
	[tilespmem:s30+$0x20] =	vst v4;
	v4 =	vadd.f32 v47, v10  }
0xe7: {  	s11 =	sadd.s32 $0xFFFFFD00, s2;
	s15 =	sadd.s32 $0xFFFFFE00, s2;
	v6 =	vld [tilespmem:s28+$0xFFFFFE30];
	v3 =	vadd.f32 v9, v3  }
0xe8: {  	s14 =	sadd.s32 $0xFFFFFF00, s2;
	s12 =	sor.u32 $0x50, s11;
	s26 =	sor.u32 $0x50, s15;
	v10 =	vld [tilespmem:s28+$0xFFFFFF30];
	[tilespmem:s30+$0x120] =	vst v4;
	v4 =	vadd.f32 v5, v11  }
0xe9: {  	s5 =	sor.u32 $0x50, s14;
	s21 =	sor.u32 $0x60, s11;
	s11 =	sor.u32 $0x70, s11;
	v51 =	vld [tilespmem:s0+$0xFFFFFFB0];
	[tilespmem:s30+$0x390] =	vst v3  }
0xea: {  	s22 =	sor.u32 $0x60, s15;
	s19 =	sor.u32 $0x60, s14;
	[dreg:$0x8] =	wrdreg s11;
	[tilespmem:s30+$0x220] =	vst v4;
	v4 =	vld [tilespmem:s28+$0x3A0]  }
0xeb: {  	s11 =	sor.u32 $0x70, s15;
	s15 =	sor.u32 $0x70, s14;
	s14 =	sor.u32 $0x60, s2;
	v16 =	vld [tilespmem:s0+$0x30]  }
0xec: {  	v3 =	vmul.f32 $8.000000000e+00, v8;
	v11 =	vld [tilespmem:s14+$0x0]  }
0xed: {  	v9 =	vld [tilespmem:s28+$0x30]  }
0xee: {  	v5 =	vmul.f32 $8.000000000e+00, v7;
	v7 =	vld [tilespmem:s28+$0x130];
	v10 =	vmul.f32 $8.000000000e+00, v10;
	v3 =	vadd.f32 v49, v3  }
0xef: {  	v8 =	vld [tilespmem:s28+$0x230];
	v4 =	vmul.f32 $8.000000000e+00, v4  }
0xf0: {  	v52 =	vld [tilespmem:s0+$0x130];
	[tilespmem:s30+$0xFFFFFD30] =	vst v3;
	v3 =	vadd.f32 v51, v10  }
0xf1: {  	v10 =	vld [tilespmem:s28+$0xFFFFFD80];
	v4 =	vadd.f32 v11, v4  }
0xf2: {  	v5 =	vadd.f32 v48, v5;
	v6 =	vmul.f32 $8.000000000e+00, v6;
	[tilespmem:s30+$0xFFFFFF30] =	vst v3;
	v11 =	vld [tilespmem:s0+$0xB0]  }
0xf3: {  	v54 =	vld [tilespmem:s0+$0xFFFFFFC0];
	[tilespmem:s30+$0x3A0] =	vst v4  }
0xf4: {  	[tilespmem:s30+$0xFFFFFC30] =	vst v5;
	v9 =	vmul.f32 $8.000000000e+00, v9;
	v4 =	vadd.f32 v50, v6;
	v5 =	vld [tilespmem:s28+$0x3B0]  }
0xf5: {  	s14 =	sor.u32 $0x70, s2;
	v7 =	vmul.f32 $8.000000000e+00, v7;
	v6 =	vld [tilespmem:s28+$0xFFFFFC80]  }
0xf6: {  	[tilespmem:s30+$0xFFFFFE30] =	vst v4;
	v4 =	vadd.f32 v16, v9;
	v9 =	vld [tilespmem:s14+$0x0]  }
0xf7: {  	v3 =	vadd.f32 v11, v7;
	v7 =	vld [tilespmem:s28+$0xFFFFFE80]  }
0xf8: {  	v8 =	vmul.f32 $8.000000000e+00, v8;
	v11 =	vld [tilespmem:s0+$0xFFFFFE40]  }
0xf9: {  	v53 =	vld [tilespmem:s0+$0xFFFFFF40];
	[tilespmem:s30+$0x130] =	vst v3;
	v3 =	vmul.f32 $8.000000000e+00, v5  }
0xfa: {  	[tilespmem:s30+$0x30] =	vst v4;
	v4 =	vadd.f32 v52, v8;
	v8 =	vld [tilespmem:s28+$0xFFFFFF80]  }
0xfb: {  	v55 =	vld [tilespmem:s0+$0x40];
	v3 =	vadd.f32 v9, v3  }
0xfc: {  	v5 =	vmul.f32 $8.000000000e+00, v6;
	v6 =	vld [tilespmem:s28+$0x80]  }
0xfd: {  	[tilespmem:s30+$0x3B0] =	vst v3;
	v3 =	vld [tilespmem:s0+$0xFFFFFEC0]  }
0xfe: {  	[tilespmem:s30+$0x230] =	vst v4;
	v4 =	vld [tilespmem:s28+$0x180]  }
0xff: {  	v9 =	vmul.f32 $8.000000000e+00, v10;
	v10 =	vld [tilespmem:s28+$0x280];
	v7 =	vmul.f32 $8.000000000e+00, v7;
	v5 =	vadd.f32 v11, v5  }
0x100: {  	v11 =	vld [tilespmem:s0+$0xC0]  }
0x101: {  	[tilespmem:s30+$0xFFFFFC80] =	vst v5;
	v5 =	vadd.f32 v53, v7;
	v7 =	vld [tilespmem:s8+$0x0]  }
0x102: {  	v8 =	vmul.f32 $8.000000000e+00, v8;
	v6 =	vmul.f32 $8.000000000e+00, v6;
	v56 =	vld [tilespmem:s28+$0xFFFFFC90];
	v3 =	vadd.f32 v3, v9  }
0x103: {  	[tilespmem:s30+$0xFFFFFE80] =	vst v5;
	v9 =	vld [tilespmem:s0+$0x140]  }
0x104: {  	s13 =	sadd.s32 $0xFFFFFD80, s2;
	v4 =	vmul.f32 $8.000000000e+00, v4;
	v5 =	vadd.f32 v55, v6;
	v6 =	vld [tilespmem:s28+$0xFFFFFE90];
	[tilespmem:s30+$0xFFFFFD80] =	vst v3;
	v3 =	vadd.f32 v54, v8  }
0x105: {  	s29 =	sor.u32 $0x50, s13;
	v8 =	vld [tilespmem:s28+$0xFFFFFD90]  }
0x106: {  	v10 =	vmul.f32 $8.000000000e+00, v10;
	[tilespmem:s30+$0xFFFFFF80] =	vst v3;
	v3 =	vadd.f32 v11, v4;
	v11 =	vld [tilespmem:s29+$0x0]  }
0x107: {  	s6 =	sadd.s32 $0xFFFFFC80, s2;
	[tilespmem:s30+$0x80] =	vst v5;
	v2 =	vadd.f32 v7, v2;
	v4 =	vld [tilespmem:s28+$0xFFFFFF90]  }
0x108: {  	s4 =	sor.u32 $0x50, s6;
	v5 =	vadd.f32 v9, v10;
	v9 =	vld [tilespmem:s28+$0x90]  }
0x109: {  	[tilespmem:s9+$0xB0] =	vst v2;
	v2 =	vld [tilespmem:s4+$0x0]  }
0x10a: {  	s25 =	sadd.s32 $0xFFFFFE80, s2;
	v10 =	vld [tilespmem:s12+$0x0]  }
0x10b: {  	s3 =	sor.u32 $0x50, s25;
	v57 =	vld [tilespmem:s26+$0x0]  }
0x10c: {  	[tilespmem:s30+$0x180] =	vst v3;
	v58 =	vld [tilespmem:s3+$0x0]  }
0x10d: {  	v3 =	vmul.f32 $8.000000000e+00, v56;
	v7 =	vld [tilespmem:s28+$0x190];
	[tilespmem:s30+$0x280] =	vst v5  }
0x10e: {  	s10 =	sadd.s32 $0xFFFFFF80, s2;
	v5 =	vmul.f32 $8.000000000e+00, v8;
	v8 =	vld [tilespmem:s28+$0x290]  }
0x10f: {  	s1 =	sor.u32 $0x50, s10;
	v6 =	vmul.f32 $8.000000000e+00, v6;
	v2 =	vadd.f32 v2, v3;
	v3 =	vld [tilespmem:s5+$0x0]  }
0x110: {  	v4 =	vmul.f32 $8.000000000e+00, v4;
	v5 =	vadd.f32 v10, v5;
	v10 =	vld [tilespmem:s1+$0x0]  }
0x111: {  	[tilespmem:s30+$0xFFFFFC90] =	vst v2;
	v2 =	vadd.f32 v11, v6;
	v6 =	vld [tilespmem:s7+$0x0]  }
0x112: {  	v9 =	vmul.f32 $8.000000000e+00, v9;
	[tilespmem:s30+$0xFFFFFD90] =	vst v5;
	v4 =	vadd.f32 v57, v4;
	v11 =	vld [tilespmem:s28+$0xFFFFFCA0]  }
0x113: {  	v7 =	vmul.f32 $8.000000000e+00, v7;
	v5 =	vld [tilespmem:s28+$0xFFFFFDA0];
	[tilespmem:s30+$0xFFFFFE90] =	vst v2  }
0x114: {  	v8 =	vmul.f32 $8.000000000e+00, v8;
	v2 =	vadd.f32 v58, v9;
	[tilespmem:s30+$0xFFFFFF90] =	vst v4;
	v9 =	vld [tilespmem:s28+$0xFFFFFEA0]  }
0x115: {  	s18 =	sor.u32 $0x60, s13;
	v3 =	vadd.f32 v3, v7;
	v4 =	vld [tilespmem:s28+$0xFFFFFFA0]  }
0x116: {  	[tilespmem:s30+$0x90] =	vst v2;
	v2 =	vadd.f32 v10, v8;
	v10 =	vld [tilespmem:s18+$0x0]  }
0x117: {  	v7 =	vld [tilespmem:s28+$0xA0];
	[tilespmem:s30+$0x190] =	vst v3;
	v1 =	vadd.f32 v6, v1  }
0x118: {  	s24 =	sor.u32 $0x60, s6;
	v6 =	vld [tilespmem:s28+$0x1A0]  }
0x119: {  	[tilespmem:s9+$0x1B0] =	vst v1;
	v1 =	vld [tilespmem:s24+$0x0]  }
0x11a: {  	s20 =	sor.u32 $0x60, s25;
	v8 =	vmul.f32 $8.000000000e+00, v9;
	v9 =	vld [tilespmem:s21+$0x0]  }
0x11b: {  	v59 =	vld [tilespmem:s20+$0x0]  }
0x11c: {  	v3 =	vmul.f32 $8.000000000e+00, v11;
	[tilespmem:s30+$0x290] =	vst v2;
	v11 =	vld [tilespmem:s22+$0x0]  }
0x11d: {  	v2 =	vmul.f32 $8.000000000e+00, v5;
	v5 =	vld [tilespmem:s28+$0x2A0]  }
0x11e: {  	s23 =	sor.u32 $0x60, s10;
	v1 =	vadd.f32 v1, v3;
	v3 =	vld [tilespmem:s19+$0x0]  }
0x11f: {  	v4 =	vmul.f32 $8.000000000e+00, v4;
	v2 =	vadd.f32 v9, v2;
	v9 =	vld [tilespmem:s23+$0x0]  }
0x120: {  	v7 =	vmul.f32 $8.000000000e+00, v7;
	[tilespmem:s30+$0xFFFFFCA0] =	vst v1;
	v1 =	vadd.f32 v10, v8;
	v8 =	vld [tilespmem:s17+$0x0]  }
0x121: {  	v6 =	vmul.f32 $8.000000000e+00, v6;
	v10 =	vld [tilespmem:s28+$0xFFFFFCB0];
	[tilespmem:s30+$0xFFFFFDA0] =	vst v2;
	v2 =	vadd.f32 v11, v4  }
0x122: {  	v11 =	vld [tilespmem:s28+$0xFFFFFDB0];
	[tilespmem:s30+$0xFFFFFEA0] =	vst v1;
	v1 =	vadd.f32 v59, v7  }
0x123: {  	v60 =	vld [tilespmem:s28+$0xFFFFFEB0];
	[tilespmem:s30+$0xFFFFFFA0] =	vst v2;
	v2 =	vadd.f32 v3, v6  }
0x124: {  	v61 =	vld [tilespmem:s28+$0xFFFFFFB0];
	[tilespmem:s30+$0xA0] =	vst v1  }
0x125: {  	s16 =	sadd.s32 $0x10, s16;
	v62 =	vld [tilespmem:s28+$0xB0];
	[tilespmem:s30+$0x1A0] =	vst v2  }
0x126: {  	p1 =	slt.u32 s16, $0x50;
	s6 =	sor.u32 $0x70, s6;
	v5 =	vmul.f32 $8.000000000e+00, v5;
	v63 =	vld [tilespmem:s28+$0x1B0]  }
.Ltmp2:
0x127: {  	s13 =	sor.u32 $0x70, s13;
	s31 =	sor.u32 $0x70, s25;
	v0 =	vmul.f32 $8.000000000e+00, v0;
	v7 =	vld [tilespmem:s6+$0x0];
	(pc) =	sbr.rel @p1 .LBB2_3-.Ltmp2, $4  }
0x128: {  	s8 =	smov.u32 s31;
	s31 =	rddreg [dreg:$0x8];
	v1 =	vadd.f32 v9, v5;
	v9 =	vld [tilespmem:s13+$0x0]  }
0x129: {  	v2 =	vadd.f32 v8, v0;
	v8 =	vld [tilespmem:s31+$0x0];
	v4 =	vmul.f32 $8.000000000e+00, v10;
	v3 =	vmul.f32 $8.000000000e+00, v11  }
0x12a: {  	s25 =	sor.u32 $0x70, s10;
	s7 =	smov.u32 s15;
	[tilespmem:s30+$0x2A0] =	vst v1;
	v10 =	vld [tilespmem:s11+$0x0];
	v6 =	vmul.f32 $8.000000000e+00, v60;
	v5 =	vmul.f32 $8.000000000e+00, v61  }
0x12b: {  	s17 =	smov.u32 s25;
	v0 =	vld [tilespmem:s28+$0x2B0];
	[tilespmem:s9+$0x2B0] =	vst v2;
	s9 =	smov.u32 s30;
	s28 =	sadd.s32 $0x800, s28;
	v2 =	vmul.f32 $8.000000000e+00, v62;
	v1 =	vmul.f32 $8.000000000e+00, v63  }
0x12c: {  	v11 =	vld [tilespmem:s8+$0x0]  }
0x12d: {  	v4 =	vadd.f32 v7, v4;
	v60 =	vld [tilespmem:s7+$0x0]  }
0x12e: {  	v61 =	vld [tilespmem:s17+$0x0];
	v62 =	vadd.f32 v9, v6  }
0x12f: {  	v3 =	vadd.f32 v8, v3;
	[tilespmem:s30+$0xFFFFFCB0] =	vst v4  }
0x130: {  	v63 =	vadd.f32 v10, v5;
	[tilespmem:s30+$0xFFFFFEB0] =	vst v62  }
0x131: {  	[tilespmem:s30+$0xFFFFFDB0] =	vst v3;
	v0 =	vmul.f32 $8.000000000e+00, v0;
	v2 =	vadd.f32 v11, v2  }
0x132: {  	[tilespmem:s30+$0xFFFFFFB0] =	vst v63;
	v1 =	vadd.f32 v60, v1  }
0x133: {  	s0 =	simm.s32 $0x1840;
	v0 =	vadd.f32 v61, v0;
	[tilespmem:s9+$0xB0] =	vst v2  }
0x134: {  	s4 =	rddreg [dreg:$0x1];
	s5 =	simm.s32 $0x0;
	s2 =	simm.s32 $0x196B0;
	[tilespmem:s9+$0x1B0] =	vst v1  }
0x135: {  	s3 =	simm.s32 $0x5E;
	s6 =	simm.s32 $0xC6B0;
	s7 =	simm.s32 $0x1840;
	[tilespmem:s9+$0x2B0] =	vst v0  }
.LBB2_5:
0x136: {  	v0 =	vld [tilespmem:s6+$0xFFFFFF50];
	_ =	sdelay $0x1  }
0x137: {  	v1 =	vld [tilespmem:s0+$0xFFFFFFC0];
	_ =	sdelay $0x2  }
0x138: {  	v0 =	vmul.f32 $8.000000000e+00, v0;
	_ =	sdelay $0x1  }
0x139: {  	v0 =	vadd.f32 v1, v0;
	_ =	sdelay $0x1  }
0x13a: {  	[tilespmem:s2+$0xFFFFFF50] =	vst v0  }
0x13b: {  	v0 =	vld [tilespmem:s6+$0xFFFFFF60];
	_ =	sdelay $0x1  }
0x13c: {  	v57 =	vld [tilespmem:s0+$0xFFFFFFD0];
	_ =	sdelay $0x2  }
0x13d: {  	v0 =	vmul.f32 $8.000000000e+00, v0;
	_ =	sdelay $0x1  }
0x13e: {  	v0 =	vadd.f32 v57, v0;
	_ =	sdelay $0x1  }
0x13f: {  	[tilespmem:s2+$0xFFFFFF60] =	vst v0  }
0x140: {  	v0 =	vld [tilespmem:s6+$0xFFFFFF70];
	_ =	sdelay $0x1  }
0x141: {  	v58 =	vld [tilespmem:s0+$0xFFFFFFE0];
	_ =	sdelay $0x2  }
0x142: {  	v0 =	vmul.f32 $8.000000000e+00, v0;
	_ =	sdelay $0x1  }
0x143: {  	v0 =	vadd.f32 v58, v0;
	_ =	sdelay $0x1  }
0x144: {  	[tilespmem:s2+$0xFFFFFF70] =	vst v0  }
0x145: {  	v0 =	vld [tilespmem:s6+$0xFFFFFF80];
	_ =	sdelay $0x1  }
0x146: {  	v59 =	vld [tilespmem:s0+$0xFFFFFFF0];
	_ =	sdelay $0x2  }
0x147: {  	v0 =	vmul.f32 $8.000000000e+00, v0;
	_ =	sdelay $0x1  }
0x148: {  	v0 =	vadd.f32 v59, v0;
	_ =	sdelay $0x1  }
0x149: {  	[tilespmem:s2+$0xFFFFFF80] =	vst v0  }
0x14a: {  	v0 =	vld [tilespmem:s6+$0xFFFFFFD0];
	_ =	sdelay $0x1  }
0x14b: {  	v60 =	vld [tilespmem:s0+$0x0];
	_ =	sdelay $0x2  }
0x14c: {  	v0 =	vmul.f32 $8.000000000e+00, v0;
	_ =	sdelay $0x1  }
0x14d: {  	v0 =	vadd.f32 v60, v0;
	_ =	sdelay $0x1  }
0x14e: {  	[tilespmem:s2+$0xFFFFFFD0] =	vst v0  }
0x14f: {  	v0 =	vld [tilespmem:s6+$0xFFFFFFE0]  }
0x150: {  	s1 =	sor.u32 $0x50, s7  }
0x151: {  	v61 =	vld [tilespmem:s1+$0x0];
	_ =	sdelay $0x2  }
0x152: {  	v0 =	vmul.f32 $8.000000000e+00, v0;
	_ =	sdelay $0x1  }
0x153: {  	v0 =	vadd.f32 v61, v0;
	_ =	sdelay $0x1  }
0x154: {  	[tilespmem:s2+$0xFFFFFFE0] =	vst v0  }
0x155: {  	v0 =	vld [tilespmem:s6+$0xFFFFFFF0]  }
0x156: {  	s30 =	sor.u32 $0x60, s7  }
0x157: {  	v62 =	vld [tilespmem:s30+$0x0];
	_ =	sdelay $0x2  }
0x158: {  	v0 =	vmul.f32 $8.000000000e+00, v0;
	_ =	sdelay $0x1  }
0x159: {  	v0 =	vadd.f32 v62, v0;
	_ =	sdelay $0x1  }
0x15a: {  	[tilespmem:s2+$0xFFFFFFF0] =	vst v0  }
0x15b: {  	v0 =	vld [tilespmem:s6+$0x0]  }
0x15c: {  	s31 =	sor.u32 $0x70, s7  }
0x15d: {  	v63 =	vld [tilespmem:s31+$0x0]  }
0x15e: {  	s3 =	sadd.s32 $0x2, s3  }
0x15f: {  	p1 =	slt.u32 s3, $0x66  }
.Ltmp3:
0x160: {  	v0 =	vmul.f32 $8.000000000e+00, v0;
	(pc) =	sbr.rel @p1 .LBB2_5-.Ltmp3, $4  }
0x161: {  	_ = 	snop  }
0x162: {  	v0 =	vadd.f32 v63, v0  }
0x163: {  	s7 =	sadd.s32 $0x80, s7  }
0x164: {  	s0 =	sadd.s32 $0x80, s0;
	s6 =	sadd.s32 $0x100, s6;
	[tilespmem:s2+$0x0] =	vst v0;
	s2 =	sadd.s32 $0x100, s2  }
0x165: {  	s0 =	rddreg [dreg:$0xb]  }
0x166: {  	s1 =	rddreg [dreg:$0x12]  }
0x167: {  	s10 =	rddreg [dreg:$0xf]  }
0x168: {  	s12 =	sor.u32 s0, s1;
	s26 =	smul.u32 $0x640, s10  }
0x169: {  	s0 =	smul.u32 $0xC80, s12  }
0x16a: {  	s6 =	rddreg [dreg:$0xa];
	s2 =	simm.s32 $0x16600  }
0x16b: {  	s29 =	simm.s32 $0x60;
	s11 =	sshra.s32 s26, $0x2;
	s0 =	sadd.s32 s6, s0  }
0x16c: {  	[hbm4b:s0+s5] =	stream.linear.scatter [tilespmem:s2], [sflag:$0x5], $0x3400, $0x38;
	[tilespmem:$0x1CE00] =	vst v63  }
0x16d: {  	s30 =	simm.s32 $0x13200;
	s31 =	simm.s32 $0x2;
	s28 =	sadd.s32 $0x3330, s11  }
0x16e: {  	[tilespmem:s30], [sflag:$0x4] =	stream.indirect.gather [hbm4b:s4+s29], $0x80, s28, s29, $0xb8;
	[tilespmem:$0x1CE00] =	vst v63  }
0x16f: {  	_ =	swait.ge [sflag:s31], $0x3000  }
0x170: {  	[sflag:s31] =	ssyncset.done $0x0  }
0x171: {  	s0 =	simm.s32 @!p0 $0x6;
	[sflag:s31] =	ssyncadd.s32 $0xFFFFD000  }
0x172: {  	_ =	swait.ge @!p0 [sflag:s0], $0x3000  }
0x173: {  	[sflag:s0] =	ssyncset.done @!p0 $0x0  }
0x174: {  	s3 =	simm.s32 $0xCE00;
	[sflag:s0] =	ssyncadd.s32 @!p0 $0xFFFFD000  }
0x175: {  	v0 =	vld [tilespmem:s3+$0x300]  }
0x176: {  	s2 =	simm.s32 $0x1DF0;
	v1 =	vld [tilespmem:s3+$0xFFFFFD00]  }
0x177: {  	v2 =	vld [tilespmem:s2+$0xFFFFFF90]  }
0x178: {  	v3 =	vld [tilespmem:s3+$0xFFFFFE00]  }
0x179: {  	v4 =	vld [tilespmem:s3+$0xFFFFFF00]  }
0x17a: {  	v5 =	vld [tilespmem:s3+$0x0]  }
0x17b: {  	v6 =	vld [tilespmem:s3+$0x100]  }
0x17c: {  	v8 =	vld [tilespmem:s2+$0xFFFFFC10];
	v0 =	vmul.f32 $8.000000000e+00, v0  }
0x17d: {  	v9 =	vld [tilespmem:s2+$0xFFFFFC90]  }
0x17e: {  	v12 =	vld [tilespmem:s2+$0xFFFFFD90];
	v0 =	vadd.f32 v2, v0  }
0x17f: {  	s0 =	simm.s32 $0x19E00;
	v2 =	vld [tilespmem:s3+$0xFFFFFC00]  }
0x180: {  	v11 =	vld [tilespmem:s2+$0xFFFFFD10];
	v1 =	vmul.f32 $8.000000000e+00, v1;
	[tilespmem:s0+$0x300] =	vst v0  }
0x181: {  	v4 =	vmul.f32 $8.000000000e+00, v4;
	v0 =	vld [tilespmem:s3+$0x310]  }
0x182: {  	v7 =	vld [tilespmem:s3+$0x200];
	v1 =	vadd.f32 v9, v1  }
0x183: {  	v3 =	vmul.f32 $8.000000000e+00, v3;
	v4 =	vadd.f32 v12, v4;
	v10 =	vld [tilespmem:s2+$0xFFFFFFA0]  }
0x184: {  	v9 =	vld [tilespmem:s2+$0xFFFFFE90];
	[tilespmem:s0+$0xFFFFFD00] =	vst v1;
	v2 =	vmul.f32 $8.000000000e+00, v2  }
0x185: {  	v1 =	vadd.f32 v11, v3;
	v3 =	vmul.f32 $8.000000000e+00, v5;
	[tilespmem:s0+$0xFFFFFF00] =	vst v4;
	v5 =	vld [tilespmem:s3+$0xFFFFFD10]  }
0x186: {  	v11 =	vld [tilespmem:s2+$0xFFFFFDA0];
	v2 =	vadd.f32 v8, v2;
	v0 =	vmul.f32 $8.000000000e+00, v0  }
0x187: {  	v8 =	vld [tilespmem:s2+$0xFFFFFE10]  }
0x188: {  	[tilespmem:s0+$0xFFFFFC00] =	vst v2;
	v2 =	vld [tilespmem:s2+$0xFFFFFF10];
	v0 =	vadd.f32 v10, v0  }
0x189: {  	[tilespmem:s0+$0xFFFFFE00] =	vst v1;
	v10 =	vld [tilespmem:s3+$0xFFFFFC10]  }
0x18a: {  	[tilespmem:s0+$0x310] =	vst v0;
	v0 =	vmul.f32 $8.000000000e+00, v6;
	v6 =	vmul.f32 $8.000000000e+00, v7;
	v7 =	vld [tilespmem:s3+$0xFFFFFE10]  }
0x18b: {  	v1 =	vld [tilespmem:s3+$0x320]  }
0x18c: {  	v3 =	vadd.f32 v8, v3;
	v8 =	vld [tilespmem:s2+$0xFFFFFC20]  }
0x18d: {  	v4 =	vld [tilespmem:s2+$0xFFFFFFB0]  }
0x18e: {  	v0 =	vadd.f32 v9, v0;
	[tilespmem:s0+$0x0] =	vst v3;
	v3 =	vld [tilespmem:s3+$0xFFFFFF10]  }
0x18f: {  	v2 =	vadd.f32 v2, v6;
	v9 =	vld [tilespmem:s2+$0xFFFFFD20]  }
0x190: {  	[tilespmem:s0+$0x100] =	vst v0;
	v0 =	vld [tilespmem:s3+$0x10];
	v1 =	vmul.f32 $8.000000000e+00, v1  }
0x191: {  	v10 =	vmul.f32 $8.000000000e+00, v10;
	[tilespmem:s0+$0x200] =	vst v2;
	v2 =	vld [tilespmem:s3+$0x110]  }
0x192: {  	v6 =	vld [tilespmem:s3+$0x210];
	v1 =	vadd.f32 v4, v1  }
0x193: {  	v7 =	vmul.f32 $8.000000000e+00, v7;
	v8 =	vadd.f32 v8, v10;
	v10 =	vld [tilespmem:s2+$0xFFFFFE20]  }
0x194: {  	v4 =	vld [tilespmem:s2+$0xFFFFFCA0];
	[tilespmem:s0+$0x320] =	vst v1  }
0x195: {  	v7 =	vadd.f32 v9, v7;
	v1 =	vld [tilespmem:s3+$0x330]  }
0x196: {  	v3 =	vmul.f32 $8.000000000e+00, v3;
	[tilespmem:s0+$0xFFFFFC10] =	vst v8;
	v8 =	vld [tilespmem:s2+$0xFFFFFF20]  }
0x197: {  	v5 =	vmul.f32 $8.000000000e+00, v5;
	v0 =	vmul.f32 $8.000000000e+00, v0;
	[tilespmem:s0+$0xFFFFFE10] =	vst v7;
	v57 =	vld [tilespmem:s2+$0xFFFFFFC0]  }
0x198: {  	v3 =	vadd.f32 v11, v3;
	v9 =	vld [tilespmem:s3+$0xFFFFFE20]  }
0x199: {  	v0 =	vadd.f32 v10, v0;
	v4 =	vadd.f32 v4, v5;
	v5 =	vld [tilespmem:s2+$0xFFFFFEA0]  }
0x19a: {  	v11 =	vld [tilespmem:s2+$0xFFFFFD30];
	[tilespmem:s0+$0xFFFFFF10] =	vst v3;
	v1 =	vmul.f32 $8.000000000e+00, v1  }
0x19b: {  	v3 =	vmul.f32 $8.000000000e+00, v6;
	v6 =	vld [tilespmem:s3+$0xFFFFFF20];
	[tilespmem:s0+$0x10] =	vst v0  }
0x19c: {  	v2 =	vmul.f32 $8.000000000e+00, v2;
	[tilespmem:s0+$0xFFFFFD10] =	vst v4;
	v4 =	vld [tilespmem:s3+$0xFFFFFC20];
	v1 =	vadd.f32 v57, v1  }
0x19d: {  	v58 =	vld [tilespmem:s2+$0xFFFFFE30]  }
0x19e: {  	[tilespmem:s0+$0x330] =	vst v1;
	v1 =	vadd.f32 v5, v2;
	v2 =	vadd.f32 v8, v3;
	v8 =	vld [tilespmem:s2+$0xFFFFFC30]  }
0x19f: {  	v7 =	vld [tilespmem:s3+$0xFFFFFD20]  }
0x1a0: {  	v0 =	vld [tilespmem:s3+$0x380];
	[tilespmem:s0+$0x110] =	vst v1  }
0x1a1: {  	v4 =	vmul.f32 $8.000000000e+00, v4;
	[tilespmem:s0+$0x210] =	vst v2;
	v2 =	vld [tilespmem:s3+$0x120]  }
0x1a2: {  	v1 =	vld [tilespmem:s2+$0xFFFFFFD0]  }
0x1a3: {  	v4 =	vadd.f32 v8, v4;
	v8 =	vld [tilespmem:s2+$0xFFFFFEB0]  }
0x1a4: {  	v9 =	vmul.f32 $8.000000000e+00, v9;
	v3 =	vld [tilespmem:s3+$0x20]  }
0x1a5: {  	v10 =	vld [tilespmem:s2+$0xFFFFFCB0];
	v0 =	vmul.f32 $8.000000000e+00, v0  }
0x1a6: {  	v5 =	vld [tilespmem:s3+$0x220];
	[tilespmem:s0+$0xFFFFFC20] =	vst v4;
	v4 =	vadd.f32 v11, v9;
	v2 =	vmul.f32 $8.000000000e+00, v2  }
0x1a7: {  	v0 =	vadd.f32 v1, v0;
	v1 =	vld [tilespmem:s2+$0xFFFFFDB0]  }
0x1a8: {  	[tilespmem:s0+$0xFFFFFE20] =	vst v4;
	v2 =	vadd.f32 v8, v2;
	v8 =	vld [tilespmem:s2+$0xFFFFFC40]  }
0x1a9: {  	v3 =	vmul.f32 $8.000000000e+00, v3;
	[tilespmem:s0+$0x380] =	vst v0;
	v11 =	vld [tilespmem:s2+$0xFFFFFD40]  }
0x1aa: {  	v0 =	vmul.f32 $8.000000000e+00, v7;
	v7 =	vld [tilespmem:s3+$0x390]  }
0x1ab: {  	v3 =	vadd.f32 v58, v3;
	v9 =	vld [tilespmem:s2+$0xFFFFFFE0]  }
0x1ac: {  	v6 =	vmul.f32 $8.000000000e+00, v6;
	v0 =	vadd.f32 v10, v0;
	v10 =	vld [tilespmem:s2+$0xFFFFFF30];
	[tilespmem:s0+$0x120] =	vst v2  }
0x1ad: {  	[tilespmem:s0+$0x20] =	vst v3;
	v2 =	vld [tilespmem:s3+$0x130]  }
0x1ae: {  	[tilespmem:s0+$0xFFFFFD20] =	vst v0;
	v0 =	vadd.f32 v1, v6;
	v1 =	vld [tilespmem:s3+$0xFFFFFC30]  }
0x1af: {  	v6 =	vld [tilespmem:s3+$0x30]  }
0x1b0: {  	v4 =	vld [tilespmem:s3+$0xFFFFFD30]  }
0x1b1: {  	v5 =	vmul.f32 $8.000000000e+00, v5;
	[tilespmem:s0+$0xFFFFFF20] =	vst v0;
	v0 =	vld [tilespmem:s3+$0xFFFFFE30]  }
0x1b2: {  	v3 =	vld [tilespmem:s3+$0xFFFFFF30]  }
0x1b3: {  	v7 =	vmul.f32 $8.000000000e+00, v7;
	v5 =	vadd.f32 v10, v5;
	v10 =	vld [tilespmem:s2+$0xFFFFFCC0]  }
0x1b4: {  	v59 =	vld [tilespmem:s2+$0xFFFFFDC0]  }
0x1b5: {  	v7 =	vadd.f32 v9, v7;
	v9 =	vld [tilespmem:s2+$0xFFFFFE40];
	[tilespmem:s0+$0x220] =	vst v5  }
0x1b6: {  	v1 =	vmul.f32 $8.000000000e+00, v1;
	v5 =	vld [tilespmem:s3+$0x230]  }
0x1b7: {  	v4 =	vmul.f32 $8.000000000e+00, v4;
	[tilespmem:s0+$0x390] =	vst v7;
	v7 =	vld [tilespmem:s2+$0xFFFFFF40]  }
0x1b8: {  	v0 =	vmul.f32 $8.000000000e+00, v0;
	v1 =	vadd.f32 v8, v1;
	v8 =	vld [tilespmem:s2+$0xFFFFFEC0]  }
0x1b9: {  	v13 =	vld [tilespmem:s2+$0xFFFFFFF0];
	v3 =	vmul.f32 $8.000000000e+00, v3;
	v4 =	vadd.f32 v10, v4  }
0x1ba: {  	v10 =	vld [tilespmem:s3+$0x3A0];
	[tilespmem:s0+$0xFFFFFC30] =	vst v1;
	v0 =	vadd.f32 v11, v0  }
0x1bb: {  	v1 =	vmul.f32 $8.000000000e+00, v2;
	v2 =	vld [tilespmem:s3+$0xFFFFFC80];
	[tilespmem:s0+$0xFFFFFD30] =	vst v4;
	v3 =	vadd.f32 v59, v3  }
0x1bc: {  	v6 =	vmul.f32 $8.000000000e+00, v6;
	v4 =	vmul.f32 $8.000000000e+00, v5;
	[tilespmem:s0+$0xFFFFFE30] =	vst v0;
	v5 =	vld [tilespmem:s3+$0xFFFFFD80]  }
0x1bd: {  	[tilespmem:s0+$0xFFFFFF30] =	vst v3;
	v3 =	vld [tilespmem:s3+$0xFFFFFE80]  }
0x1be: {  	v0 =	vadd.f32 v9, v6;
	v1 =	vadd.f32 v8, v1;
	v8 =	vld [tilespmem:s2+$0xFFFFFCD0]  }
0x1bf: {  	v9 =	vld [tilespmem:s2+$0xFFFFFD50]  }
0x1c0: {  	[tilespmem:s0+$0x30] =	vst v0;
	v0 =	vadd.f32 v7, v4;
	v4 =	vld [tilespmem:s3+$0xFFFFFF80]  }
0x1c1: {  	v7 =	vld [tilespmem:s2+$0xFFFFFC50]  }
0x1c2: {  	v11 =	vld [tilespmem:s2+$0xFFFFFDD0]  }
0x1c3: {  	[tilespmem:s0+$0x130] =	vst v1;
	v1 =	vld [tilespmem:s3+$0x80]  }
0x1c4: {  	v60 =	vld [tilespmem:s2+$0xFFFFFE50];
	[tilespmem:s0+$0x230] =	vst v0;
	v2 =	vmul.f32 $8.000000000e+00, v2  }
0x1c5: {  	v6 =	vld [tilespmem:s3+$0x280];
	v5 =	vmul.f32 $8.000000000e+00, v5  }
0x1c6: {  	v0 =	vld [tilespmem:s3+$0x180];
	v3 =	vmul.f32 $8.000000000e+00, v3;
	v2 =	vadd.f32 v7, v2  }
0x1c7: {  	v7 =	vld [tilespmem:s2+$0xFFFFFED0];
	v4 =	vmul.f32 $8.000000000e+00, v4;
	v5 =	vadd.f32 v8, v5  }
0x1c8: {  	v8 =	vld [tilespmem:s2+$0xFFFFFF50];
	[tilespmem:s0+$0xFFFFFC80] =	vst v2;
	v2 =	vadd.f32 v9, v3  }
0x1c9: {  	[tilespmem:s0+$0xFFFFFD80] =	vst v5;
	v4 =	vadd.f32 v11, v4;
	v3 =	vld [tilespmem:s3+$0xFFFFFC90]  }
0x1ca: {  	v1 =	vmul.f32 $8.000000000e+00, v1;
	v5 =	vmul.f32 $8.000000000e+00, v6;
	v6 =	vld [tilespmem:s3+$0xFFFFFD90];
	[tilespmem:s0+$0xFFFFFE80] =	vst v2  }
0x1cb: {  	v0 =	vmul.f32 $8.000000000e+00, v0;
	[tilespmem:s0+$0xFFFFFF80] =	vst v4;
	v2 =	vld [tilespmem:s3+$0xFFFFFE90]  }
0x1cc: {  	v1 =	vadd.f32 v60, v1;
	v4 =	vld [tilespmem:s3+$0xFFFFFF90]  }
0x1cd: {  	v0 =	vadd.f32 v7, v0;
	v7 =	vld [tilespmem:s2+$0xFFFFFC60]  }
0x1ce: {  	v9 =	vmul.f32 $8.000000000e+00, v10;
	[tilespmem:s0+$0x80] =	vst v1;
	v1 =	vadd.f32 v8, v5;
	v8 =	vld [tilespmem:s2+$0xFFFFFCE0]  }
0x1cf: {  	v10 =	vld [tilespmem:s2+$0xFFFFFD60]  }
0x1d0: {  	v9 =	vadd.f32 v13, v9;
	v11 =	vld [tilespmem:s2+$0xFFFFFDE0]  }
0x1d1: {  	v5 =	vld [tilespmem:s3+$0x90]  }
0x1d2: {  	v61 =	vld [tilespmem:s2+$0xFFFFFE60];
	[tilespmem:s0+$0x3A0] =	vst v9  }
0x1d3: {  	[tilespmem:s0+$0x180] =	vst v0;
	v9 =	vld [tilespmem:s3+$0x3B0];
	v3 =	vmul.f32 $8.000000000e+00, v3  }
0x1d4: {  	[tilespmem:s0+$0x280] =	vst v1;
	v0 =	vld [tilespmem:s3+$0x190];
	v6 =	vmul.f32 $8.000000000e+00, v6  }
0x1d5: {  	v1 =	vld [tilespmem:s3+$0x290];
	v2 =	vmul.f32 $8.000000000e+00, v2;
	v3 =	vadd.f32 v7, v3  }
0x1d6: {  	v7 =	vld [tilespmem:s2+$0xFFFFFEE0];
	v4 =	vmul.f32 $8.000000000e+00, v4;
	v6 =	vadd.f32 v8, v6  }
0x1d7: {  	v8 =	vld [tilespmem:s2+$0xFFFFFF60];
	[tilespmem:s0+$0xFFFFFC90] =	vst v3;
	v2 =	vadd.f32 v10, v2  }
0x1d8: {  	v5 =	vmul.f32 $8.000000000e+00, v5;
	[tilespmem:s0+$0xFFFFFD90] =	vst v6;
	v4 =	vadd.f32 v11, v4;
	v3 =	vld [tilespmem:s3+$0xFFFFFCA0]  }
0x1d9: {  	v6 =	vld [tilespmem:s3+$0xFFFFFDA0];
	[tilespmem:s0+$0xFFFFFE90] =	vst v2  }
0x1da: {  	v0 =	vmul.f32 $8.000000000e+00, v0;
	v2 =	vadd.f32 v61, v5;
	[tilespmem:s0+$0xFFFFFF90] =	vst v4;
	v5 =	vld [tilespmem:s3+$0xFFFFFEA0]  }
0x1db: {  	v1 =	vmul.f32 $8.000000000e+00, v1;
	v4 =	vld [tilespmem:s3+$0xFFFFFFA0]  }
0x1dc: {  	v0 =	vadd.f32 v7, v0;
	v7 =	vld [tilespmem:s2+$0xFFFFFC70]  }
0x1dd: {  	v1 =	vadd.f32 v8, v1;
	v8 =	vld [tilespmem:s2+$0xFFFFFCF0]  }
0x1de: {  	v10 =	vld [tilespmem:s2+$0xFFFFFD70]  }
0x1df: {  	v11 =	vld [tilespmem:s2+$0xFFFFFDF0];
	[tilespmem:s0+$0x90] =	vst v2  }
0x1e0: {  	v2 =	vld [tilespmem:s3+$0xA0]  }
0x1e1: {  	[tilespmem:s0+$0x190] =	vst v0;
	v62 =	vld [tilespmem:s2+$0xFFFFFE70]  }
0x1e2: {  	[tilespmem:s0+$0x290] =	vst v1;
	v0 =	vld [tilespmem:s3+$0x1A0];
	v3 =	vmul.f32 $8.000000000e+00, v3  }
0x1e3: {  	v1 =	vld [tilespmem:s3+$0x2A0];
	v6 =	vmul.f32 $8.000000000e+00, v6  }
0x1e4: {  	v5 =	vmul.f32 $8.000000000e+00, v5;
	v3 =	vadd.f32 v7, v3;
	v7 =	vld [tilespmem:s2+$0xFFFFFEF0]  }
0x1e5: {  	v4 =	vmul.f32 $8.000000000e+00, v4;
	v6 =	vadd.f32 v8, v6;
	v8 =	vld [tilespmem:s2+$0xFFFFFF70]  }
0x1e6: {  	v63 =	vld [tilespmem:s2+$0x0];
	v2 =	vmul.f32 $8.000000000e+00, v2;
	[tilespmem:s0+$0xFFFFFCA0] =	vst v3;
	v3 =	vadd.f32 v10, v5  }
0x1e7: {  	[tilespmem:s0+$0xFFFFFDA0] =	vst v6;
	v4 =	vadd.f32 v11, v4;
	v0 =	vmul.f32 $8.000000000e+00, v0;
	v5 =	vld [tilespmem:s3+$0xFFFFFCB0]  }
0x1e8: {  	v1 =	vmul.f32 $8.000000000e+00, v1;
	v6 =	vld [tilespmem:s3+$0xFFFFFDB0];
	[tilespmem:s0+$0xFFFFFEA0] =	vst v3;
	v2 =	vadd.f32 v62, v2  }
0x1e9: {  	[tilespmem:s0+$0xFFFFFFA0] =	vst v4;
	v10 =	vld [tilespmem:s3+$0xFFFFFEB0];
	v0 =	vadd.f32 v7, v0  }
0x1ea: {  	v4 =	vld [tilespmem:s3+$0xFFFFFFB0];
	v1 =	vadd.f32 v8, v1;
	[tilespmem:s0+$0xA0] =	vst v2  }
0x1eb: {  	v2 =	vld [tilespmem:s3+$0xB0];
	[tilespmem:s0+$0x1A0] =	vst v0  }
0x1ec: {  	[tilespmem:s0+$0x2A0] =	vst v1;
	v11 =	vld [tilespmem:s3+$0x1B0]  }
0x1ed: {  	v1 =	vmul.f32 $8.000000000e+00, v9;
	v0 =	vld [tilespmem:s3+$0x2B0]  }
0x1ee: {  	v7 =	vld [tilespmem:s2+$0xFFFFFC80]  }
0x1ef: {  	v8 =	vld [tilespmem:s2+$0xFFFFFD00];
	v5 =	vmul.f32 $8.000000000e+00, v5;
	v3 =	vmul.f32 $8.000000000e+00, v6;
	v1 =	vadd.f32 v63, v1  }
0x1f0: {  	s7 =	simm.s32 $0x0;
	v9 =	vld [tilespmem:s2+$0xFFFFFD80];
	v6 =	vmul.f32 $8.000000000e+00, v10;
	v4 =	vmul.f32 $8.000000000e+00, v4  }
0x1f1: {  	s9 =	simm.s32 $0xD600;
	s8 =	simm.s32 $0x1DF0;
	s3 =	simm.s32 $0x19E00;
	v10 =	vld [tilespmem:s2+$0xFFFFFE00];
	[tilespmem:s0+$0x3B0] =	vst v1;
	v2 =	vmul.f32 $8.000000000e+00, v2;
	v1 =	vmul.f32 $8.000000000e+00, v11  }
.LBB2_7:
0x1f2: {  	v11 =	vld [tilespmem:s9+$0x300];
	s7 =	sadd.s32 $0x10, s7;
	v0 =	vmul.f32 $8.000000000e+00, v0  }
0x1f3: {  	s2 =	sadd.s32 $0x400, s2;
	v12 =	vld [tilespmem:s9+$0xFFFFFD00];
	p0 =	slt.u32 s7, $0x50;
	v5 =	vadd.f32 v7, v5  }
0x1f4: {  	v7 =	vld [tilespmem:s2+$0xFFFFFF90];
	v3 =	vadd.f32 v8, v3  }
0x1f5: {  	v8 =	vld [tilespmem:s9+$0xFFFFFE00];
	[tilespmem:s0+$0xFFFFFCB0] =	vst v5;
	v5 =	vadd.f32 v9, v6  }
0x1f6: {  	v6 =	vld [tilespmem:s9+$0xFFFFFF00];
	[tilespmem:s0+$0xFFFFFDB0] =	vst v3;
	v3 =	vadd.f32 v10, v4  }
0x1f7: {  	v4 =	vld [tilespmem:s9+$0x0];
	v9 =	vmul.f32 $8.000000000e+00, v11;
	[tilespmem:s0+$0xFFFFFEB0] =	vst v5  }
0x1f8: {  	v5 =	vmul.f32 $8.000000000e+00, v12;
	v10 =	vld [tilespmem:s9+$0x100];
	[tilespmem:s0+$0xFFFFFFB0] =	vst v3  }
0x1f9: {  	v3 =	vld [tilespmem:s9+$0x200];
	v7 =	vadd.f32 v7, v9  }
0x1fa: {  	s0 =	sadd.s32 $0x800, s0;
	v9 =	vld [tilespmem:s9+$0xFFFFFC00];
	v8 =	vmul.f32 $8.000000000e+00, v8  }
0x1fb: {  	v11 =	vld [tilespmem:s2+$0xFFFFFC10];
	v6 =	vmul.f32 $8.000000000e+00, v6;
	[tilespmem:s0+$0x300] =	vst v7  }
0x1fc: {  	v4 =	vmul.f32 $8.000000000e+00, v4;
	v7 =	vld [tilespmem:s9+$0x310]  }
0x1fd: {  	v12 =	vld [tilespmem:s2+$0xFFFFFC90];
	v10 =	vmul.f32 $8.000000000e+00, v10  }
0x1fe: {  	v3 =	vmul.f32 $8.000000000e+00, v3;
	v13 =	vld [tilespmem:s2+$0xFFFFFFA0]  }
0x1ff: {  	v9 =	vmul.f32 $8.000000000e+00, v9;
	v14 =	vld [tilespmem:s2+$0xFFFFFD10]  }
0x200: {  	v15 =	vld [tilespmem:s2+$0xFFFFFD90]  }
0x201: {  	v9 =	vadd.f32 v11, v9;
	v11 =	vld [tilespmem:s2+$0xFFFFFE10];
	v7 =	vmul.f32 $8.000000000e+00, v7  }
0x202: {  	v5 =	vadd.f32 v12, v5;
	v12 =	vld [tilespmem:s2+$0xFFFFFE90]  }
0x203: {  	[tilespmem:s0+$0xFFFFFC00] =	vst v9;
	v9 =	vld [tilespmem:s2+$0xFFFFFF10];
	v7 =	vadd.f32 v13, v7  }
0x204: {  	v13 =	vld [tilespmem:s9+$0xFFFFFC10];
	[tilespmem:s0+$0xFFFFFD00] =	vst v5;
	v5 =	vadd.f32 v14, v8  }
0x205: {  	v8 =	vld [tilespmem:s9+$0xFFFFFD10];
	v6 =	vadd.f32 v15, v6;
	[tilespmem:s0+$0x310] =	vst v7  }
0x206: {  	[tilespmem:s0+$0xFFFFFE00] =	vst v5;
	v4 =	vadd.f32 v11, v4;
	v5 =	vld [tilespmem:s9+$0x320]  }
0x207: {  	v7 =	vld [tilespmem:s9+$0xFFFFFE10];
	[tilespmem:s0+$0xFFFFFF00] =	vst v6;
	v6 =	vadd.f32 v12, v10  }
0x208: {  	[tilespmem:s0+$0x0] =	vst v4;
	v3 =	vadd.f32 v9, v3;
	v4 =	vld [tilespmem:s2+$0xFFFFFFB0]  }
0x209: {  	v9 =	vmul.f32 $8.000000000e+00, v13;
	v10 =	vld [tilespmem:s9+$0xFFFFFF10];
	[tilespmem:s0+$0x100] =	vst v6  }
0x20a: {  	v6 =	vmul.f32 $8.000000000e+00, v8;
	v8 =	vld [tilespmem:s9+$0x10];
	[tilespmem:s0+$0x200] =	vst v3  }
0x20b: {  	v3 =	vld [tilespmem:s9+$0x110];
	v5 =	vmul.f32 $8.000000000e+00, v5  }
0x20c: {  	v7 =	vmul.f32 $8.000000000e+00, v7;
	v11 =	vld [tilespmem:s9+$0x210]  }
0x20d: {  	v12 =	vld [tilespmem:s2+$0xFFFFFC20];
	v4 =	vadd.f32 v4, v5  }
0x20e: {  	v5 =	vld [tilespmem:s2+$0xFFFFFCA0];
	v10 =	vmul.f32 $8.000000000e+00, v10  }
0x20f: {  	v13 =	vld [tilespmem:s2+$0xFFFFFD20];
	v8 =	vmul.f32 $8.000000000e+00, v8;
	[tilespmem:s0+$0x320] =	vst v4  }
0x210: {  	v3 =	vmul.f32 $8.000000000e+00, v3;
	v4 =	vld [tilespmem:s9+$0x330]  }
0x211: {  	v14 =	vld [tilespmem:s2+$0xFFFFFDA0];
	v11 =	vmul.f32 $8.000000000e+00, v11  }
0x212: {  	v9 =	vadd.f32 v12, v9;
	v12 =	vld [tilespmem:s2+$0xFFFFFFC0]  }
0x213: {  	v5 =	vadd.f32 v5, v6;
	v6 =	vld [tilespmem:s2+$0xFFFFFE20]  }
0x214: {  	[tilespmem:s0+$0xFFFFFC10] =	vst v9;
	v7 =	vadd.f32 v13, v7;
	v9 =	vld [tilespmem:s2+$0xFFFFFEA0]  }
0x215: {  	[tilespmem:s0+$0xFFFFFD10] =	vst v5;
	v5 =	vld [tilespmem:s2+$0xFFFFFF20];
	v4 =	vmul.f32 $8.000000000e+00, v4  }
0x216: {  	v13 =	vld [tilespmem:s9+$0xFFFFFC20];
	[tilespmem:s0+$0xFFFFFE10] =	vst v7;
	v7 =	vadd.f32 v14, v10  }
0x217: {  	v10 =	vld [tilespmem:s9+$0xFFFFFD20];
	v4 =	vadd.f32 v12, v4  }
0x218: {  	v12 =	vld [tilespmem:s9+$0xFFFFFE20];
	[tilespmem:s0+$0xFFFFFF10] =	vst v7;
	v6 =	vadd.f32 v6, v8  }
0x219: {  	v7 =	vld [tilespmem:s9+$0xFFFFFF20];
	v3 =	vadd.f32 v9, v3;
	[tilespmem:s0+$0x330] =	vst v4  }
0x21a: {  	[tilespmem:s0+$0x10] =	vst v6;
	v4 =	vadd.f32 v5, v11;
	v5 =	vld [tilespmem:s9+$0x380]  }
0x21b: {  	v6 =	vmul.f32 $8.000000000e+00, v13;
	v8 =	vld [tilespmem:s9+$0x20];
	[tilespmem:s0+$0x110] =	vst v3  }
0x21c: {  	v3 =	vmul.f32 $8.000000000e+00, v10;
	[tilespmem:s0+$0x210] =	vst v4;
	v4 =	vld [tilespmem:s2+$0xFFFFFFD0]  }
0x21d: {  	v9 =	vmul.f32 $8.000000000e+00, v12;
	v10 =	vld [tilespmem:s9+$0x120]  }
0x21e: {  	v7 =	vmul.f32 $8.000000000e+00, v7;
	v11 =	vld [tilespmem:s9+$0x220]  }
0x21f: {  	v12 =	vld [tilespmem:s2+$0xFFFFFC30];
	v5 =	vmul.f32 $8.000000000e+00, v5  }
0x220: {  	v13 =	vld [tilespmem:s2+$0xFFFFFCB0];
	v8 =	vmul.f32 $8.000000000e+00, v8  }
0x221: {  	v14 =	vld [tilespmem:s2+$0xFFFFFD30];
	v4 =	vadd.f32 v4, v5  }
0x222: {  	v5 =	vld [tilespmem:s2+$0xFFFFFDB0];
	v10 =	vmul.f32 $8.000000000e+00, v10  }
0x223: {  	v15 =	vld [tilespmem:s2+$0xFFFFFE30];
	v11 =	vmul.f32 $8.000000000e+00, v11;
	[tilespmem:s0+$0x380] =	vst v4  }
0x224: {  	v4 =	vadd.f32 v12, v6;
	v6 =	vld [tilespmem:s9+$0x390]  }
0x225: {  	v3 =	vadd.f32 v13, v3;
	v12 =	vld [tilespmem:s2+$0xFFFFFEB0]  }
0x226: {  	[tilespmem:s0+$0xFFFFFC20] =	vst v4;
	v4 =	vadd.f32 v14, v9;
	v9 =	vld [tilespmem:s2+$0xFFFFFFE0]  }
0x227: {  	[tilespmem:s0+$0xFFFFFD20] =	vst v3;
	v3 =	vadd.f32 v5, v7;
	v5 =	vld [tilespmem:s2+$0xFFFFFF30]  }
0x228: {  	v7 =	vld [tilespmem:s9+$0xFFFFFC30];
	[tilespmem:s0+$0xFFFFFE20] =	vst v4;
	v4 =	vadd.f32 v15, v8  }
0x229: {  	v8 =	vld [tilespmem:s9+$0xFFFFFD30];
	[tilespmem:s0+$0xFFFFFF20] =	vst v3;
	v3 =	vmul.f32 $8.000000000e+00, v6  }
0x22a: {  	v6 =	vld [tilespmem:s9+$0xFFFFFE30];
	[tilespmem:s0+$0x20] =	vst v4;
	v4 =	vadd.f32 v12, v10  }
0x22b: {  	v10 =	vld [tilespmem:s9+$0xFFFFFF30];
	v3 =	vadd.f32 v9, v3  }
0x22c: {  	v9 =	vld [tilespmem:s9+$0x30];
	[tilespmem:s0+$0x120] =	vst v4;
	v4 =	vadd.f32 v5, v11  }
0x22d: {  	v5 =	vmul.f32 $8.000000000e+00, v7;
	v7 =	vld [tilespmem:s9+$0x130];
	[tilespmem:s0+$0x390] =	vst v3  }
0x22e: {  	v3 =	vmul.f32 $8.000000000e+00, v8;
	[tilespmem:s0+$0x220] =	vst v4;
	v4 =	vld [tilespmem:s9+$0x3A0]  }
0x22f: {  	v6 =	vmul.f32 $8.000000000e+00, v6;
	v8 =	vld [tilespmem:s9+$0x230]  }
0x230: {  	v10 =	vmul.f32 $8.000000000e+00, v10;
	v11 =	vld [tilespmem:s2+$0xFFFFFFF0]  }
0x231: {  	v12 =	vld [tilespmem:s2+$0xFFFFFC40];
	v9 =	vmul.f32 $8.000000000e+00, v9  }
0x232: {  	v13 =	vld [tilespmem:s2+$0xFFFFFCC0];
	v7 =	vmul.f32 $8.000000000e+00, v7  }
0x233: {  	v14 =	vld [tilespmem:s2+$0xFFFFFD40];
	v4 =	vmul.f32 $8.000000000e+00, v4  }
0x234: {  	v15 =	vld [tilespmem:s2+$0xFFFFFDC0];
	v8 =	vmul.f32 $8.000000000e+00, v8  }
0x235: {  	v16 =	vld [tilespmem:s2+$0xFFFFFE40];
	v4 =	vadd.f32 v11, v4  }
0x236: {  	v5 =	vadd.f32 v12, v5;
	v11 =	vld [tilespmem:s2+$0xFFFFFEC0]  }
0x237: {  	v3 =	vadd.f32 v13, v3;
	v12 =	vld [tilespmem:s2+$0xFFFFFF40];
	[tilespmem:s0+$0x3A0] =	vst v4  }
0x238: {  	[tilespmem:s0+$0xFFFFFC30] =	vst v5;
	v4 =	vadd.f32 v14, v6;
	v5 =	vld [tilespmem:s9+$0x3B0]  }
0x239: {  	v6 =	vld [tilespmem:s9+$0xFFFFFC80];
	[tilespmem:s0+$0xFFFFFD30] =	vst v3;
	v3 =	vadd.f32 v15, v10  }
0x23a: {  	[tilespmem:s0+$0xFFFFFE30] =	vst v4;
	v4 =	vadd.f32 v16, v9;
	v9 =	vld [tilespmem:s2+$0x0]  }
0x23b: {  	v10 =	vld [tilespmem:s9+$0xFFFFFD80];
	[tilespmem:s0+$0xFFFFFF30] =	vst v3;
	v3 =	vadd.f32 v11, v7  }
0x23c: {  	v7 =	vld [tilespmem:s9+$0xFFFFFE80];
	[tilespmem:s0+$0x30] =	vst v4;
	v4 =	vadd.f32 v12, v8  }
0x23d: {  	v8 =	vld [tilespmem:s9+$0xFFFFFF80];
	[tilespmem:s0+$0x130] =	vst v3;
	v3 =	vmul.f32 $8.000000000e+00, v5  }
0x23e: {  	v5 =	vmul.f32 $8.000000000e+00, v6;
	v6 =	vld [tilespmem:s9+$0x80];
	[tilespmem:s0+$0x230] =	vst v4  }
0x23f: {  	v4 =	vld [tilespmem:s9+$0x180];
	v3 =	vadd.f32 v9, v3  }
0x240: {  	v9 =	vmul.f32 $8.000000000e+00, v10;
	v10 =	vld [tilespmem:s9+$0x280]  }
0x241: {  	v11 =	vld [tilespmem:s2+$0xFFFFFC50];
	v7 =	vmul.f32 $8.000000000e+00, v7;
	[tilespmem:s0+$0x3B0] =	vst v3  }
0x242: {  	v3 =	vld [tilespmem:s2+$0xFFFFFCD0];
	v8 =	vmul.f32 $8.000000000e+00, v8  }
0x243: {  	v12 =	vld [tilespmem:s2+$0xFFFFFD50];
	v6 =	vmul.f32 $8.000000000e+00, v6  }
0x244: {  	v13 =	vld [tilespmem:s2+$0xFFFFFDD0];
	v4 =	vmul.f32 $8.000000000e+00, v4  }
0x245: {  	v14 =	vld [tilespmem:s2+$0xFFFFFE50];
	v10 =	vmul.f32 $8.000000000e+00, v10  }
0x246: {  	v5 =	vadd.f32 v11, v5;
	v11 =	vld [tilespmem:s2+$0xFFFFFED0]  }
0x247: {  	v3 =	vadd.f32 v3, v9;
	v9 =	vld [tilespmem:s2+$0xFFFFFF50]  }
0x248: {  	[tilespmem:s0+$0xFFFFFC80] =	vst v5;
	v5 =	vadd.f32 v12, v7;
	v7 =	vld [tilespmem:s8+$0xFFFFFE80]  }
0x249: {  	v12 =	vld [tilespmem:s9+$0xFFFFFC90];
	[tilespmem:s0+$0xFFFFFD80] =	vst v3;
	v3 =	vadd.f32 v13, v8  }
0x24a: {  	v8 =	vld [tilespmem:s9+$0xFFFFFD90];
	[tilespmem:s0+$0xFFFFFE80] =	vst v5;
	v5 =	vadd.f32 v14, v6  }
0x24b: {  	v6 =	vld [tilespmem:s9+$0xFFFFFE90];
	[tilespmem:s0+$0xFFFFFF80] =	vst v3;
	v3 =	vadd.f32 v11, v4  }
0x24c: {  	v4 =	vld [tilespmem:s9+$0xFFFFFF90];
	[tilespmem:s0+$0x80] =	vst v5;
	v5 =	vadd.f32 v9, v10  }
0x24d: {  	v9 =	vld [tilespmem:s9+$0x90];
	[tilespmem:s0+$0x180] =	vst v3;
	v2 =	vadd.f32 v7, v2  }
0x24e: {  	v3 =	vmul.f32 $8.000000000e+00, v12;
	v7 =	vld [tilespmem:s9+$0x190];
	[tilespmem:s0+$0x280] =	vst v5  }
0x24f: {  	v5 =	vmul.f32 $8.000000000e+00, v8;
	v8 =	vld [tilespmem:s9+$0x290];
	[tilespmem:s3+$0xB0] =	vst v2  }
0x250: {  	v2 =	vld [tilespmem:s2+$0xFFFFFC60];
	v6 =	vmul.f32 $8.000000000e+00, v6  }
0x251: {  	v10 =	vld [tilespmem:s2+$0xFFFFFCE0];
	v4 =	vmul.f32 $8.000000000e+00, v4  }
0x252: {  	v11 =	vld [tilespmem:s2+$0xFFFFFD60];
	v9 =	vmul.f32 $8.000000000e+00, v9  }
0x253: {  	v12 =	vld [tilespmem:s2+$0xFFFFFDE0];
	v7 =	vmul.f32 $8.000000000e+00, v7  }
0x254: {  	v13 =	vld [tilespmem:s2+$0xFFFFFE60];
	v8 =	vmul.f32 $8.000000000e+00, v8  }
0x255: {  	v2 =	vadd.f32 v2, v3;
	v3 =	vld [tilespmem:s2+$0xFFFFFEE0]  }
0x256: {  	v5 =	vadd.f32 v10, v5;
	v10 =	vld [tilespmem:s2+$0xFFFFFF60]  }
0x257: {  	[tilespmem:s0+$0xFFFFFC90] =	vst v2;
	v2 =	vadd.f32 v11, v6;
	v6 =	vld [tilespmem:s8+$0xFFFFFF00]  }
0x258: {  	v11 =	vld [tilespmem:s9+$0xFFFFFCA0];
	[tilespmem:s0+$0xFFFFFD90] =	vst v5;
	v4 =	vadd.f32 v12, v4  }
0x259: {  	v5 =	vld [tilespmem:s9+$0xFFFFFDA0];
	[tilespmem:s0+$0xFFFFFE90] =	vst v2;
	v2 =	vadd.f32 v13, v9  }
0x25a: {  	v9 =	vld [tilespmem:s9+$0xFFFFFEA0];
	[tilespmem:s0+$0xFFFFFF90] =	vst v4;
	v3 =	vadd.f32 v3, v7  }
0x25b: {  	v4 =	vld [tilespmem:s9+$0xFFFFFFA0];
	[tilespmem:s0+$0x90] =	vst v2;
	v2 =	vadd.f32 v10, v8  }
0x25c: {  	v7 =	vld [tilespmem:s9+$0xA0];
	[tilespmem:s0+$0x190] =	vst v3;
	v1 =	vadd.f32 v6, v1  }
0x25d: {  	v3 =	vmul.f32 $8.000000000e+00, v11;
	v6 =	vld [tilespmem:s9+$0x1A0];
	[tilespmem:s0+$0x290] =	vst v2  }
0x25e: {  	v2 =	vmul.f32 $8.000000000e+00, v5;
	v5 =	vld [tilespmem:s9+$0x2A0];
	[tilespmem:s3+$0x1B0] =	vst v1  }
0x25f: {  	v1 =	vld [tilespmem:s2+$0xFFFFFC70];
	v8 =	vmul.f32 $8.000000000e+00, v9  }
0x260: {  	v9 =	vld [tilespmem:s2+$0xFFFFFCF0];
	v4 =	vmul.f32 $8.000000000e+00, v4  }
0x261: {  	v10 =	vld [tilespmem:s2+$0xFFFFFD70];
	v7 =	vmul.f32 $8.000000000e+00, v7  }
0x262: {  	v11 =	vld [tilespmem:s2+$0xFFFFFDF0];
	v6 =	vmul.f32 $8.000000000e+00, v6  }
0x263: {  	v12 =	vld [tilespmem:s2+$0xFFFFFE70];
	v5 =	vmul.f32 $8.000000000e+00, v5  }
0x264: {  	v1 =	vadd.f32 v1, v3;
	v3 =	vld [tilespmem:s2+$0xFFFFFEF0]  }
0x265: {  	v2 =	vadd.f32 v9, v2;
	v9 =	vld [tilespmem:s2+$0xFFFFFF70]  }
0x266: {  	[tilespmem:s0+$0xFFFFFCA0] =	vst v1;
	v1 =	vadd.f32 v10, v8;
	v8 =	vld [tilespmem:s8+$0xFFFFFF80];
	s8 =	smov.u32 s2  }
0x267: {  	v10 =	vld [tilespmem:s9+$0xFFFFFCB0];
	[tilespmem:s0+$0xFFFFFDA0] =	vst v2;
	v2 =	vadd.f32 v11, v4  }
0x268: {  	v4 =	vld [tilespmem:s9+$0xFFFFFDB0];
	[tilespmem:s0+$0xFFFFFEA0] =	vst v1;
	v1 =	vadd.f32 v12, v7  }
0x269: {  	v11 =	vld [tilespmem:s9+$0xFFFFFEB0];
	[tilespmem:s0+$0xFFFFFFA0] =	vst v2;
	v2 =	vadd.f32 v3, v6  }
0x26a: {  	v12 =	vld [tilespmem:s9+$0xFFFFFFB0];
	[tilespmem:s0+$0xA0] =	vst v1;
	v1 =	vadd.f32 v9, v5  }
0x26b: {  	v13 =	vld [tilespmem:s9+$0xB0];
	[tilespmem:s0+$0x1A0] =	vst v2;
	v2 =	vadd.f32 v8, v0  }
0x26c: {  	v5 =	vmul.f32 $8.000000000e+00, v10;
	v14 =	vld [tilespmem:s9+$0x1B0];
	[tilespmem:s0+$0x2A0] =	vst v1  }
.Ltmp4:
0x26d: {  	v3 =	vmul.f32 $8.000000000e+00, v4;
	v0 =	vld [tilespmem:s9+$0x2B0];
	[tilespmem:s3+$0x2B0] =	vst v2;
	s3 =	smov.u32 s0;
	(pc) =	sbr.rel @p0 .LBB2_7-.Ltmp4, $4  }
0x26e: {  	v7 =	vld [tilespmem:s2+$0xFFFFFC80];
	v6 =	vmul.f32 $8.000000000e+00, v11  }
0x26f: {  	v8 =	vld [tilespmem:s2+$0xFFFFFD00];
	v4 =	vmul.f32 $8.000000000e+00, v12  }
0x270: {  	v9 =	vld [tilespmem:s2+$0xFFFFFD80];
	v2 =	vmul.f32 $8.000000000e+00, v13  }
0x271: {  	s9 =	sadd.s32 $0x800, s9;
	v10 =	vld [tilespmem:s2+$0xFFFFFE00];
	v1 =	vmul.f32 $8.000000000e+00, v14  }
0x272: {  	_ = 	snop  }
0x273: {  	v11 =	vld [tilespmem:s8+$0xFFFFFE80];
	v5 =	vadd.f32 v7, v5  }
0x274: {  	v7 =	vld [tilespmem:s8+$0xFFFFFF00];
	v3 =	vadd.f32 v8, v3  }
0x275: {  	v8 =	vld [tilespmem:s8+$0xFFFFFF80];
	[tilespmem:s0+$0xFFFFFCB0] =	vst v5;
	v5 =	vadd.f32 v9, v6  }
0x276: {  	[tilespmem:s0+$0xFFFFFDB0] =	vst v3  }
0x277: {  	v3 =	vadd.f32 v10, v4;
	[tilespmem:s0+$0xFFFFFEB0] =	vst v5  }
0x278: {  	v0 =	vmul.f32 $8.000000000e+00, v0;
	s1 =	smul.u32 $0x6400, s12;
	v2 =	vadd.f32 v11, v2;
	[dreg:$0x11] =	wrdreg s12  }
0x279: {  	v1 =	vadd.f32 v7, v1;
	[tilespmem:s0+$0xFFFFFFB0] =	vst v3  }
0x27a: {  	s22 =	sshrl.u32 s1, $0x3;
	[tilespmem:s3+$0xB0] =	vst v2;
	v0 =	vadd.f32 v8, v0  }
0x27b: {  	s23 =	simm.s32 $0x19A00;
	p0 =	seq.s32 s10, $0x3F;
	s0 =	sadd.s32 s6, s22;
	[tilespmem:s3+$0x1B0] =	vst v1  }
0x27c: {  	s24 =	simm.s32 $0x3;
	s2 =	simm.s32 @!p0 $0x9600;
	s0 =	sadd.s32 $0x680, s0;
	[tilespmem:s3+$0x2B0] =	vst v0  }
0x27d: {  	[hbm4b:s0+s5] =	stream.linear.scatter [tilespmem:s23], [sflag:$0x6], $0x3000, $0x38;
	[tilespmem:$0x1CE00] =	vst v63  }
0x27e: {  	s1 =	simm.s32 @!p0 $0x68;
	[dreg:$0x10] =	wrdreg s11;
	s0 =	sadd.s32 @!p0 $0x3390, s11  }
0x27f: {  	[tilespmem:s2], [sflag:$0x1] =	stream.indirect.gather @!p0 [hbm4b:s4+s1], $0x80, s0, s1, $0xb8;
	[tilespmem:$0x1CE00] =	vst v63  }
0x280: {  	_ =	swait.ge [sflag:s24], $0x3400  }
0x281: {  	[sflag:s24] =	ssyncset.done $0x0  }
0x282: {  	s25 =	simm.s32 $0x5;
	[sflag:s24] =	ssyncadd.s32 $0xFFFFCC00  }
0x283: {  	_ =	swait.ge [sflag:s25], $0x3400  }
0x284: {  	[sflag:s25] =	ssyncset.done $0x0  }
0x285: {  	s7 =	simm.s32 $0x10200;
	[sflag:s25] =	ssyncadd.s32 $0xFFFFCC00  }
0x286: {  	v0 =	vld [tilespmem:s7+$0x300]  }
0x287: {  	s2 =	simm.s32 $0x200;
	v1 =	vld [tilespmem:s7+$0xFFFFFD00]  }
0x288: {  	v2 =	vld [tilespmem:s2+$0x180]  }
0x289: {  	v3 =	vld [tilespmem:s7+$0xFFFFFE00]  }
0x28a: {  	v4 =	vld [tilespmem:s7+$0xFFFFFF00]  }
0x28b: {  	v5 =	vld [tilespmem:s7+$0x0]  }
0x28c: {  	v6 =	vld [tilespmem:s7+$0x100]  }
0x28d: {  	v8 =	vld [tilespmem:s2+$0xFFFFFE00];
	v0 =	vmul.f32 $8.000000000e+00, v0  }
0x28e: {  	v9 =	vld [tilespmem:s2+$0xFFFFFE80]  }
0x28f: {  	v12 =	vld [tilespmem:s2+$0xFFFFFF80];
	v0 =	vadd.f32 v2, v0  }
0x290: {  	s0 =	simm.s32 $0x16A00;
	v2 =	vld [tilespmem:s7+$0xFFFFFC00]  }
0x291: {  	v11 =	vld [tilespmem:s2+$0xFFFFFF00];
	v1 =	vmul.f32 $8.000000000e+00, v1;
	[tilespmem:s0+$0x300] =	vst v0  }
0x292: {  	v0 =	vld [tilespmem:s7+$0x310]  }
0x293: {  	v7 =	vld [tilespmem:s7+$0x200];
	v4 =	vmul.f32 $8.000000000e+00, v4;
	v1 =	vadd.f32 v9, v1  }
0x294: {  	v3 =	vmul.f32 $8.000000000e+00, v3;
	v10 =	vld [tilespmem:s2+$0x190]  }
0x295: {  	v9 =	vld [tilespmem:s2+$0x80];
	v4 =	vadd.f32 v12, v4;
	[tilespmem:s0+$0xFFFFFD00] =	vst v1;
	v2 =	vmul.f32 $8.000000000e+00, v2  }
0x296: {  	v1 =	vadd.f32 v11, v3;
	v3 =	vmul.f32 $8.000000000e+00, v5;
	v5 =	vld [tilespmem:s7+$0xFFFFFD10]  }
0x297: {  	[tilespmem:s0+$0xFFFFFF00] =	vst v4;
	v2 =	vadd.f32 v8, v2;
	v8 =	vld [tilespmem:s2+$0x0];
	v0 =	vmul.f32 $8.000000000e+00, v0  }
0x298: {  	v11 =	vld [tilespmem:s2+$0xFFFFFF90]  }
0x299: {  	[tilespmem:s0+$0xFFFFFC00] =	vst v2;
	v2 =	vld [tilespmem:s2+$0x100];
	v0 =	vadd.f32 v10, v0  }
0x29a: {  	[tilespmem:s0+$0xFFFFFE00] =	vst v1;
	v10 =	vld [tilespmem:s7+$0xFFFFFC10]  }
0x29b: {  	[tilespmem:s0+$0x310] =	vst v0;
	v0 =	vmul.f32 $8.000000000e+00, v6;
	v6 =	vmul.f32 $8.000000000e+00, v7;
	v7 =	vld [tilespmem:s7+$0xFFFFFE10]  }
0x29c: {  	v3 =	vadd.f32 v8, v3;
	v8 =	vld [tilespmem:s2+$0xFFFFFE10]  }
0x29d: {  	v1 =	vld [tilespmem:s7+$0x320]  }
0x29e: {  	v4 =	vld [tilespmem:s2+$0x1A0]  }
0x29f: {  	v0 =	vadd.f32 v9, v0;
	[tilespmem:s0+$0x0] =	vst v3;
	v3 =	vld [tilespmem:s7+$0xFFFFFF10]  }
0x2a0: {  	v2 =	vadd.f32 v2, v6;
	v9 =	vld [tilespmem:s2+$0xFFFFFF10]  }
0x2a1: {  	v10 =	vmul.f32 $8.000000000e+00, v10;
	[tilespmem:s0+$0x100] =	vst v0;
	v0 =	vld [tilespmem:s7+$0x10]  }
0x2a2: {  	[tilespmem:s0+$0x200] =	vst v2;
	v2 =	vld [tilespmem:s7+$0x110];
	v1 =	vmul.f32 $8.000000000e+00, v1  }
0x2a3: {  	v6 =	vld [tilespmem:s7+$0x210];
	v7 =	vmul.f32 $8.000000000e+00, v7;
	v8 =	vadd.f32 v8, v10  }
0x2a4: {  	v10 =	vld [tilespmem:s2+$0x10];
	v1 =	vadd.f32 v4, v1  }
0x2a5: {  	[tilespmem:s0+$0xFFFFFC10] =	vst v8;
	v7 =	vadd.f32 v9, v7;
	v8 =	vld [tilespmem:s2+$0x110]  }
0x2a6: {  	v4 =	vld [tilespmem:s2+$0xFFFFFE90];
	[tilespmem:s0+$0x320] =	vst v1  }
0x2a7: {  	v3 =	vmul.f32 $8.000000000e+00, v3;
	[tilespmem:s0+$0xFFFFFE10] =	vst v7;
	v1 =	vld [tilespmem:s7+$0x330]  }
0x2a8: {  	v0 =	vmul.f32 $8.000000000e+00, v0;
	v9 =	vld [tilespmem:s7+$0xFFFFFE20]  }
0x2a9: {  	v5 =	vmul.f32 $8.000000000e+00, v5;
	v3 =	vadd.f32 v11, v3;
	v56 =	vld [tilespmem:s2+$0x1B0]  }
0x2aa: {  	v11 =	vld [tilespmem:s2+$0xFFFFFF20];
	v0 =	vadd.f32 v10, v0  }
0x2ab: {  	[tilespmem:s0+$0xFFFFFF10] =	vst v3;
	v4 =	vadd.f32 v4, v5;
	v5 =	vld [tilespmem:s2+$0x90]  }
0x2ac: {  	v3 =	vmul.f32 $8.000000000e+00, v6;
	v6 =	vld [tilespmem:s7+$0xFFFFFF20];
	[tilespmem:s0+$0x10] =	vst v0;
	v1 =	vmul.f32 $8.000000000e+00, v1  }
0x2ad: {  	v57 =	vld [tilespmem:s2+$0x20]  }
0x2ae: {  	v2 =	vmul.f32 $8.000000000e+00, v2;
	[tilespmem:s0+$0xFFFFFD10] =	vst v4;
	v4 =	vld [tilespmem:s7+$0xFFFFFC20];
	v1 =	vadd.f32 v56, v1  }
0x2af: {  	v7 =	vld [tilespmem:s7+$0xFFFFFD20]  }
0x2b0: {  	[tilespmem:s0+$0x330] =	vst v1;
	v1 =	vadd.f32 v5, v2;
	v2 =	vadd.f32 v8, v3;
	v8 =	vld [tilespmem:s2+$0xFFFFFE20]  }
0x2b1: {  	v3 =	vld [tilespmem:s7+$0x20]  }
0x2b2: {  	v0 =	vld [tilespmem:s7+$0x380];
	[tilespmem:s0+$0x110] =	vst v1  }
0x2b3: {  	v4 =	vmul.f32 $8.000000000e+00, v4;
	[tilespmem:s0+$0x210] =	vst v2;
	v2 =	vld [tilespmem:s7+$0x120]  }
0x2b4: {  	v1 =	vld [tilespmem:s2+$0x1C0]  }
0x2b5: {  	v4 =	vadd.f32 v8, v4;
	v8 =	vld [tilespmem:s2+$0xA0]  }
0x2b6: {  	v9 =	vmul.f32 $8.000000000e+00, v9;
	v10 =	vld [tilespmem:s2+$0xFFFFFEA0]  }
0x2b7: {  	v5 =	vld [tilespmem:s7+$0x220];
	v3 =	vmul.f32 $8.000000000e+00, v3;
	v0 =	vmul.f32 $8.000000000e+00, v0  }
0x2b8: {  	[tilespmem:s0+$0xFFFFFC20] =	vst v4;
	v4 =	vadd.f32 v11, v9;
	v9 =	vld [tilespmem:s2+$0x120];
	v2 =	vmul.f32 $8.000000000e+00, v2  }
0x2b9: {  	v3 =	vadd.f32 v57, v3;
	v0 =	vadd.f32 v1, v0;
	v1 =	vld [tilespmem:s2+$0xFFFFFFA0]  }
0x2ba: {  	[tilespmem:s0+$0xFFFFFE20] =	vst v4;
	v2 =	vadd.f32 v8, v2;
	v8 =	vld [tilespmem:s2+$0xFFFFFE30]  }
0x2bb: {  	[tilespmem:s0+$0x20] =	vst v3;
	v11 =	vld [tilespmem:s2+$0xFFFFFF30]  }
0x2bc: {  	s3 =	simm.s32 $0x3C0;
	[tilespmem:s0+$0x380] =	vst v0;
	v0 =	vmul.f32 $8.000000000e+00, v7;
	v13 =	vld [tilespmem:s2+$0x30]  }
0x2bd: {  	s26 =	sor.u32 $0x50, s3;
	v5 =	vmul.f32 $8.000000000e+00, v5;
	v7 =	vld [tilespmem:s7+$0x390]  }
0x2be: {  	v6 =	vmul.f32 $8.000000000e+00, v6;
	v0 =	vadd.f32 v10, v0;
	v10 =	vld [tilespmem:s26+$0x0];
	[tilespmem:s0+$0x120] =	vst v2  }
0x2bf: {  	v2 =	vadd.f32 v9, v5;
	v5 =	vld [tilespmem:s7+$0x130]  }
0x2c0: {  	[tilespmem:s0+$0xFFFFFD20] =	vst v0;
	v0 =	vadd.f32 v1, v6;
	v1 =	vld [tilespmem:s7+$0xFFFFFC30]  }
0x2c1: {  	v4 =	vld [tilespmem:s7+$0xFFFFFD30]  }
0x2c2: {  	v6 =	vmul.f32 $8.000000000e+00, v7;
	[tilespmem:s0+$0xFFFFFF20] =	vst v0;
	v7 =	vld [tilespmem:s7+$0x30]  }
0x2c3: {  	v3 =	vld [tilespmem:s7+$0xFFFFFF30]  }
0x2c4: {  	v6 =	vadd.f32 v10, v6;
	v10 =	vld [tilespmem:s2+$0xFFFFFEB0]  }
0x2c5: {  	v58 =	vld [tilespmem:s2+$0xFFFFFFB0];
	v1 =	vmul.f32 $8.000000000e+00, v1  }
0x2c6: {  	v0 =	vld [tilespmem:s7+$0xFFFFFE30]  }
0x2c7: {  	[tilespmem:s0+$0x390] =	vst v6;
	v4 =	vmul.f32 $8.000000000e+00, v4;
	v1 =	vadd.f32 v8, v1;
	v8 =	vld [tilespmem:s2+$0xB0]  }
0x2c8: {  	[tilespmem:s0+$0x220] =	vst v2;
	v2 =	vld [tilespmem:s7+$0x3A0];
	v3 =	vmul.f32 $8.000000000e+00, v3  }
0x2c9: {  	s28 =	sor.u32 $0x60, s3;
	v6 =	vld [tilespmem:s7+$0x230];
	v4 =	vadd.f32 v10, v4  }
0x2ca: {  	v5 =	vmul.f32 $8.000000000e+00, v5;
	v9 =	vld [tilespmem:s28+$0x0];
	[tilespmem:s0+$0xFFFFFC30] =	vst v1;
	v1 =	vmul.f32 $8.000000000e+00, v7;
	v3 =	vadd.f32 v58, v3  }
0x2cb: {  	v7 =	vld [tilespmem:s7+$0xFFFFFC80];
	[tilespmem:s0+$0xFFFFFD30] =	vst v4  }
0x2cc: {  	v1 =	vadd.f32 v13, v1;
	[tilespmem:s0+$0xFFFFFF30] =	vst v3;
	v3 =	vadd.f32 v8, v5;
	v8 =	vld [tilespmem:s2+$0xFFFFFE40]  }
0x2cd: {  	v2 =	vmul.f32 $8.000000000e+00, v2;
	v10 =	vld [tilespmem:s2+$0xFFFFFEC0]  }
0x2ce: {  	[tilespmem:s0+$0x30] =	vst v1;
	v1 =	vld [tilespmem:s7+$0xFFFFFF80]  }
0x2cf: {  	v2 =	vadd.f32 v9, v2;
	v9 =	vld [tilespmem:s2+$0x130]  }
0x2d0: {  	v0 =	vmul.f32 $8.000000000e+00, v0;
	[tilespmem:s0+$0x130] =	vst v3;
	v3 =	vld [tilespmem:s7+$0x80]  }
0x2d1: {  	v59 =	vld [tilespmem:s2+$0x40]  }
0x2d2: {  	s29 =	sor.u32 $0x70, s3;
	v5 =	vld [tilespmem:s7+$0x180];
	[tilespmem:s0+$0x3A0] =	vst v2;
	v2 =	vadd.f32 v11, v0  }
0x2d3: {  	v6 =	vmul.f32 $8.000000000e+00, v6;
	v0 =	vld [tilespmem:s29+$0x0]  }
0x2d4: {  	[tilespmem:s0+$0xFFFFFE30] =	vst v2;
	v2 =	vld [tilespmem:s7+$0xFFFFFD80]  }
0x2d5: {  	v7 =	vmul.f32 $8.000000000e+00, v7;
	v4 =	vld [tilespmem:s7+$0xFFFFFE80];
	v6 =	vadd.f32 v9, v6  }
0x2d6: {  	v11 =	vld [tilespmem:s2+$0xFFFFFF40];
	v3 =	vmul.f32 $8.000000000e+00, v3  }
0x2d7: {  	v9 =	vld [tilespmem:s2+$0xFFFFFFC0];
	[tilespmem:s0+$0x230] =	vst v6;
	v6 =	vadd.f32 v8, v7  }
0x2d8: {  	v7 =	vld [tilespmem:s2+$0xC0];
	v3 =	vadd.f32 v59, v3  }
0x2d9: {  	v8 =	vld [tilespmem:s7+$0x280];
	[tilespmem:s0+$0xFFFFFC80] =	vst v6  }
0x2da: {  	s15 =	simm.s32 $0x240;
	v1 =	vmul.f32 $8.000000000e+00, v1;
	[tilespmem:s0+$0x80] =	vst v3;
	v6 =	vld [tilespmem:s7+$0xFFFFFC90]  }
0x2db: {  	s18 =	sor.u32 $0x50, s15;
	v2 =	vmul.f32 $8.000000000e+00, v2;
	v3 =	vld [tilespmem:s7+$0x90]  }
0x2dc: {  	s30 =	simm.s32 $0x40;
	v5 =	vmul.f32 $8.000000000e+00, v5;
	v1 =	vadd.f32 v9, v1;
	v60 =	vld [tilespmem:s18+$0x0]  }
0x2dd: {  	s5 =	sor.u32 $0x50, s30;
	v4 =	vmul.f32 $8.000000000e+00, v4;
	v2 =	vadd.f32 v10, v2;
	v10 =	vld [tilespmem:s2+$0x140]  }
0x2de: {  	[tilespmem:s0+$0xFFFFFF80] =	vst v1;
	v1 =	vadd.f32 v7, v5;
	v7 =	vld [tilespmem:s5+$0x0]  }
0x2df: {  	s31 =	simm.s32 $0xC0;
	v4 =	vadd.f32 v11, v4;
	[tilespmem:s0+$0xFFFFFD80] =	vst v2;
	v5 =	vld [tilespmem:s7+$0xFFFFFF90]  }
0x2e0: {  	s9 =	sor.u32 $0x50, s31;
	v2 =	vld [tilespmem:s7+$0xFFFFFD90]  }
0x2e1: {  	[tilespmem:s0+$0xFFFFFE80] =	vst v4;
	v9 =	vld [tilespmem:s9+$0x0]  }
0x2e2: {  	s8 =	simm.s32 $0x140;
	v8 =	vmul.f32 $8.000000000e+00, v8;
	[tilespmem:s0+$0x180] =	vst v1;
	v4 =	vld [tilespmem:s7+$0xFFFFFE90]  }
0x2e3: {  	s17 =	simm.s32 $0x2C0;
	s14 =	sor.u32 $0x50, s8;
	v1 =	vld [tilespmem:s7+$0x190];
	v6 =	vmul.f32 $8.000000000e+00, v6  }
0x2e4: {  	s13 =	simm.s32 $0x1C0;
	s19 =	sor.u32 $0x50, s17;
	v11 =	vld [tilespmem:s14+$0x0];
	v8 =	vadd.f32 v10, v8  }
0x2e5: {  	s16 =	sor.u32 $0x50, s13;
	v3 =	vmul.f32 $8.000000000e+00, v3;
	v6 =	vadd.f32 v7, v6;
	v7 =	vld [tilespmem:s19+$0x0]  }
0x2e6: {  	v10 =	vld [tilespmem:s16+$0x0];
	[tilespmem:s0+$0x280] =	vst v8;
	v2 =	vmul.f32 $8.000000000e+00, v2  }
0x2e7: {  	s20 =	simm.s32 $0x340;
	v3 =	vadd.f32 v60, v3;
	v8 =	vld [tilespmem:s7+$0x290];
	[tilespmem:s0+$0xFFFFFC90] =	vst v6  }
0x2e8: {  	s21 =	sor.u32 $0x50, s20;
	v4 =	vmul.f32 $8.000000000e+00, v4;
	v6 =	vld [tilespmem:s7+$0xFFFFFCA0];
	v1 =	vmul.f32 $8.000000000e+00, v1;
	v2 =	vadd.f32 v9, v2  }
0x2e9: {  	v5 =	vmul.f32 $8.000000000e+00, v5;
	[tilespmem:s0+$0x90] =	vst v3;
	v9 =	vld [tilespmem:s21+$0x0]  }
0x2ea: {  	v4 =	vadd.f32 v11, v4;
	v1 =	vadd.f32 v7, v1;
	v7 =	vld [tilespmem:s7+$0xA0];
	[tilespmem:s0+$0xFFFFFD90] =	vst v2  }
0x2eb: {  	s22 =	sor.u32 $0x60, s30;
	v5 =	vadd.f32 v10, v5;
	v2 =	vld [tilespmem:s7+$0xFFFFFDA0]  }
0x2ec: {  	s23 =	sor.u32 $0x60, s31;
	[tilespmem:s0+$0xFFFFFE90] =	vst v4;
	v4 =	vld [tilespmem:s22+$0x0]  }
0x2ed: {  	[tilespmem:s0+$0xFFFFFF90] =	vst v5;
	v5 =	vld [tilespmem:s23+$0x0]  }
0x2ee: {  	s25 =	sor.u32 $0x60, s13;
	v11 =	vld [tilespmem:s7+$0xFFFFFFA0]  }
0x2ef: {  	[tilespmem:s0+$0x190] =	vst v1;
	v1 =	vld [tilespmem:s25+$0x0]  }
0x2f0: {  	s24 =	sor.u32 $0x60, s8;
	v8 =	vmul.f32 $8.000000000e+00, v8;
	v10 =	vld [tilespmem:s7+$0xFFFFFEA0]  }
0x2f1: {  	v3 =	vld [tilespmem:s24+$0x0]  }
0x2f2: {  	s28 =	sor.u32 $0x60, s17;
	v8 =	vadd.f32 v9, v8;
	v9 =	vld [tilespmem:s7+$0x1A0]  }
0x2f3: {  	s26 =	sor.u32 $0x60, s15;
	v6 =	vmul.f32 $8.000000000e+00, v6;
	v62 =	vld [tilespmem:s28+$0x0]  }
0x2f4: {  	[tilespmem:s0+$0x290] =	vst v8;
	v8 =	vld [tilespmem:s26+$0x0];
	v2 =	vmul.f32 $8.000000000e+00, v2  }
0x2f5: {  	s29 =	sor.u32 $0x60, s20;
	v61 =	vld [tilespmem:s7+$0x2A0];
	v4 =	vadd.f32 v4, v6;
	v11 =	vmul.f32 $8.000000000e+00, v11  }
0x2f6: {  	v6 =	vld [tilespmem:s29+$0x0];
	v10 =	vmul.f32 $8.000000000e+00, v10;
	v2 =	vadd.f32 v5, v2  }
0x2f7: {  	v5 =	vld [tilespmem:s7+$0x3B0];
	[tilespmem:s0+$0xFFFFFCA0] =	vst v4;
	v4 =	vmul.f32 $8.000000000e+00, v9;
	v1 =	vadd.f32 v1, v11  }
0x2f8: {  	v7 =	vmul.f32 $8.000000000e+00, v7;
	v3 =	vadd.f32 v3, v10;
	v9 =	vld [tilespmem:s7+$0xFFFFFCB0];
	[tilespmem:s0+$0xFFFFFDA0] =	vst v2  }
0x2f9: {  	[tilespmem:s0+$0xFFFFFFA0] =	vst v1;
	v1 =	vadd.f32 v62, v4;
	v10 =	vld [tilespmem:s7+$0xFFFFFDB0]  }
0x2fa: {  	v2 =	vmul.f32 $8.000000000e+00, v61;
	[tilespmem:s0+$0xFFFFFEA0] =	vst v3;
	v3 =	vadd.f32 v8, v7;
	v11 =	vld [tilespmem:s7+$0xFFFFFFB0]  }
0x2fb: {  	v7 =	vld [tilespmem:s7+$0xFFFFFEB0];
	[tilespmem:s0+$0x1A0] =	vst v1  }
0x2fc: {  	[tilespmem:s0+$0xA0] =	vst v3;
	v2 =	vadd.f32 v6, v2;
	v1 =	vld [tilespmem:s7+$0x1B0]  }
0x2fd: {  	s1 =	sor.u32 $0x70, s30;
	v63 =	vld [tilespmem:s7+$0xB0]  }
0x2fe: {  	s4 =	sor.u32 $0x70, s31;
	v8 =	vld [tilespmem:s1+$0x0];
	[tilespmem:s0+$0x2A0] =	vst v2;
	v2 =	vmul.f32 $8.000000000e+00, v5  }
0x2ff: {  	v5 =	vmul.f32 $8.000000000e+00, v9;
	v9 =	vld [tilespmem:s4+$0x0]  }
0x300: {  	s10 =	sor.u32 $0x70, s15;
	s30 =	sor.u32 $0x70, s8;
	v3 =	vld [tilespmem:s7+$0x2B0];
	v4 =	vmul.f32 $8.000000000e+00, v10;
	v0 =	vadd.f32 v0, v2  }
0x301: {  	s31 =	sor.u32 $0x70, s13;
	s13 =	sor.u32 $0x70, s20;
	s15 =	simm.s32 $0x10A00;
	v6 =	vmul.f32 $8.000000000e+00, v11;
	v10 =	vld [tilespmem:s30+$0x0];
	v7 =	vmul.f32 $8.000000000e+00, v7  }
0x302: {  	s9 =	sor.u32 $0x70, s17;
	s14 =	simm.s32 $0x0;
	v11 =	vld [tilespmem:s31+$0x0];
	s7 =	simm.s32 $0x16A00;
	v1 =	vmul.f32 $8.000000000e+00, v1;
	[tilespmem:s0+$0x3B0] =	vst v0;
	v2 =	vmul.f32 $8.000000000e+00, v63  }
.LBB2_9:
0x303: {  	_ = 	snop  }
0x304: {  	v12 =	vld [tilespmem:s15+$0x300];
	s2 =	sadd.s32 $0x400, s2  }
0x305: {  	v38 =	vld [tilespmem:s2+$0x80]  }
0x306: {  	v0 =	vmul.f32 $8.000000000e+00, v3;
	v3 =	vld [tilespmem:s15+$0xFFFFFD00]  }
0x307: {  	v5 =	vadd.f32 v8, v5;
	v8 =	vld [tilespmem:s2+$0x180]  }
0x308: {  	v4 =	vadd.f32 v9, v4;
	v9 =	vld [tilespmem:s15+$0xFFFFFE00]  }
0x309: {  	[tilespmem:s0+$0xFFFFFCB0] =	vst v5;
	v5 =	vadd.f32 v10, v7;
	v7 =	vld [tilespmem:s15+$0xFFFFFF00]  }
0x30a: {  	[tilespmem:s0+$0xFFFFFDB0] =	vst v4;
	v4 =	vadd.f32 v11, v6;
	v6 =	vld [tilespmem:s15+$0x0]  }
0x30b: {  	v10 =	vmul.f32 $8.000000000e+00, v12;
	v11 =	vld [tilespmem:s2+$0xFFFFFE00]  }
0x30c: {  	v37 =	vld [tilespmem:s2+$0xFFFFFE80]  }
0x30d: {  	[tilespmem:s0+$0xFFFFFEB0] =	vst v5;
	v8 =	vadd.f32 v8, v10;
	v10 =	vld [tilespmem:s15+$0xFFFFFC00]  }
0x30e: {  	[tilespmem:s0+$0xFFFFFFB0] =	vst v4;
	s0 =	sadd.s32 $0x800, s0;
	v14 =	vld [tilespmem:s2+$0xFFFFFF00]  }
0x30f: {  	v5 =	vld [tilespmem:s15+$0x100];
	v3 =	vmul.f32 $8.000000000e+00, v3;
	[tilespmem:s0+$0x300] =	vst v8  }
0x310: {  	v8 =	vld [tilespmem:s15+$0x310]  }
0x311: {  	v4 =	vld [tilespmem:s15+$0x200];
	v9 =	vmul.f32 $8.000000000e+00, v9;
	v3 =	vadd.f32 v37, v3  }
0x312: {  	v13 =	vld [tilespmem:s2+$0x190]  }
0x313: {  	v15 =	vld [tilespmem:s2+$0xFFFFFF80];
	v10 =	vmul.f32 $8.000000000e+00, v10;
	[tilespmem:s0+$0xFFFFFD00] =	vst v3;
	v3 =	vadd.f32 v14, v9  }
0x314: {  	v9 =	vld [tilespmem:s15+$0xFFFFFD10]  }
0x315: {  	v10 =	vadd.f32 v11, v10;
	v11 =	vld [tilespmem:s2+$0x0];
	[tilespmem:s0+$0xFFFFFE00] =	vst v3;
	v8 =	vmul.f32 $8.000000000e+00, v8  }
0x316: {  	v41 =	vld [tilespmem:s2+$0xFFFFFF10]  }
0x317: {  	v7 =	vmul.f32 $8.000000000e+00, v7;
	[tilespmem:s0+$0xFFFFFC00] =	vst v10;
	v10 =	vld [tilespmem:s2+$0x100];
	v8 =	vadd.f32 v13, v8  }
0x318: {  	v6 =	vmul.f32 $8.000000000e+00, v6;
	v39 =	vld [tilespmem:s15+$0xFFFFFC10]  }
0x319: {  	v7 =	vadd.f32 v15, v7;
	v40 =	vld [tilespmem:s2+$0xFFFFFE10];
	[tilespmem:s0+$0x310] =	vst v8  }
0x31a: {  	v4 =	vmul.f32 $8.000000000e+00, v4;
	v3 =	vadd.f32 v11, v6;
	v6 =	vld [tilespmem:s15+$0x320]  }
0x31b: {  	v5 =	vmul.f32 $8.000000000e+00, v5;
	[tilespmem:s0+$0xFFFFFF00] =	vst v7;
	v8 =	vld [tilespmem:s15+$0xFFFFFE10]  }
0x31c: {  	[tilespmem:s0+$0x0] =	vst v3;
	v3 =	vadd.f32 v10, v4;
	v4 =	vld [tilespmem:s2+$0x1A0]  }
0x31d: {  	v5 =	vadd.f32 v38, v5;
	v42 =	vld [tilespmem:s2+$0xFFFFFF90]  }
0x31e: {  	v10 =	vld [tilespmem:s15+$0xFFFFFF10];
	v7 =	vmul.f32 $8.000000000e+00, v39  }
0x31f: {  	[tilespmem:s0+$0x100] =	vst v5;
	v5 =	vmul.f32 $8.000000000e+00, v9;
	v9 =	vld [tilespmem:s15+$0x10];
	v6 =	vmul.f32 $8.000000000e+00, v6  }
0x320: {  	[tilespmem:s0+$0x200] =	vst v3;
	v3 =	vld [tilespmem:s15+$0x110];
	v7 =	vadd.f32 v40, v7  }
0x321: {  	v8 =	vmul.f32 $8.000000000e+00, v8;
	v11 =	vld [tilespmem:s15+$0x210];
	v4 =	vadd.f32 v4, v6  }
0x322: {  	[tilespmem:s0+$0xFFFFFC10] =	vst v7;
	v6 =	vld [tilespmem:s2+$0xFFFFFE90]  }
0x323: {  	v7 =	vadd.f32 v41, v8;
	v8 =	vld [tilespmem:s2+$0x90];
	[tilespmem:s0+$0x320] =	vst v4  }
0x324: {  	v4 =	vld [tilespmem:s15+$0x330]  }
0x325: {  	v44 =	vld [tilespmem:s15+$0xFFFFFC20]  }
0x326: {  	v43 =	vld [tilespmem:s2+$0x1B0]  }
0x327: {  	v10 =	vmul.f32 $8.000000000e+00, v10;
	v46 =	vld [tilespmem:s2+$0xFFFFFE20];
	[tilespmem:s0+$0xFFFFFE10] =	vst v7;
	v5 =	vadd.f32 v6, v5  }
0x328: {  	v45 =	vld [tilespmem:s15+$0xFFFFFE20]  }
0x329: {  	v7 =	vadd.f32 v42, v10;
	[tilespmem:s0+$0xFFFFFD10] =	vst v5;
	v5 =	vld [tilespmem:s2+$0x110];
	v4 =	vmul.f32 $8.000000000e+00, v4  }
0x32a: {  	v6 =	vld [tilespmem:s2+$0x10]  }
0x32b: {  	v3 =	vmul.f32 $8.000000000e+00, v3;
	v48 =	vld [tilespmem:s2+$0xFFFFFF20];
	[tilespmem:s0+$0xFFFFFF10] =	vst v7;
	v4 =	vadd.f32 v43, v4  }
0x32c: {  	v11 =	vmul.f32 $8.000000000e+00, v11;
	v7 =	vld [tilespmem:s15+$0xFFFFFF20]  }
0x32d: {  	v9 =	vmul.f32 $8.000000000e+00, v9;
	v3 =	vadd.f32 v8, v3;
	v10 =	vld [tilespmem:s15+$0xFFFFFD20];
	[tilespmem:s0+$0x330] =	vst v4  }
0x32e: {  	v4 =	vadd.f32 v5, v11;
	v5 =	vld [tilespmem:s15+$0x380]  }
0x32f: {  	[tilespmem:s0+$0x110] =	vst v3;
	v47 =	vld [tilespmem:s2+$0xFFFFFEA0];
	v6 =	vadd.f32 v6, v9  }
0x330: {  	[tilespmem:s0+$0x210] =	vst v4;
	v4 =	vld [tilespmem:s2+$0x1C0]  }
0x331: {  	v50 =	vld [tilespmem:s2+$0xA0];
	[tilespmem:s0+$0x10] =	vst v6  }
0x332: {  	v8 =	vld [tilespmem:s15+$0x20];
	v3 =	vmul.f32 $8.000000000e+00, v10  }
0x333: {  	v10 =	vld [tilespmem:s15+$0x120];
	v5 =	vmul.f32 $8.000000000e+00, v5  }
0x334: {  	v49 =	vld [tilespmem:s2+$0x20];
	v3 =	vadd.f32 v47, v3  }
0x335: {  	v6 =	vmul.f32 $8.000000000e+00, v44;
	v4 =	vadd.f32 v4, v5;
	v5 =	vld [tilespmem:s2+$0xFFFFFFA0]  }
0x336: {  	v11 =	vld [tilespmem:s15+$0x220];
	[tilespmem:s0+$0xFFFFFD20] =	vst v3  }
0x337: {  	s3 =	sadd.s32 $0x400, s3;
	v9 =	vmul.f32 $8.000000000e+00, v45;
	v52 =	vld [tilespmem:s2+$0xFFFFFEB0];
	[tilespmem:s0+$0x380] =	vst v4;
	v4 =	vadd.f32 v46, v6  }
0x338: {  	s1 =	sor.u32 $0x50, s3;
	v7 =	vmul.f32 $8.000000000e+00, v7;
	v6 =	vld [tilespmem:s15+$0x390]  }
0x339: {  	[tilespmem:s0+$0xFFFFFC20] =	vst v4;
	v4 =	vadd.f32 v48, v9;
	v9 =	vld [tilespmem:s1+$0x0]  }
0x33a: {  	v8 =	vmul.f32 $8.000000000e+00, v8;
	v3 =	vadd.f32 v5, v7;
	v5 =	vld [tilespmem:s2+$0x120]  }
0x33b: {  	v7 =	vld [tilespmem:s15+$0xFFFFFC30]  }
0x33c: {  	v10 =	vmul.f32 $8.000000000e+00, v10;
	v51 =	vld [tilespmem:s2+$0xFFFFFE30];
	[tilespmem:s0+$0xFFFFFE20] =	vst v4;
	v4 =	vadd.f32 v49, v8  }
0x33d: {  	v8 =	vld [tilespmem:s15+$0xFFFFFD30];
	[tilespmem:s0+$0xFFFFFF20] =	vst v3;
	v3 =	vmul.f32 $8.000000000e+00, v6  }
0x33e: {  	v11 =	vmul.f32 $8.000000000e+00, v11;
	v53 =	vld [tilespmem:s2+$0xFFFFFF30];
	[tilespmem:s0+$0x20] =	vst v4;
	v4 =	vadd.f32 v50, v10  }
0x33f: {  	v6 =	vld [tilespmem:s15+$0xFFFFFE30];
	v3 =	vadd.f32 v9, v3  }
0x340: {  	s8 =	sadd.s32 $0xFFFFFD00, s3;
	s17 =	sadd.s32 $0xFFFFFF00, s3;
	v10 =	vld [tilespmem:s15+$0xFFFFFF30];
	[tilespmem:s0+$0x120] =	vst v4;
	v4 =	vadd.f32 v5, v11  }
0x341: {  	s12 =	sor.u32 $0x50, s8;
	s5 =	sor.u32 $0x50, s17;
	v54 =	vld [tilespmem:s2+$0xFFFFFFB0];
	[tilespmem:s0+$0x390] =	vst v3  }
0x342: {  	s21 =	sor.u32 $0x60, s8;
	s19 =	sor.u32 $0x60, s17;
	s8 =	sor.u32 $0x70, s8;
	[tilespmem:s0+$0x220] =	vst v4;
	v4 =	vld [tilespmem:s15+$0x3A0]  }
0x343: {  	[dreg:$0x5] =	wrdreg s8;
	s8 =	sor.u32 $0x70, s17;
	s17 =	sor.u32 $0x60, s3;
	v16 =	vld [tilespmem:s2+$0x30]  }
0x344: {  	v3 =	vmul.f32 $8.000000000e+00, v8;
	v11 =	vld [tilespmem:s17+$0x0]  }
0x345: {  	v9 =	vld [tilespmem:s15+$0x30]  }
0x346: {  	v5 =	vmul.f32 $8.000000000e+00, v7;
	v7 =	vld [tilespmem:s15+$0x130];
	v10 =	vmul.f32 $8.000000000e+00, v10;
	v3 =	vadd.f32 v52, v3  }
0x347: {  	v8 =	vld [tilespmem:s15+$0x230];
	v4 =	vmul.f32 $8.000000000e+00, v4  }
0x348: {  	v55 =	vld [tilespmem:s2+$0x130];
	[tilespmem:s0+$0xFFFFFD30] =	vst v3;
	v3 =	vadd.f32 v54, v10  }
0x349: {  	v10 =	vld [tilespmem:s15+$0xFFFFFD80];
	v4 =	vadd.f32 v11, v4  }
0x34a: {  	s26 =	sadd.s32 $0xFFFFFE80, s3;
	v5 =	vadd.f32 v51, v5;
	v6 =	vmul.f32 $8.000000000e+00, v6;
	[tilespmem:s0+$0xFFFFFF30] =	vst v3;
	v11 =	vld [tilespmem:s2+$0xB0]  }
0x34b: {  	s20 =	sadd.s32 $0xFFFFFF80, s3;
	s31 =	sor.u32 $0x50, s26;
	v57 =	vld [tilespmem:s2+$0xFFFFFFC0];
	[tilespmem:s0+$0x3A0] =	vst v4  }
0x34c: {  	s18 =	sor.u32 $0x60, s26;
	s25 =	sor.u32 $0x60, s20;
	s28 =	sor.u32 $0x70, s26;
	[tilespmem:s0+$0xFFFFFC30] =	vst v5;
	v9 =	vmul.f32 $8.000000000e+00, v9;
	v4 =	vadd.f32 v53, v6;
	v5 =	vld [tilespmem:s15+$0x3B0]  }
0x34d: {  	s26 =	sor.u32 $0x70, s20;
	s1 =	sor.u32 $0x50, s20;
	s20 =	sor.u32 $0x70, s3;
	v7 =	vmul.f32 $8.000000000e+00, v7;
	v6 =	vld [tilespmem:s15+$0xFFFFFC80]  }
0x34e: {  	[tilespmem:s0+$0xFFFFFE30] =	vst v4;
	v4 =	vadd.f32 v16, v9;
	v9 =	vld [tilespmem:s20+$0x0]  }
0x34f: {  	v3 =	vadd.f32 v11, v7;
	v7 =	vld [tilespmem:s15+$0xFFFFFE80]  }
0x350: {  	v8 =	vmul.f32 $8.000000000e+00, v8;
	v11 =	vld [tilespmem:s2+$0xFFFFFE40]  }
0x351: {  	v56 =	vld [tilespmem:s2+$0xFFFFFF40];
	[tilespmem:s0+$0x130] =	vst v3;
	v3 =	vmul.f32 $8.000000000e+00, v5  }
0x352: {  	[tilespmem:s0+$0x30] =	vst v4;
	v4 =	vadd.f32 v55, v8;
	v8 =	vld [tilespmem:s15+$0xFFFFFF80]  }
0x353: {  	v58 =	vld [tilespmem:s2+$0x40];
	v3 =	vadd.f32 v9, v3  }
0x354: {  	v5 =	vmul.f32 $8.000000000e+00, v6;
	v6 =	vld [tilespmem:s15+$0x80]  }
0x355: {  	[tilespmem:s0+$0x3B0] =	vst v3;
	v3 =	vld [tilespmem:s2+$0xFFFFFEC0]  }
0x356: {  	[tilespmem:s0+$0x230] =	vst v4;
	v4 =	vld [tilespmem:s15+$0x180]  }
0x357: {  	v9 =	vmul.f32 $8.000000000e+00, v10;
	v10 =	vld [tilespmem:s15+$0x280];
	v7 =	vmul.f32 $8.000000000e+00, v7;
	v5 =	vadd.f32 v11, v5  }
0x358: {  	v11 =	vld [tilespmem:s2+$0xC0]  }
0x359: {  	[tilespmem:s0+$0xFFFFFC80] =	vst v5;
	v5 =	vadd.f32 v56, v7;
	v7 =	vld [tilespmem:s10+$0x0]  }
0x35a: {  	v8 =	vmul.f32 $8.000000000e+00, v8;
	v6 =	vmul.f32 $8.000000000e+00, v6;
	v59 =	vld [tilespmem:s15+$0xFFFFFC90];
	v3 =	vadd.f32 v3, v9  }
0x35b: {  	[tilespmem:s0+$0xFFFFFE80] =	vst v5;
	v9 =	vld [tilespmem:s2+$0x140]  }
0x35c: {  	s11 =	sadd.s32 $0xFFFFFD80, s3;
	v4 =	vmul.f32 $8.000000000e+00, v4;
	v5 =	vadd.f32 v58, v6;
	v6 =	vld [tilespmem:s15+$0xFFFFFE90];
	[tilespmem:s0+$0xFFFFFD80] =	vst v3;
	v3 =	vadd.f32 v57, v8  }
0x35d: {  	s30 =	sor.u32 $0x50, s11;
	v8 =	vld [tilespmem:s15+$0xFFFFFD90]  }
0x35e: {  	v10 =	vmul.f32 $8.000000000e+00, v10;
	[tilespmem:s0+$0xFFFFFF80] =	vst v3;
	v3 =	vadd.f32 v11, v4;
	v11 =	vld [tilespmem:s30+$0x0]  }
0x35f: {  	s6 =	sadd.s32 $0xFFFFFC80, s3;
	[tilespmem:s0+$0x80] =	vst v5;
	v2 =	vadd.f32 v7, v2;
	v4 =	vld [tilespmem:s15+$0xFFFFFF90]  }
0x360: {  	s4 =	sor.u32 $0x50, s6;
	v5 =	vadd.f32 v9, v10;
	v9 =	vld [tilespmem:s15+$0x90]  }
0x361: {  	s16 =	sadd.s32 $0xFFFFFE00, s3;
	[tilespmem:s7+$0xB0] =	vst v2;
	v2 =	vld [tilespmem:s4+$0x0]  }
0x362: {  	s29 =	sor.u32 $0x50, s16;
	v10 =	vld [tilespmem:s12+$0x0]  }
0x363: {  	v60 =	vld [tilespmem:s29+$0x0]  }
0x364: {  	[tilespmem:s0+$0x180] =	vst v3;
	v61 =	vld [tilespmem:s31+$0x0]  }
0x365: {  	v3 =	vmul.f32 $8.000000000e+00, v59;
	v7 =	vld [tilespmem:s15+$0x190];
	[tilespmem:s0+$0x280] =	vst v5  }
0x366: {  	v5 =	vmul.f32 $8.000000000e+00, v8;
	v8 =	vld [tilespmem:s15+$0x290]  }
0x367: {  	v6 =	vmul.f32 $8.000000000e+00, v6;
	v2 =	vadd.f32 v2, v3;
	v3 =	vld [tilespmem:s5+$0x0]  }
0x368: {  	v4 =	vmul.f32 $8.000000000e+00, v4;
	v5 =	vadd.f32 v10, v5;
	v10 =	vld [tilespmem:s1+$0x0]  }
0x369: {  	[tilespmem:s0+$0xFFFFFC90] =	vst v2;
	v2 =	vadd.f32 v11, v6;
	v6 =	vld [tilespmem:s9+$0x0]  }
0x36a: {  	v9 =	vmul.f32 $8.000000000e+00, v9;
	[tilespmem:s0+$0xFFFFFD90] =	vst v5;
	v4 =	vadd.f32 v60, v4;
	v11 =	vld [tilespmem:s15+$0xFFFFFCA0]  }
0x36b: {  	v7 =	vmul.f32 $8.000000000e+00, v7;
	v5 =	vld [tilespmem:s15+$0xFFFFFDA0];
	[tilespmem:s0+$0xFFFFFE90] =	vst v2  }
0x36c: {  	v8 =	vmul.f32 $8.000000000e+00, v8;
	v2 =	vadd.f32 v61, v9;
	[tilespmem:s0+$0xFFFFFF90] =	vst v4;
	v9 =	vld [tilespmem:s15+$0xFFFFFEA0]  }
0x36d: {  	s22 =	sor.u32 $0x60, s11;
	v3 =	vadd.f32 v3, v7;
	v4 =	vld [tilespmem:s15+$0xFFFFFFA0]  }
0x36e: {  	[tilespmem:s0+$0x90] =	vst v2;
	v2 =	vadd.f32 v10, v8;
	v10 =	vld [tilespmem:s22+$0x0]  }
0x36f: {  	v7 =	vld [tilespmem:s15+$0xA0];
	[tilespmem:s0+$0x190] =	vst v3;
	v1 =	vadd.f32 v6, v1  }
0x370: {  	s24 =	sor.u32 $0x60, s6;
	v6 =	vld [tilespmem:s15+$0x1A0]  }
0x371: {  	[tilespmem:s7+$0x1B0] =	vst v1;
	v1 =	vld [tilespmem:s24+$0x0]  }
0x372: {  	v8 =	vmul.f32 $8.000000000e+00, v9;
	v9 =	vld [tilespmem:s21+$0x0]  }
0x373: {  	s23 =	sor.u32 $0x60, s16;
	v62 =	vld [tilespmem:s18+$0x0]  }
0x374: {  	v3 =	vmul.f32 $8.000000000e+00, v11;
	[tilespmem:s0+$0x290] =	vst v2;
	v11 =	vld [tilespmem:s23+$0x0]  }
0x375: {  	v2 =	vmul.f32 $8.000000000e+00, v5;
	v5 =	vld [tilespmem:s15+$0x2A0]  }
0x376: {  	v1 =	vadd.f32 v1, v3;
	v3 =	vld [tilespmem:s19+$0x0]  }
0x377: {  	v4 =	vmul.f32 $8.000000000e+00, v4;
	v2 =	vadd.f32 v9, v2;
	v9 =	vld [tilespmem:s25+$0x0]  }
0x378: {  	v7 =	vmul.f32 $8.000000000e+00, v7;
	[tilespmem:s0+$0xFFFFFCA0] =	vst v1;
	v1 =	vadd.f32 v10, v8;
	v8 =	vld [tilespmem:s13+$0x0]  }
0x379: {  	v6 =	vmul.f32 $8.000000000e+00, v6;
	v10 =	vld [tilespmem:s15+$0xFFFFFCB0];
	[tilespmem:s0+$0xFFFFFDA0] =	vst v2;
	v2 =	vadd.f32 v11, v4  }
0x37a: {  	v4 =	vld [tilespmem:s15+$0xFFFFFDB0];
	[tilespmem:s0+$0xFFFFFEA0] =	vst v1;
	v1 =	vadd.f32 v62, v7  }
0x37b: {  	s6 =	sor.u32 $0x70, s6;
	v7 =	vld [tilespmem:s15+$0xFFFFFEB0];
	[tilespmem:s0+$0xFFFFFFA0] =	vst v2;
	v2 =	vadd.f32 v3, v6  }
0x37c: {  	s11 =	sor.u32 $0x70, s11;
	[dreg:$0x6] =	wrdreg s6;
	v6 =	vld [tilespmem:s15+$0xFFFFFFB0];
	[tilespmem:s0+$0xA0] =	vst v1  }
0x37d: {  	s14 =	sadd.s32 $0x10, s14;
	[dreg:$0x9] =	wrdreg s11;
	v5 =	vmul.f32 $8.000000000e+00, v5;
	v11 =	vld [tilespmem:s15+$0xB0];
	[tilespmem:s0+$0x1A0] =	vst v2  }
0x37e: {  	p1 =	slt.u32 s14, $0x50;
	s29 =	rddreg [dreg:$0x5];
	v63 =	vld [tilespmem:s15+$0x1B0]  }
.Ltmp5:
0x37f: {  	s10 =	smov.u32 s28;
	s28 =	rddreg [dreg:$0x6];
	v1 =	vadd.f32 v9, v5;
	v9 =	vld [tilespmem:s29+$0x0];
	(pc) =	sbr.rel @p1 .LBB2_9-.Ltmp5, $4  }
0x380: {  	s16 =	sor.u32 $0x70, s16;
	s30 =	rddreg [dreg:$0x9];
	v0 =	vadd.f32 v8, v0;
	v8 =	vld [tilespmem:s28+$0x0]  }
0x381: {  	[dreg:$0x7] =	wrdreg s16;
	s16 =	simm.s32 $0x196B0;
	s11 =	simm.s32 $0x5E;
	v5 =	vmul.f32 $8.000000000e+00, v10;
	[tilespmem:s0+$0x2A0] =	vst v1;
	v10 =	vld [tilespmem:s30+$0x0];
	v4 =	vmul.f32 $8.000000000e+00, v4  }
0x382: {  	s6 =	simm.s32 $0x1840;
	s31 =	rddreg [dreg:$0x7];
	s9 =	smov.u32 s8;
	v3 =	vld [tilespmem:s15+$0x2B0];
	v7 =	vmul.f32 $8.000000000e+00, v7;
	v6 =	vmul.f32 $8.000000000e+00, v6  }
0x383: {  	s13 =	smov.u32 s26;
	[tilespmem:s7+$0x2B0] =	vst v0;
	s7 =	smov.u32 s0;
	s15 =	sadd.s32 $0x800, s15;
	v2 =	vmul.f32 $8.000000000e+00, v11;
	v11 =	vld [tilespmem:s31+$0x0];
	v1 =	vmul.f32 $8.000000000e+00, v63  }
0x384: {  	v0 =	vld [tilespmem:s10+$0x0]  }
0x385: {  	v59 =	vld [tilespmem:s9+$0x0];
	v4 =	vadd.f32 v9, v4  }
0x386: {  	v60 =	vld [tilespmem:s13+$0x0];
	v5 =	vadd.f32 v8, v5  }
0x387: {  	v61 =	vadd.f32 v10, v7;
	[tilespmem:s0+$0xFFFFFDB0] =	vst v4  }
0x388: {  	[tilespmem:s0+$0xFFFFFCB0] =	vst v5;
	v62 =	vadd.f32 v11, v6  }
0x389: {  	v3 =	vmul.f32 $8.000000000e+00, v3;
	[tilespmem:s0+$0xFFFFFEB0] =	vst v61;
	v0 =	vadd.f32 v0, v2  }
0x38a: {  	v1 =	vadd.f32 v59, v1;
	[tilespmem:s0+$0xFFFFFFB0] =	vst v62  }
0x38b: {  	v63 =	vadd.f32 v60, v3;
	[tilespmem:s7+$0xB0] =	vst v0  }
0x38c: {  	[tilespmem:s7+$0x1B0] =	vst v1  }
0x38d: {  	s2 =	simm.s32 $0x12EB0;
	s0 =	simm.s32 $0x1840;
	[tilespmem:s7+$0x2B0] =	vst v63  }
.LBB2_11:
0x38e: {  	v0 =	vld [tilespmem:s2+$0xFFFFFF50];
	_ =	sdelay $0x1  }
0x38f: {  	v1 =	vld [tilespmem:s0+$0xFFFFFFC0];
	_ =	sdelay $0x2  }
0x390: {  	v0 =	vmul.f32 $8.000000000e+00, v0;
	_ =	sdelay $0x1  }
0x391: {  	v0 =	vadd.f32 v1, v0;
	_ =	sdelay $0x1  }
0x392: {  	[tilespmem:s16+$0xFFFFFF50] =	vst v0  }
0x393: {  	v0 =	vld [tilespmem:s2+$0xFFFFFF60];
	_ =	sdelay $0x1  }
0x394: {  	v57 =	vld [tilespmem:s0+$0xFFFFFFD0];
	_ =	sdelay $0x2  }
0x395: {  	v0 =	vmul.f32 $8.000000000e+00, v0;
	_ =	sdelay $0x1  }
0x396: {  	v0 =	vadd.f32 v57, v0;
	_ =	sdelay $0x1  }
0x397: {  	[tilespmem:s16+$0xFFFFFF60] =	vst v0  }
0x398: {  	v0 =	vld [tilespmem:s2+$0xFFFFFF70];
	_ =	sdelay $0x1  }
0x399: {  	v58 =	vld [tilespmem:s0+$0xFFFFFFE0];
	_ =	sdelay $0x2  }
0x39a: {  	v0 =	vmul.f32 $8.000000000e+00, v0;
	_ =	sdelay $0x1  }
0x39b: {  	v0 =	vadd.f32 v58, v0;
	_ =	sdelay $0x1  }
0x39c: {  	[tilespmem:s16+$0xFFFFFF70] =	vst v0  }
0x39d: {  	v0 =	vld [tilespmem:s2+$0xFFFFFF80];
	_ =	sdelay $0x1  }
0x39e: {  	v59 =	vld [tilespmem:s0+$0xFFFFFFF0];
	_ =	sdelay $0x2  }
0x39f: {  	v0 =	vmul.f32 $8.000000000e+00, v0;
	_ =	sdelay $0x1  }
0x3a0: {  	v0 =	vadd.f32 v59, v0;
	_ =	sdelay $0x1  }
0x3a1: {  	[tilespmem:s16+$0xFFFFFF80] =	vst v0  }
0x3a2: {  	v0 =	vld [tilespmem:s2+$0xFFFFFFD0];
	_ =	sdelay $0x1  }
0x3a3: {  	v60 =	vld [tilespmem:s0+$0x0];
	_ =	sdelay $0x2  }
0x3a4: {  	v0 =	vmul.f32 $8.000000000e+00, v0;
	_ =	sdelay $0x1  }
0x3a5: {  	v0 =	vadd.f32 v60, v0;
	_ =	sdelay $0x1  }
0x3a6: {  	[tilespmem:s16+$0xFFFFFFD0] =	vst v0  }
0x3a7: {  	v0 =	vld [tilespmem:s2+$0xFFFFFFE0]  }
0x3a8: {  	s1 =	sor.u32 $0x50, s6  }
0x3a9: {  	v61 =	vld [tilespmem:s1+$0x0];
	_ =	sdelay $0x2  }
0x3aa: {  	v0 =	vmul.f32 $8.000000000e+00, v0;
	_ =	sdelay $0x1  }
0x3ab: {  	v0 =	vadd.f32 v61, v0;
	_ =	sdelay $0x1  }
0x3ac: {  	[tilespmem:s16+$0xFFFFFFE0] =	vst v0  }
0x3ad: {  	v0 =	vld [tilespmem:s2+$0xFFFFFFF0]  }
0x3ae: {  	s30 =	sor.u32 $0x60, s6  }
0x3af: {  	v62 =	vld [tilespmem:s30+$0x0];
	_ =	sdelay $0x2  }
0x3b0: {  	v0 =	vmul.f32 $8.000000000e+00, v0;
	_ =	sdelay $0x1  }
0x3b1: {  	v0 =	vadd.f32 v62, v0;
	_ =	sdelay $0x1  }
0x3b2: {  	[tilespmem:s16+$0xFFFFFFF0] =	vst v0  }
0x3b3: {  	v0 =	vld [tilespmem:s2+$0x0]  }
0x3b4: {  	s31 =	sor.u32 $0x70, s6  }
0x3b5: {  	v63 =	vld [tilespmem:s31+$0x0]  }
0x3b6: {  	s11 =	sadd.s32 $0x2, s11  }
0x3b7: {  	p1 =	slt.u32 s11, $0x66  }
.Ltmp6:
0x3b8: {  	v0 =	vmul.f32 $8.000000000e+00, v0;
	(pc) =	sbr.rel @p1 .LBB2_11-.Ltmp6, $4  }
0x3b9: {  	_ = 	snop  }
0x3ba: {  	v0 =	vadd.f32 v63, v0  }
0x3bb: {  	s6 =	sadd.s32 $0x80, s6  }
0x3bc: {  	s0 =	sadd.s32 $0x80, s0;
	s2 =	sadd.s32 $0x100, s2;
	[tilespmem:s16+$0x0] =	vst v0;
	s16 =	sadd.s32 $0x100, s16  }
0x3bd: {  	s0 =	rddreg [dreg:$0x11]  }
0x3be: {  	s0 =	sor.u32 $0x1, s0  }
0x3bf: {  	s11 =	rddreg [dreg:$0xa];
	s1 =	smul.u32 $0xC80, s0  }
0x3c0: {  	s10 =	simm.s32 $0x0;
	s2 =	simm.s32 $0x16600;
	s4 =	rddreg [dreg:$0x10]  }
0x3c1: {  	s3 =	simm.s32 @!p0 $0xCA00;
	s6 =	rddreg [dreg:$0x1];
	s1 =	sadd.s32 s11, s1  }
0x3c2: {  	[hbm4b:s1+s10] =	stream.linear.scatter [tilespmem:s2], [sflag:$0x5], $0x3400, $0x38;
	[tilespmem:$0x1CE00] =	vst v63  }
0x3c3: {  	s28 =	simm.s32 $0x4;
	s1 =	sadd.s32 @!p0 $0x33F8, s4;
	s2 =	simm.s32 @!p0 $0x60  }
0x3c4: {  	[tilespmem:s3], [sflag:$0x2] =	stream.indirect.gather @!p0 [hbm4b:s6+s2], $0x80, s1, s2, $0xb8;
	[tilespmem:$0x1CE00] =	vst v63  }
0x3c5: {  	_ =	swait.ge [sflag:s28], $0x3000  }
0x3c6: {  	[sflag:s28] =	ssyncset.done $0x0  }
0x3c7: {  	s29 =	simm.s32 $0x6;
	[sflag:s28] =	ssyncadd.s32 $0xFFFFD000  }
0x3c8: {  	_ =	swait.ge [sflag:s29], $0x3000  }
0x3c9: {  	[sflag:s29] =	ssyncset.done $0x0  }
0x3ca: {  	s30 =	simm.s32 $0x13600;
	[sflag:s29] =	ssyncadd.s32 $0xFFFFD000  }
0x3cb: {  	v0 =	vld [tilespmem:s30+$0x300]  }
0x3cc: {  	s31 =	simm.s32 $0x1DF0;
	v1 =	vld [tilespmem:s30+$0xFFFFFD00]  }
0x3cd: {  	v2 =	vld [tilespmem:s31+$0xFFFFFF90]  }
0x3ce: {  	v3 =	vld [tilespmem:s30+$0xFFFFFE00]  }
0x3cf: {  	v4 =	vld [tilespmem:s30+$0xFFFFFF00]  }
0x3d0: {  	v5 =	vld [tilespmem:s30+$0x0]  }
0x3d1: {  	v6 =	vld [tilespmem:s30+$0x100]  }
0x3d2: {  	v8 =	vld [tilespmem:s31+$0xFFFFFC10];
	v0 =	vmul.f32 $8.000000000e+00, v0  }
0x3d3: {  	v9 =	vld [tilespmem:s31+$0xFFFFFC90]  }
0x3d4: {  	v12 =	vld [tilespmem:s31+$0xFFFFFD90];
	v0 =	vadd.f32 v2, v0  }
0x3d5: {  	s2 =	simm.s32 $0x19E00;
	v2 =	vld [tilespmem:s30+$0xFFFFFC00]  }
0x3d6: {  	v11 =	vld [tilespmem:s31+$0xFFFFFD10];
	v1 =	vmul.f32 $8.000000000e+00, v1;
	[tilespmem:s2+$0x300] =	vst v0  }
0x3d7: {  	v4 =	vmul.f32 $8.000000000e+00, v4;
	v0 =	vld [tilespmem:s30+$0x310]  }
0x3d8: {  	v7 =	vld [tilespmem:s30+$0x200];
	v1 =	vadd.f32 v9, v1  }
0x3d9: {  	v3 =	vmul.f32 $8.000000000e+00, v3;
	v4 =	vadd.f32 v12, v4;
	v10 =	vld [tilespmem:s31+$0xFFFFFFA0]  }
0x3da: {  	v9 =	vld [tilespmem:s31+$0xFFFFFE90];
	[tilespmem:s2+$0xFFFFFD00] =	vst v1;
	v2 =	vmul.f32 $8.000000000e+00, v2  }
0x3db: {  	v1 =	vadd.f32 v11, v3;
	v3 =	vmul.f32 $8.000000000e+00, v5;
	[tilespmem:s2+$0xFFFFFF00] =	vst v4;
	v5 =	vld [tilespmem:s30+$0xFFFFFD10]  }
0x3dc: {  	v11 =	vld [tilespmem:s31+$0xFFFFFDA0];
	v2 =	vadd.f32 v8, v2;
	v0 =	vmul.f32 $8.000000000e+00, v0  }
0x3dd: {  	v8 =	vld [tilespmem:s31+$0xFFFFFE10]  }
0x3de: {  	[tilespmem:s2+$0xFFFFFC00] =	vst v2;
	v2 =	vld [tilespmem:s31+$0xFFFFFF10];
	v0 =	vadd.f32 v10, v0  }
0x3df: {  	[tilespmem:s2+$0xFFFFFE00] =	vst v1;
	v10 =	vld [tilespmem:s30+$0xFFFFFC10]  }
0x3e0: {  	[tilespmem:s2+$0x310] =	vst v0;
	v0 =	vmul.f32 $8.000000000e+00, v6;
	v6 =	vmul.f32 $8.000000000e+00, v7;
	v7 =	vld [tilespmem:s30+$0xFFFFFE10]  }
0x3e1: {  	v1 =	vld [tilespmem:s30+$0x320]  }
0x3e2: {  	v3 =	vadd.f32 v8, v3;
	v8 =	vld [tilespmem:s31+$0xFFFFFC20]  }
0x3e3: {  	v4 =	vld [tilespmem:s31+$0xFFFFFFB0]  }
0x3e4: {  	v0 =	vadd.f32 v9, v0;
	[tilespmem:s2+$0x0] =	vst v3;
	v3 =	vld [tilespmem:s30+$0xFFFFFF10]  }
0x3e5: {  	v2 =	vadd.f32 v2, v6;
	v9 =	vld [tilespmem:s31+$0xFFFFFD20]  }
0x3e6: {  	[tilespmem:s2+$0x100] =	vst v0;
	v0 =	vld [tilespmem:s30+$0x10];
	v1 =	vmul.f32 $8.000000000e+00, v1  }
0x3e7: {  	v10 =	vmul.f32 $8.000000000e+00, v10;
	[tilespmem:s2+$0x200] =	vst v2;
	v2 =	vld [tilespmem:s30+$0x110]  }
0x3e8: {  	v6 =	vld [tilespmem:s30+$0x210];
	v1 =	vadd.f32 v4, v1  }
0x3e9: {  	v7 =	vmul.f32 $8.000000000e+00, v7;
	v8 =	vadd.f32 v8, v10;
	v10 =	vld [tilespmem:s31+$0xFFFFFE20]  }
0x3ea: {  	v4 =	vld [tilespmem:s31+$0xFFFFFCA0];
	[tilespmem:s2+$0x320] =	vst v1  }
0x3eb: {  	v7 =	vadd.f32 v9, v7;
	v1 =	vld [tilespmem:s30+$0x330]  }
0x3ec: {  	v3 =	vmul.f32 $8.000000000e+00, v3;
	[tilespmem:s2+$0xFFFFFC10] =	vst v8;
	v8 =	vld [tilespmem:s31+$0xFFFFFF20]  }
0x3ed: {  	v5 =	vmul.f32 $8.000000000e+00, v5;
	v0 =	vmul.f32 $8.000000000e+00, v0;
	[tilespmem:s2+$0xFFFFFE10] =	vst v7;
	v57 =	vld [tilespmem:s31+$0xFFFFFFC0]  }
0x3ee: {  	v3 =	vadd.f32 v11, v3;
	v9 =	vld [tilespmem:s30+$0xFFFFFE20]  }
0x3ef: {  	v0 =	vadd.f32 v10, v0;
	v4 =	vadd.f32 v4, v5;
	v5 =	vld [tilespmem:s31+$0xFFFFFEA0]  }
0x3f0: {  	v11 =	vld [tilespmem:s31+$0xFFFFFD30];
	[tilespmem:s2+$0xFFFFFF10] =	vst v3;
	v1 =	vmul.f32 $8.000000000e+00, v1  }
0x3f1: {  	v3 =	vmul.f32 $8.000000000e+00, v6;
	v6 =	vld [tilespmem:s30+$0xFFFFFF20];
	[tilespmem:s2+$0x10] =	vst v0  }
0x3f2: {  	v2 =	vmul.f32 $8.000000000e+00, v2;
	[tilespmem:s2+$0xFFFFFD10] =	vst v4;
	v4 =	vld [tilespmem:s30+$0xFFFFFC20];
	v1 =	vadd.f32 v57, v1  }
0x3f3: {  	v58 =	vld [tilespmem:s31+$0xFFFFFE30]  }
0x3f4: {  	[tilespmem:s2+$0x330] =	vst v1;
	v1 =	vadd.f32 v5, v2;
	v2 =	vadd.f32 v8, v3;
	v8 =	vld [tilespmem:s31+$0xFFFFFC30]  }
0x3f5: {  	v7 =	vld [tilespmem:s30+$0xFFFFFD20]  }
0x3f6: {  	v0 =	vld [tilespmem:s30+$0x380];
	[tilespmem:s2+$0x110] =	vst v1  }
0x3f7: {  	v4 =	vmul.f32 $8.000000000e+00, v4;
	[tilespmem:s2+$0x210] =	vst v2;
	v2 =	vld [tilespmem:s30+$0x120]  }
0x3f8: {  	v1 =	vld [tilespmem:s31+$0xFFFFFFD0]  }
0x3f9: {  	v4 =	vadd.f32 v8, v4;
	v8 =	vld [tilespmem:s31+$0xFFFFFEB0]  }
0x3fa: {  	v9 =	vmul.f32 $8.000000000e+00, v9;
	v3 =	vld [tilespmem:s30+$0x20]  }
0x3fb: {  	v10 =	vld [tilespmem:s31+$0xFFFFFCB0];
	v0 =	vmul.f32 $8.000000000e+00, v0  }
0x3fc: {  	v5 =	vld [tilespmem:s30+$0x220];
	[tilespmem:s2+$0xFFFFFC20] =	vst v4;
	v4 =	vadd.f32 v11, v9;
	v2 =	vmul.f32 $8.000000000e+00, v2  }
0x3fd: {  	v0 =	vadd.f32 v1, v0;
	v1 =	vld [tilespmem:s31+$0xFFFFFDB0]  }
0x3fe: {  	[tilespmem:s2+$0xFFFFFE20] =	vst v4;
	v2 =	vadd.f32 v8, v2;
	v8 =	vld [tilespmem:s31+$0xFFFFFC40]  }
0x3ff: {  	v3 =	vmul.f32 $8.000000000e+00, v3;
	[tilespmem:s2+$0x380] =	vst v0;
	v11 =	vld [tilespmem:s31+$0xFFFFFD40]  }
0x400: {  	v0 =	vmul.f32 $8.000000000e+00, v7;
	v7 =	vld [tilespmem:s30+$0x390]  }
0x401: {  	v3 =	vadd.f32 v58, v3;
	v9 =	vld [tilespmem:s31+$0xFFFFFFE0]  }
0x402: {  	v6 =	vmul.f32 $8.000000000e+00, v6;
	v0 =	vadd.f32 v10, v0;
	v10 =	vld [tilespmem:s31+$0xFFFFFF30];
	[tilespmem:s2+$0x120] =	vst v2  }
0x403: {  	[tilespmem:s2+$0x20] =	vst v3;
	v2 =	vld [tilespmem:s30+$0x130]  }
0x404: {  	[tilespmem:s2+$0xFFFFFD20] =	vst v0;
	v0 =	vadd.f32 v1, v6;
	v1 =	vld [tilespmem:s30+$0xFFFFFC30]  }
0x405: {  	v6 =	vld [tilespmem:s30+$0x30]  }
0x406: {  	v4 =	vld [tilespmem:s30+$0xFFFFFD30]  }
0x407: {  	v5 =	vmul.f32 $8.000000000e+00, v5;
	[tilespmem:s2+$0xFFFFFF20] =	vst v0;
	v0 =	vld [tilespmem:s30+$0xFFFFFE30]  }
0x408: {  	v3 =	vld [tilespmem:s30+$0xFFFFFF30]  }
0x409: {  	v7 =	vmul.f32 $8.000000000e+00, v7;
	v5 =	vadd.f32 v10, v5;
	v10 =	vld [tilespmem:s31+$0xFFFFFCC0]  }
0x40a: {  	v59 =	vld [tilespmem:s31+$0xFFFFFDC0]  }
0x40b: {  	v7 =	vadd.f32 v9, v7;
	v9 =	vld [tilespmem:s31+$0xFFFFFE40];
	[tilespmem:s2+$0x220] =	vst v5  }
0x40c: {  	v1 =	vmul.f32 $8.000000000e+00, v1;
	v5 =	vld [tilespmem:s30+$0x230]  }
0x40d: {  	v4 =	vmul.f32 $8.000000000e+00, v4;
	[tilespmem:s2+$0x390] =	vst v7;
	v7 =	vld [tilespmem:s31+$0xFFFFFF40]  }
0x40e: {  	v0 =	vmul.f32 $8.000000000e+00, v0;
	v1 =	vadd.f32 v8, v1;
	v8 =	vld [tilespmem:s31+$0xFFFFFEC0]  }
0x40f: {  	v13 =	vld [tilespmem:s31+$0xFFFFFFF0];
	v3 =	vmul.f32 $8.000000000e+00, v3;
	v4 =	vadd.f32 v10, v4  }
0x410: {  	v10 =	vld [tilespmem:s30+$0x3A0];
	[tilespmem:s2+$0xFFFFFC30] =	vst v1;
	v0 =	vadd.f32 v11, v0  }
0x411: {  	v1 =	vmul.f32 $8.000000000e+00, v2;
	v2 =	vld [tilespmem:s30+$0xFFFFFC80];
	[tilespmem:s2+$0xFFFFFD30] =	vst v4;
	v3 =	vadd.f32 v59, v3  }
0x412: {  	v6 =	vmul.f32 $8.000000000e+00, v6;
	v4 =	vmul.f32 $8.000000000e+00, v5;
	[tilespmem:s2+$0xFFFFFE30] =	vst v0;
	v5 =	vld [tilespmem:s30+$0xFFFFFD80]  }
0x413: {  	[tilespmem:s2+$0xFFFFFF30] =	vst v3;
	v3 =	vld [tilespmem:s30+$0xFFFFFE80]  }
0x414: {  	v0 =	vadd.f32 v9, v6;
	v1 =	vadd.f32 v8, v1;
	v8 =	vld [tilespmem:s31+$0xFFFFFCD0]  }
0x415: {  	v9 =	vld [tilespmem:s31+$0xFFFFFD50]  }
0x416: {  	[tilespmem:s2+$0x30] =	vst v0;
	v0 =	vadd.f32 v7, v4;
	v4 =	vld [tilespmem:s30+$0xFFFFFF80]  }
0x417: {  	v7 =	vld [tilespmem:s31+$0xFFFFFC50]  }
0x418: {  	v11 =	vld [tilespmem:s31+$0xFFFFFDD0]  }
0x419: {  	[tilespmem:s2+$0x130] =	vst v1;
	v1 =	vld [tilespmem:s30+$0x80]  }
0x41a: {  	v60 =	vld [tilespmem:s31+$0xFFFFFE50];
	[tilespmem:s2+$0x230] =	vst v0;
	v2 =	vmul.f32 $8.000000000e+00, v2  }
0x41b: {  	v6 =	vld [tilespmem:s30+$0x280];
	v5 =	vmul.f32 $8.000000000e+00, v5  }
0x41c: {  	v0 =	vld [tilespmem:s30+$0x180];
	v3 =	vmul.f32 $8.000000000e+00, v3;
	v2 =	vadd.f32 v7, v2  }
0x41d: {  	v7 =	vld [tilespmem:s31+$0xFFFFFED0];
	v4 =	vmul.f32 $8.000000000e+00, v4;
	v5 =	vadd.f32 v8, v5  }
0x41e: {  	v8 =	vld [tilespmem:s31+$0xFFFFFF50];
	[tilespmem:s2+$0xFFFFFC80] =	vst v2;
	v2 =	vadd.f32 v9, v3  }
0x41f: {  	[tilespmem:s2+$0xFFFFFD80] =	vst v5;
	v4 =	vadd.f32 v11, v4;
	v3 =	vld [tilespmem:s30+$0xFFFFFC90]  }
0x420: {  	v1 =	vmul.f32 $8.000000000e+00, v1;
	v5 =	vmul.f32 $8.000000000e+00, v6;
	v6 =	vld [tilespmem:s30+$0xFFFFFD90];
	[tilespmem:s2+$0xFFFFFE80] =	vst v2  }
0x421: {  	v0 =	vmul.f32 $8.000000000e+00, v0;
	[tilespmem:s2+$0xFFFFFF80] =	vst v4;
	v2 =	vld [tilespmem:s30+$0xFFFFFE90]  }
0x422: {  	v1 =	vadd.f32 v60, v1;
	v4 =	vld [tilespmem:s30+$0xFFFFFF90]  }
0x423: {  	v0 =	vadd.f32 v7, v0;
	v7 =	vld [tilespmem:s31+$0xFFFFFC60]  }
0x424: {  	v9 =	vmul.f32 $8.000000000e+00, v10;
	[tilespmem:s2+$0x80] =	vst v1;
	v1 =	vadd.f32 v8, v5;
	v8 =	vld [tilespmem:s31+$0xFFFFFCE0]  }
0x425: {  	v10 =	vld [tilespmem:s31+$0xFFFFFD60]  }
0x426: {  	v9 =	vadd.f32 v13, v9;
	v11 =	vld [tilespmem:s31+$0xFFFFFDE0]  }
0x427: {  	v5 =	vld [tilespmem:s30+$0x90]  }
0x428: {  	v61 =	vld [tilespmem:s31+$0xFFFFFE60];
	[tilespmem:s2+$0x3A0] =	vst v9  }
0x429: {  	[tilespmem:s2+$0x180] =	vst v0;
	v9 =	vld [tilespmem:s30+$0x3B0];
	v3 =	vmul.f32 $8.000000000e+00, v3  }
0x42a: {  	[tilespmem:s2+$0x280] =	vst v1;
	v0 =	vld [tilespmem:s30+$0x190];
	v6 =	vmul.f32 $8.000000000e+00, v6  }
0x42b: {  	v1 =	vld [tilespmem:s30+$0x290];
	v2 =	vmul.f32 $8.000000000e+00, v2;
	v3 =	vadd.f32 v7, v3  }
0x42c: {  	v7 =	vld [tilespmem:s31+$0xFFFFFEE0];
	v4 =	vmul.f32 $8.000000000e+00, v4;
	v6 =	vadd.f32 v8, v6  }
0x42d: {  	v8 =	vld [tilespmem:s31+$0xFFFFFF60];
	[tilespmem:s2+$0xFFFFFC90] =	vst v3;
	v2 =	vadd.f32 v10, v2  }
0x42e: {  	v5 =	vmul.f32 $8.000000000e+00, v5;
	[tilespmem:s2+$0xFFFFFD90] =	vst v6;
	v4 =	vadd.f32 v11, v4;
	v3 =	vld [tilespmem:s30+$0xFFFFFCA0]  }
0x42f: {  	v6 =	vld [tilespmem:s30+$0xFFFFFDA0];
	[tilespmem:s2+$0xFFFFFE90] =	vst v2  }
0x430: {  	v0 =	vmul.f32 $8.000000000e+00, v0;
	v2 =	vadd.f32 v61, v5;
	[tilespmem:s2+$0xFFFFFF90] =	vst v4;
	v5 =	vld [tilespmem:s30+$0xFFFFFEA0]  }
0x431: {  	v1 =	vmul.f32 $8.000000000e+00, v1;
	v4 =	vld [tilespmem:s30+$0xFFFFFFA0]  }
0x432: {  	v0 =	vadd.f32 v7, v0;
	v7 =	vld [tilespmem:s31+$0xFFFFFC70]  }
0x433: {  	v1 =	vadd.f32 v8, v1;
	v8 =	vld [tilespmem:s31+$0xFFFFFCF0]  }
0x434: {  	v10 =	vld [tilespmem:s31+$0xFFFFFD70]  }
0x435: {  	v11 =	vld [tilespmem:s31+$0xFFFFFDF0];
	[tilespmem:s2+$0x90] =	vst v2  }
0x436: {  	v2 =	vld [tilespmem:s30+$0xA0]  }
0x437: {  	[tilespmem:s2+$0x190] =	vst v0;
	v62 =	vld [tilespmem:s31+$0xFFFFFE70]  }
0x438: {  	[tilespmem:s2+$0x290] =	vst v1;
	v0 =	vld [tilespmem:s30+$0x1A0];
	v3 =	vmul.f32 $8.000000000e+00, v3  }
0x439: {  	v1 =	vld [tilespmem:s30+$0x2A0];
	v6 =	vmul.f32 $8.000000000e+00, v6  }
0x43a: {  	v5 =	vmul.f32 $8.000000000e+00, v5;
	v3 =	vadd.f32 v7, v3;
	v7 =	vld [tilespmem:s31+$0xFFFFFEF0]  }
0x43b: {  	v4 =	vmul.f32 $8.000000000e+00, v4;
	v6 =	vadd.f32 v8, v6;
	v8 =	vld [tilespmem:s31+$0xFFFFFF70]  }
0x43c: {  	v63 =	vld [tilespmem:s31+$0x0];
	v2 =	vmul.f32 $8.000000000e+00, v2;
	[tilespmem:s2+$0xFFFFFCA0] =	vst v3;
	v3 =	vadd.f32 v10, v5  }
0x43d: {  	[tilespmem:s2+$0xFFFFFDA0] =	vst v6;
	v4 =	vadd.f32 v11, v4;
	v0 =	vmul.f32 $8.000000000e+00, v0;
	v5 =	vld [tilespmem:s30+$0xFFFFFCB0]  }
0x43e: {  	v1 =	vmul.f32 $8.000000000e+00, v1;
	v6 =	vld [tilespmem:s30+$0xFFFFFDB0];
	[tilespmem:s2+$0xFFFFFEA0] =	vst v3;
	v2 =	vadd.f32 v62, v2  }
0x43f: {  	[tilespmem:s2+$0xFFFFFFA0] =	vst v4;
	v10 =	vld [tilespmem:s30+$0xFFFFFEB0];
	v0 =	vadd.f32 v7, v0  }
0x440: {  	v4 =	vld [tilespmem:s30+$0xFFFFFFB0];
	v1 =	vadd.f32 v8, v1;
	[tilespmem:s2+$0xA0] =	vst v2  }
0x441: {  	v2 =	vld [tilespmem:s30+$0xB0];
	[tilespmem:s2+$0x1A0] =	vst v0  }
0x442: {  	[tilespmem:s2+$0x2A0] =	vst v1;
	v11 =	vld [tilespmem:s30+$0x1B0]  }
0x443: {  	v1 =	vmul.f32 $8.000000000e+00, v9;
	v0 =	vld [tilespmem:s30+$0x2B0]  }
0x444: {  	v7 =	vld [tilespmem:s31+$0xFFFFFC80]  }
0x445: {  	v8 =	vld [tilespmem:s31+$0xFFFFFD00];
	v5 =	vmul.f32 $8.000000000e+00, v5;
	v3 =	vmul.f32 $8.000000000e+00, v6;
	v1 =	vadd.f32 v63, v1  }
0x446: {  	s7 =	simm.s32 $0x0;
	v9 =	vld [tilespmem:s31+$0xFFFFFD80];
	v6 =	vmul.f32 $8.000000000e+00, v10;
	v4 =	vmul.f32 $8.000000000e+00, v4  }
0x447: {  	s9 =	simm.s32 $0x13E00;
	s8 =	simm.s32 $0x1DF0;
	s3 =	simm.s32 $0x19E00;
	v10 =	vld [tilespmem:s31+$0xFFFFFE00];
	[tilespmem:s2+$0x3B0] =	vst v1;
	v2 =	vmul.f32 $8.000000000e+00, v2;
	v1 =	vmul.f32 $8.000000000e+00, v11  }
.LBB2_13:
0x448: {  	v11 =	vld [tilespmem:s9+$0x300];
	s7 =	sadd.s32 $0x10, s7;
	v0 =	vmul.f32 $8.000000000e+00, v0  }
0x449: {  	s31 =	sadd.s32 $0x400, s31;
	v12 =	vld [tilespmem:s9+$0xFFFFFD00];
	p1 =	slt.u32 s7, $0x50;
	v5 =	vadd.f32 v7, v5  }
0x44a: {  	v7 =	vld [tilespmem:s31+$0xFFFFFF90];
	v3 =	vadd.f32 v8, v3  }
0x44b: {  	v8 =	vld [tilespmem:s9+$0xFFFFFE00];
	[tilespmem:s2+$0xFFFFFCB0] =	vst v5;
	v5 =	vadd.f32 v9, v6  }
0x44c: {  	v6 =	vld [tilespmem:s9+$0xFFFFFF00];
	[tilespmem:s2+$0xFFFFFDB0] =	vst v3;
	v3 =	vadd.f32 v10, v4  }
0x44d: {  	v4 =	vld [tilespmem:s9+$0x0];
	v9 =	vmul.f32 $8.000000000e+00, v11;
	[tilespmem:s2+$0xFFFFFEB0] =	vst v5  }
0x44e: {  	v5 =	vmul.f32 $8.000000000e+00, v12;
	v10 =	vld [tilespmem:s9+$0x100];
	[tilespmem:s2+$0xFFFFFFB0] =	vst v3  }
0x44f: {  	v3 =	vld [tilespmem:s9+$0x200];
	v7 =	vadd.f32 v7, v9  }
0x450: {  	s2 =	sadd.s32 $0x800, s2;
	v9 =	vld [tilespmem:s9+$0xFFFFFC00];
	v8 =	vmul.f32 $8.000000000e+00, v8  }
0x451: {  	v11 =	vld [tilespmem:s31+$0xFFFFFC10];
	v6 =	vmul.f32 $8.000000000e+00, v6;
	[tilespmem:s2+$0x300] =	vst v7  }
0x452: {  	v4 =	vmul.f32 $8.000000000e+00, v4;
	v7 =	vld [tilespmem:s9+$0x310]  }
0x453: {  	v12 =	vld [tilespmem:s31+$0xFFFFFC90];
	v10 =	vmul.f32 $8.000000000e+00, v10  }
0x454: {  	v3 =	vmul.f32 $8.000000000e+00, v3;
	v13 =	vld [tilespmem:s31+$0xFFFFFFA0]  }
0x455: {  	v9 =	vmul.f32 $8.000000000e+00, v9;
	v14 =	vld [tilespmem:s31+$0xFFFFFD10]  }
0x456: {  	v15 =	vld [tilespmem:s31+$0xFFFFFD90]  }
0x457: {  	v9 =	vadd.f32 v11, v9;
	v11 =	vld [tilespmem:s31+$0xFFFFFE10];
	v7 =	vmul.f32 $8.000000000e+00, v7  }
0x458: {  	v5 =	vadd.f32 v12, v5;
	v12 =	vld [tilespmem:s31+$0xFFFFFE90]  }
0x459: {  	[tilespmem:s2+$0xFFFFFC00] =	vst v9;
	v9 =	vld [tilespmem:s31+$0xFFFFFF10];
	v7 =	vadd.f32 v13, v7  }
0x45a: {  	v13 =	vld [tilespmem:s9+$0xFFFFFC10];
	[tilespmem:s2+$0xFFFFFD00] =	vst v5;
	v5 =	vadd.f32 v14, v8  }
0x45b: {  	v8 =	vld [tilespmem:s9+$0xFFFFFD10];
	v6 =	vadd.f32 v15, v6;
	[tilespmem:s2+$0x310] =	vst v7  }
0x45c: {  	[tilespmem:s2+$0xFFFFFE00] =	vst v5;
	v4 =	vadd.f32 v11, v4;
	v5 =	vld [tilespmem:s9+$0x320]  }
0x45d: {  	v7 =	vld [tilespmem:s9+$0xFFFFFE10];
	[tilespmem:s2+$0xFFFFFF00] =	vst v6;
	v6 =	vadd.f32 v12, v10  }
0x45e: {  	[tilespmem:s2+$0x0] =	vst v4;
	v3 =	vadd.f32 v9, v3;
	v4 =	vld [tilespmem:s31+$0xFFFFFFB0]  }
0x45f: {  	v9 =	vmul.f32 $8.000000000e+00, v13;
	v10 =	vld [tilespmem:s9+$0xFFFFFF10];
	[tilespmem:s2+$0x100] =	vst v6  }
0x460: {  	v6 =	vmul.f32 $8.000000000e+00, v8;
	v8 =	vld [tilespmem:s9+$0x10];
	[tilespmem:s2+$0x200] =	vst v3  }
0x461: {  	v3 =	vld [tilespmem:s9+$0x110];
	v5 =	vmul.f32 $8.000000000e+00, v5  }
0x462: {  	v7 =	vmul.f32 $8.000000000e+00, v7;
	v11 =	vld [tilespmem:s9+$0x210]  }
0x463: {  	v12 =	vld [tilespmem:s31+$0xFFFFFC20];
	v4 =	vadd.f32 v4, v5  }
0x464: {  	v5 =	vld [tilespmem:s31+$0xFFFFFCA0];
	v10 =	vmul.f32 $8.000000000e+00, v10  }
0x465: {  	v13 =	vld [tilespmem:s31+$0xFFFFFD20];
	v8 =	vmul.f32 $8.000000000e+00, v8;
	[tilespmem:s2+$0x320] =	vst v4  }
0x466: {  	v3 =	vmul.f32 $8.000000000e+00, v3;
	v4 =	vld [tilespmem:s9+$0x330]  }
0x467: {  	v14 =	vld [tilespmem:s31+$0xFFFFFDA0];
	v11 =	vmul.f32 $8.000000000e+00, v11  }
0x468: {  	v9 =	vadd.f32 v12, v9;
	v12 =	vld [tilespmem:s31+$0xFFFFFFC0]  }
0x469: {  	v5 =	vadd.f32 v5, v6;
	v6 =	vld [tilespmem:s31+$0xFFFFFE20]  }
0x46a: {  	[tilespmem:s2+$0xFFFFFC10] =	vst v9;
	v7 =	vadd.f32 v13, v7;
	v9 =	vld [tilespmem:s31+$0xFFFFFEA0]  }
0x46b: {  	[tilespmem:s2+$0xFFFFFD10] =	vst v5;
	v5 =	vld [tilespmem:s31+$0xFFFFFF20];
	v4 =	vmul.f32 $8.000000000e+00, v4  }
0x46c: {  	v13 =	vld [tilespmem:s9+$0xFFFFFC20];
	[tilespmem:s2+$0xFFFFFE10] =	vst v7;
	v7 =	vadd.f32 v14, v10  }
0x46d: {  	v10 =	vld [tilespmem:s9+$0xFFFFFD20];
	v4 =	vadd.f32 v12, v4  }
0x46e: {  	v12 =	vld [tilespmem:s9+$0xFFFFFE20];
	[tilespmem:s2+$0xFFFFFF10] =	vst v7;
	v6 =	vadd.f32 v6, v8  }
0x46f: {  	v7 =	vld [tilespmem:s9+$0xFFFFFF20];
	v3 =	vadd.f32 v9, v3;
	[tilespmem:s2+$0x330] =	vst v4  }
0x470: {  	[tilespmem:s2+$0x10] =	vst v6;
	v4 =	vadd.f32 v5, v11;
	v5 =	vld [tilespmem:s9+$0x380]  }
0x471: {  	v6 =	vmul.f32 $8.000000000e+00, v13;
	v8 =	vld [tilespmem:s9+$0x20];
	[tilespmem:s2+$0x110] =	vst v3  }
0x472: {  	v3 =	vmul.f32 $8.000000000e+00, v10;
	[tilespmem:s2+$0x210] =	vst v4;
	v4 =	vld [tilespmem:s31+$0xFFFFFFD0]  }
0x473: {  	v9 =	vmul.f32 $8.000000000e+00, v12;
	v10 =	vld [tilespmem:s9+$0x120]  }
0x474: {  	v7 =	vmul.f32 $8.000000000e+00, v7;
	v11 =	vld [tilespmem:s9+$0x220]  }
0x475: {  	v12 =	vld [tilespmem:s31+$0xFFFFFC30];
	v5 =	vmul.f32 $8.000000000e+00, v5  }
0x476: {  	v13 =	vld [tilespmem:s31+$0xFFFFFCB0];
	v8 =	vmul.f32 $8.000000000e+00, v8  }
0x477: {  	v14 =	vld [tilespmem:s31+$0xFFFFFD30];
	v4 =	vadd.f32 v4, v5  }
0x478: {  	v5 =	vld [tilespmem:s31+$0xFFFFFDB0];
	v10 =	vmul.f32 $8.000000000e+00, v10  }
0x479: {  	v15 =	vld [tilespmem:s31+$0xFFFFFE30];
	v11 =	vmul.f32 $8.000000000e+00, v11;
	[tilespmem:s2+$0x380] =	vst v4  }
0x47a: {  	v4 =	vadd.f32 v12, v6;
	v6 =	vld [tilespmem:s9+$0x390]  }
0x47b: {  	v3 =	vadd.f32 v13, v3;
	v12 =	vld [tilespmem:s31+$0xFFFFFEB0]  }
0x47c: {  	[tilespmem:s2+$0xFFFFFC20] =	vst v4;
	v4 =	vadd.f32 v14, v9;
	v9 =	vld [tilespmem:s31+$0xFFFFFFE0]  }
0x47d: {  	[tilespmem:s2+$0xFFFFFD20] =	vst v3;
	v3 =	vadd.f32 v5, v7;
	v5 =	vld [tilespmem:s31+$0xFFFFFF30]  }
0x47e: {  	v7 =	vld [tilespmem:s9+$0xFFFFFC30];
	[tilespmem:s2+$0xFFFFFE20] =	vst v4;
	v4 =	vadd.f32 v15, v8  }
0x47f: {  	v8 =	vld [tilespmem:s9+$0xFFFFFD30];
	[tilespmem:s2+$0xFFFFFF20] =	vst v3;
	v3 =	vmul.f32 $8.000000000e+00, v6  }
0x480: {  	v6 =	vld [tilespmem:s9+$0xFFFFFE30];
	[tilespmem:s2+$0x20] =	vst v4;
	v4 =	vadd.f32 v12, v10  }
0x481: {  	v10 =	vld [tilespmem:s9+$0xFFFFFF30];
	v3 =	vadd.f32 v9, v3  }
0x482: {  	v9 =	vld [tilespmem:s9+$0x30];
	[tilespmem:s2+$0x120] =	vst v4;
	v4 =	vadd.f32 v5, v11  }
0x483: {  	v5 =	vmul.f32 $8.000000000e+00, v7;
	v7 =	vld [tilespmem:s9+$0x130];
	[tilespmem:s2+$0x390] =	vst v3  }
0x484: {  	v3 =	vmul.f32 $8.000000000e+00, v8;
	[tilespmem:s2+$0x220] =	vst v4;
	v4 =	vld [tilespmem:s9+$0x3A0]  }
0x485: {  	v6 =	vmul.f32 $8.000000000e+00, v6;
	v8 =	vld [tilespmem:s9+$0x230]  }
0x486: {  	v10 =	vmul.f32 $8.000000000e+00, v10;
	v11 =	vld [tilespmem:s31+$0xFFFFFFF0]  }
0x487: {  	v12 =	vld [tilespmem:s31+$0xFFFFFC40];
	v9 =	vmul.f32 $8.000000000e+00, v9  }
0x488: {  	v13 =	vld [tilespmem:s31+$0xFFFFFCC0];
	v7 =	vmul.f32 $8.000000000e+00, v7  }
0x489: {  	v14 =	vld [tilespmem:s31+$0xFFFFFD40];
	v4 =	vmul.f32 $8.000000000e+00, v4  }
0x48a: {  	v15 =	vld [tilespmem:s31+$0xFFFFFDC0];
	v8 =	vmul.f32 $8.000000000e+00, v8  }
0x48b: {  	v16 =	vld [tilespmem:s31+$0xFFFFFE40];
	v4 =	vadd.f32 v11, v4  }
0x48c: {  	v5 =	vadd.f32 v12, v5;
	v11 =	vld [tilespmem:s31+$0xFFFFFEC0]  }
0x48d: {  	v3 =	vadd.f32 v13, v3;
	v12 =	vld [tilespmem:s31+$0xFFFFFF40];
	[tilespmem:s2+$0x3A0] =	vst v4  }
0x48e: {  	[tilespmem:s2+$0xFFFFFC30] =	vst v5;
	v4 =	vadd.f32 v14, v6;
	v5 =	vld [tilespmem:s9+$0x3B0]  }
0x48f: {  	v6 =	vld [tilespmem:s9+$0xFFFFFC80];
	[tilespmem:s2+$0xFFFFFD30] =	vst v3;
	v3 =	vadd.f32 v15, v10  }
0x490: {  	[tilespmem:s2+$0xFFFFFE30] =	vst v4;
	v4 =	vadd.f32 v16, v9;
	v9 =	vld [tilespmem:s31+$0x0]  }
0x491: {  	v10 =	vld [tilespmem:s9+$0xFFFFFD80];
	[tilespmem:s2+$0xFFFFFF30] =	vst v3;
	v3 =	vadd.f32 v11, v7  }
0x492: {  	v7 =	vld [tilespmem:s9+$0xFFFFFE80];
	[tilespmem:s2+$0x30] =	vst v4;
	v4 =	vadd.f32 v12, v8  }
0x493: {  	v8 =	vld [tilespmem:s9+$0xFFFFFF80];
	[tilespmem:s2+$0x130] =	vst v3;
	v3 =	vmul.f32 $8.000000000e+00, v5  }
0x494: {  	v5 =	vmul.f32 $8.000000000e+00, v6;
	v6 =	vld [tilespmem:s9+$0x80];
	[tilespmem:s2+$0x230] =	vst v4  }
0x495: {  	v4 =	vld [tilespmem:s9+$0x180];
	v3 =	vadd.f32 v9, v3  }
0x496: {  	v9 =	vmul.f32 $8.000000000e+00, v10;
	v10 =	vld [tilespmem:s9+$0x280]  }
0x497: {  	v11 =	vld [tilespmem:s31+$0xFFFFFC50];
	v7 =	vmul.f32 $8.000000000e+00, v7;
	[tilespmem:s2+$0x3B0] =	vst v3  }
0x498: {  	v3 =	vld [tilespmem:s31+$0xFFFFFCD0];
	v8 =	vmul.f32 $8.000000000e+00, v8  }
0x499: {  	v12 =	vld [tilespmem:s31+$0xFFFFFD50];
	v6 =	vmul.f32 $8.000000000e+00, v6  }
0x49a: {  	v13 =	vld [tilespmem:s31+$0xFFFFFDD0];
	v4 =	vmul.f32 $8.000000000e+00, v4  }
0x49b: {  	v14 =	vld [tilespmem:s31+$0xFFFFFE50];
	v10 =	vmul.f32 $8.000000000e+00, v10  }
0x49c: {  	v5 =	vadd.f32 v11, v5;
	v11 =	vld [tilespmem:s31+$0xFFFFFED0]  }
0x49d: {  	v3 =	vadd.f32 v3, v9;
	v9 =	vld [tilespmem:s31+$0xFFFFFF50]  }
0x49e: {  	[tilespmem:s2+$0xFFFFFC80] =	vst v5;
	v5 =	vadd.f32 v12, v7;
	v7 =	vld [tilespmem:s8+$0xFFFFFE80]  }
0x49f: {  	v12 =	vld [tilespmem:s9+$0xFFFFFC90];
	[tilespmem:s2+$0xFFFFFD80] =	vst v3;
	v3 =	vadd.f32 v13, v8  }
0x4a0: {  	v8 =	vld [tilespmem:s9+$0xFFFFFD90];
	[tilespmem:s2+$0xFFFFFE80] =	vst v5;
	v5 =	vadd.f32 v14, v6  }
0x4a1: {  	v6 =	vld [tilespmem:s9+$0xFFFFFE90];
	[tilespmem:s2+$0xFFFFFF80] =	vst v3;
	v3 =	vadd.f32 v11, v4  }
0x4a2: {  	v4 =	vld [tilespmem:s9+$0xFFFFFF90];
	[tilespmem:s2+$0x80] =	vst v5;
	v5 =	vadd.f32 v9, v10  }
0x4a3: {  	v9 =	vld [tilespmem:s9+$0x90];
	[tilespmem:s2+$0x180] =	vst v3;
	v2 =	vadd.f32 v7, v2  }
0x4a4: {  	v3 =	vmul.f32 $8.000000000e+00, v12;
	v7 =	vld [tilespmem:s9+$0x190];
	[tilespmem:s2+$0x280] =	vst v5  }
0x4a5: {  	v5 =	vmul.f32 $8.000000000e+00, v8;
	v8 =	vld [tilespmem:s9+$0x290];
	[tilespmem:s3+$0xB0] =	vst v2  }
0x4a6: {  	v2 =	vld [tilespmem:s31+$0xFFFFFC60];
	v6 =	vmul.f32 $8.000000000e+00, v6  }
0x4a7: {  	v10 =	vld [tilespmem:s31+$0xFFFFFCE0];
	v4 =	vmul.f32 $8.000000000e+00, v4  }
0x4a8: {  	v11 =	vld [tilespmem:s31+$0xFFFFFD60];
	v9 =	vmul.f32 $8.000000000e+00, v9  }
0x4a9: {  	v12 =	vld [tilespmem:s31+$0xFFFFFDE0];
	v7 =	vmul.f32 $8.000000000e+00, v7  }
0x4aa: {  	v13 =	vld [tilespmem:s31+$0xFFFFFE60];
	v8 =	vmul.f32 $8.000000000e+00, v8  }
0x4ab: {  	v2 =	vadd.f32 v2, v3;
	v3 =	vld [tilespmem:s31+$0xFFFFFEE0]  }
0x4ac: {  	v5 =	vadd.f32 v10, v5;
	v10 =	vld [tilespmem:s31+$0xFFFFFF60]  }
0x4ad: {  	[tilespmem:s2+$0xFFFFFC90] =	vst v2;
	v2 =	vadd.f32 v11, v6;
	v6 =	vld [tilespmem:s8+$0xFFFFFF00]  }
0x4ae: {  	v11 =	vld [tilespmem:s9+$0xFFFFFCA0];
	[tilespmem:s2+$0xFFFFFD90] =	vst v5;
	v4 =	vadd.f32 v12, v4  }
0x4af: {  	v5 =	vld [tilespmem:s9+$0xFFFFFDA0];
	[tilespmem:s2+$0xFFFFFE90] =	vst v2;
	v2 =	vadd.f32 v13, v9  }
0x4b0: {  	v9 =	vld [tilespmem:s9+$0xFFFFFEA0];
	[tilespmem:s2+$0xFFFFFF90] =	vst v4;
	v3 =	vadd.f32 v3, v7  }
0x4b1: {  	v4 =	vld [tilespmem:s9+$0xFFFFFFA0];
	[tilespmem:s2+$0x90] =	vst v2;
	v2 =	vadd.f32 v10, v8  }
0x4b2: {  	v7 =	vld [tilespmem:s9+$0xA0];
	[tilespmem:s2+$0x190] =	vst v3;
	v1 =	vadd.f32 v6, v1  }
0x4b3: {  	v3 =	vmul.f32 $8.000000000e+00, v11;
	v6 =	vld [tilespmem:s9+$0x1A0];
	[tilespmem:s2+$0x290] =	vst v2  }
0x4b4: {  	v2 =	vmul.f32 $8.000000000e+00, v5;
	v5 =	vld [tilespmem:s9+$0x2A0];
	[tilespmem:s3+$0x1B0] =	vst v1  }
0x4b5: {  	v1 =	vld [tilespmem:s31+$0xFFFFFC70];
	v8 =	vmul.f32 $8.000000000e+00, v9  }
0x4b6: {  	v9 =	vld [tilespmem:s31+$0xFFFFFCF0];
	v4 =	vmul.f32 $8.000000000e+00, v4  }
0x4b7: {  	v10 =	vld [tilespmem:s31+$0xFFFFFD70];
	v7 =	vmul.f32 $8.000000000e+00, v7  }
0x4b8: {  	v11 =	vld [tilespmem:s31+$0xFFFFFDF0];
	v6 =	vmul.f32 $8.000000000e+00, v6  }
0x4b9: {  	v12 =	vld [tilespmem:s31+$0xFFFFFE70];
	v5 =	vmul.f32 $8.000000000e+00, v5  }
0x4ba: {  	v1 =	vadd.f32 v1, v3;
	v3 =	vld [tilespmem:s31+$0xFFFFFEF0]  }
0x4bb: {  	v2 =	vadd.f32 v9, v2;
	v9 =	vld [tilespmem:s31+$0xFFFFFF70]  }
0x4bc: {  	[tilespmem:s2+$0xFFFFFCA0] =	vst v1;
	v1 =	vadd.f32 v10, v8;
	v8 =	vld [tilespmem:s8+$0xFFFFFF80];
	s8 =	smov.u32 s31  }
0x4bd: {  	v10 =	vld [tilespmem:s9+$0xFFFFFCB0];
	[tilespmem:s2+$0xFFFFFDA0] =	vst v2;
	v2 =	vadd.f32 v11, v4  }
0x4be: {  	v4 =	vld [tilespmem:s9+$0xFFFFFDB0];
	[tilespmem:s2+$0xFFFFFEA0] =	vst v1;
	v1 =	vadd.f32 v12, v7  }
0x4bf: {  	v11 =	vld [tilespmem:s9+$0xFFFFFEB0];
	[tilespmem:s2+$0xFFFFFFA0] =	vst v2;
	v2 =	vadd.f32 v3, v6  }
0x4c0: {  	v12 =	vld [tilespmem:s9+$0xFFFFFFB0];
	[tilespmem:s2+$0xA0] =	vst v1;
	v1 =	vadd.f32 v9, v5  }
0x4c1: {  	v13 =	vld [tilespmem:s9+$0xB0];
	[tilespmem:s2+$0x1A0] =	vst v2;
	v2 =	vadd.f32 v8, v0  }
0x4c2: {  	v5 =	vmul.f32 $8.000000000e+00, v10;
	v14 =	vld [tilespmem:s9+$0x1B0];
	[tilespmem:s2+$0x2A0] =	vst v1  }
.Ltmp7:
0x4c3: {  	v3 =	vmul.f32 $8.000000000e+00, v4;
	v0 =	vld [tilespmem:s9+$0x2B0];
	[tilespmem:s3+$0x2B0] =	vst v2;
	s3 =	smov.u32 s2;
	(pc) =	sbr.rel @p1 .LBB2_13-.Ltmp7, $4  }
0x4c4: {  	v7 =	vld [tilespmem:s31+$0xFFFFFC80];
	v6 =	vmul.f32 $8.000000000e+00, v11  }
0x4c5: {  	v8 =	vld [tilespmem:s31+$0xFFFFFD00];
	v4 =	vmul.f32 $8.000000000e+00, v12  }
0x4c6: {  	v9 =	vld [tilespmem:s31+$0xFFFFFD80];
	v2 =	vmul.f32 $8.000000000e+00, v13  }
0x4c7: {  	s9 =	sadd.s32 $0x800, s9;
	v10 =	vld [tilespmem:s31+$0xFFFFFE00];
	v1 =	vmul.f32 $8.000000000e+00, v14  }
0x4c8: {  	v11 =	vld [tilespmem:s8+$0xFFFFFE80]  }
0x4c9: {  	v60 =	vld [tilespmem:s8+$0xFFFFFF00];
	v5 =	vadd.f32 v7, v5  }
0x4ca: {  	v61 =	vld [tilespmem:s8+$0xFFFFFF80];
	v3 =	vadd.f32 v8, v3  }
0x4cb: {  	[tilespmem:s2+$0xFFFFFCB0] =	vst v5;
	v62 =	vadd.f32 v9, v6  }
0x4cc: {  	[tilespmem:s2+$0xFFFFFDB0] =	vst v3;
	v63 =	vadd.f32 v10, v4  }
0x4cd: {  	v0 =	vmul.f32 $8.000000000e+00, v0;
	s0 =	smul.u32 $0x6400, s0;
	[tilespmem:s2+$0xFFFFFEB0] =	vst v62;
	v2 =	vadd.f32 v11, v2  }
.Ltmp8:
0x4ce: {  	v1 =	vadd.f32 v60, v1;
	[tilespmem:s2+$0xFFFFFFB0] =	vst v63;
	(pc) =	sbr.rel @p0 .LBB2_16-.Ltmp8, $4  }
0x4cf: {  	s0 =	sshrl.u32 s0, $0x3;
	v0 =	vadd.f32 v61, v0;
	[tilespmem:s3+$0xB0] =	vst v2  }
0x4d0: {  	s0 =	sadd.s32 s11, s0;
	[tilespmem:s3+$0x1B0] =	vst v1  }
0x4d1: {  	s1 =	simm.s32 $0x19A00;
	s0 =	sadd.s32 $0x680, s0;
	[tilespmem:s3+$0x2B0] =	vst v0  }
0x4d2: {  	[hbm4b:s0+s10] =	stream.linear.scatter [tilespmem:s1], [sflag:$0x6], $0x3000, $0x38;
	[tilespmem:$0x1CE00] =	vst v63  }
.Ltmp9:
0x4d3: {  	(pc) =	sbr.rel .LBB2_2-.Ltmp9, $4  }
0x4d4: {  	s0 =	sadd.s32 $0x3458, s4  }
0x4d5: {  	s1 =	simm.s32 $0x68;
	s2 =	simm.s32 $0xFE00;
	s12 =	rddreg [dreg:$0xf]  }
0x4d6: {  	[tilespmem:s2], [sflag:$0x3] =	stream.indirect.gather [hbm4b:s6+s1], $0x80, s0, s1, $0xb8;
	[tilespmem:$0x1CE00] =	vst v63  }
0x4d7: {  	s12 =	sadd.s32 $0x1, s12  }
.LBB2_17:
0x4d8: {  	_ =	sfence.sel $0x180000  }
0x4d9: {  	[bflag:$0x0] =	sbarrier.arrive $0xFFFF  }
0x4da: {  	_ =	strace $0x90000047  }
0x4db: {  	s0 =	stileid.u32;
	[bflag:$0x2] =	sbarrier.arrive $0xFFFF  }
0x4dc: {  	p0 =	sne.s32 s0, $0x0;
	s0 =	rddreg [dreg:$0x4]  }
0x4dd: {  	s0 =	sadd.s32 @!p0 $0x100000, s0  }
0x4de: {  	[sflag:s0] =	ssyncadd.tile.s32 @!p0 $0x1;
	_ =	shalt  }
.Lfunc_end2:
_tile_overlayer_lowered:
.L_overlay_start_2:
0x4df: {  	(tag) =	ssettag $0x2  }
0x4e0: {  	s0 =	rddreg [dreg:$0x0];
	s2 =	stileid.u32  }
0x4e1: {  	s1 =	rddreg [dreg:$0x1];
	p0 =	sne.s32 s2, $0x0  }
0x4e2: {  	s3 =	rddreg [dreg:$0x2];
	[bflag:$0x3] =	sbarrier.arrive $0xFFFF;
	s2 =	simm.s32 @!p0 $0x1C07  }
0x4e3: {  	[timem:s3], [sflag:s2] =	dma.local @!p0 [hbm:s0], s1  }
0x4e4: {  	s0 =	simm.s32 @!p0 $0x7  }
0x4e5: {  	_ =	swait.ge @!p0 [sflag:s0], s1  }
0x4e6: {  	s1 =	ssub.s32 @!p0 $0x0, s1;
	[sflag:s0] =	ssyncset.done @!p0 $0x0  }
0x4e7: {  	[sflag:s0] =	ssyncadd.s32 @!p0 s1  }
0x4e8: {  	[bflag:$0x3] =	sbarrier.arrive $0xFFFF  }
0x4e9: {  	_ =	shalt  }

</sc_bundles>
